<compile_context>
chip_gen: v7x
topology: tpu7x:2x2x1
jax: 0.10.2.dev20260603
libtpu: 0.0.44.dev20260713+nightly
codegen_flags: <defaults>
</compile_context>

<pallas_src>
import functools

import jax
import jax.numpy as jnp
from jax import lax
from jax.experimental import pallas as pl
from jax.experimental.pallas import tpu as pltpu
from jax.experimental.pallas import tpu_sc as plsc

_NC = 2
_NS = 16
_NW = _NC * _NS
_K = 16
_INF = 3.0e38

_LEVELS = [
    (1024, 1024, 32, 64),
    (1024, 512, 64, 128),
    (512, 256, 128, 256),
    (256, 128, 256, 512),
]


def _pad128(c):
    return max(128, c)



def _prep_body(N, x_ref, xT_ref, wle_ref, feat_ref, i1_ref):
    b = pl.program_id(0)
    xyz = x_ref[0]
    xyzT = xT_ref[0]

    feat_ref[0] = jax.nn.gelu(
        jnp.dot(xyz, wle_ref[...], preferred_element_type=jnp.float32))

    n_pt = jnp.sum(xyz * xyz, axis=1, keepdims=True)
    n_ct = jnp.sum(xyzT * xyzT, axis=0, keepdims=True)

    for (n, s, _, _), out_ref in zip((_LEVELS[0],), (i1_ref,)):
        cross = jnp.dot(xyz[:n, :], xyzT[:, :s],
                        preferred_element_type=jnp.float32)
        d2 = n_ct[:, :s] + n_pt[:n, :] - 2.0 * cross
        iota_n = lax.broadcasted_iota(jnp.int32, (n, s), 0)
        rows = []
        for _ in range(_K):
            m = jnp.min(d2, axis=0, keepdims=True)
            am = jnp.min(jnp.where(d2 <= m, iota_n, n), axis=0,
                         keepdims=True)
            rows.append(am)
            d2 = jnp.where(iota_n == am, _INF, d2)
        out_ref[0] = jnp.concatenate(rows, axis=0) + b * n


def _prep34_body(x_ref, xT_ref, i3_ref, i4_ref):
    b = pl.program_id(0)
    xyz = x_ref[0]
    xyzT = xT_ref[0]
    n_pt = jnp.sum(xyz * xyz, axis=1, keepdims=True)
    n_ct = jnp.sum(xyzT * xyzT, axis=0, keepdims=True)
    for (n, s, _, _), out_ref in zip((_LEVELS[2], _LEVELS[3]),
                                     (i3_ref, i4_ref)):
        cross = jnp.dot(xyz[:n, :], xyzT[:, :s],
                        preferred_element_type=jnp.float32)
        d2 = n_ct[:, :s] + n_pt[:n, :] - 2.0 * cross
        iota_n = lax.broadcasted_iota(jnp.int32, (n, s), 0)
        rows = []
        for _ in range(_K):
            m = jnp.min(d2, axis=0, keepdims=True)
            am = jnp.min(jnp.where(d2 <= m, iota_n, n), axis=0,
                         keepdims=True)
            rows.append(am)
            d2 = jnp.where(iota_n == am, _INF, d2)
        out_ref[0] = jnp.concatenate(rows, axis=0) + b * n


def _make_prep34(B):
    return pl.pallas_call(
        _prep34_body,
        grid=(B,),
        in_specs=[
            pl.BlockSpec((1, 512, 3), lambda b: (b, 0, 0)),
            pl.BlockSpec((1, 3, 512), lambda b: (b, 0, 0)),
        ],
        out_specs=[
            pl.BlockSpec((1, _K, s), lambda b, _s=s: (b, 0, 0))
            for (_, s, _, _) in (_LEVELS[2], _LEVELS[3])
        ],
        out_shape=[
            jax.ShapeDtypeStruct((B, _K, s), jnp.int32)
            for (_, s, _, _) in (_LEVELS[2], _LEVELS[3])
        ],
    )


def _make_prep(B, N):
    return pl.pallas_call(
        functools.partial(_prep_body, N),
        grid=(B,),
        in_specs=[
            pl.BlockSpec((1, N, 3), lambda b: (b, 0, 0)),
            pl.BlockSpec((1, 3, N), lambda b: (b, 0, 0)),
            pl.BlockSpec((3, 128), lambda b: (0, 0)),
        ],
        out_specs=[
            pl.BlockSpec((1, N, 128), lambda b: (b, 0, 0)),
            pl.BlockSpec((1, _K, N), lambda b: (b, 0, 0)),
        ],
        out_shape=[
            jax.ShapeDtypeStruct((B, N, 128), jnp.float32),
            jax.ShapeDtypeStruct((B, _K, N), jnp.int32),
        ],
    )



def _make_sc_gather(B, R, NR, C):
    rpw = NR // _NW
    rc = 128
    while rpw % rc:
        rc //= 2
    nchunks = rpw // rc
    assert nchunks % 2 == 0 and _NW % B == 0 and C % 128 == 0
    wpb = _NW // B
    rpb = NR // B
    mesh = plsc.VectorSubcoreMesh(core_axis_name="c", subcore_axis_name="s")

    @functools.partial(
        pl.kernel,
        out_type=jax.ShapeDtypeStruct((B, rpb, C), jnp.float32),
        mesh=mesh,
        scratch_types=[
            pltpu.VMEM((rpw,), jnp.int32),
            pltpu.VMEM((rc, C), jnp.float32),
            pltpu.VMEM((rc, C), jnp.float32),
            pltpu.SemaphoreType.DMA,
            pltpu.SemaphoreType.DMA,
        ],
    )
    def sck(table_hbm, idx_hbm, out_hbm, idx_v, rows0_v, rows1_v,
            sem0, sem1):
        wid = lax.axis_index("s") * _NC + lax.axis_index("c")
        base_r = wid * rpw
        bat = wid // wpb
        base_in_b = (wid % wpb) * rpw
        bufs = (rows0_v, rows1_v)
        sems = (sem0, sem1)

        pltpu.sync_copy(idx_hbm.at[pl.ds(base_r, rpw)], idx_v)
        pltpu.async_copy(
            table_hbm.at[idx_v.at[pl.ds(0, rc)]], rows0_v, sem0)

        def pair(i, carry):
            for j in range(2):
                cur = i * 2 + j
                nxt = cur + 1

                @pl.when(nxt < nchunks)
                def _():
                    pltpu.async_copy(
                        table_hbm.at[idx_v.at[pl.ds(nxt * rc, rc)]],
                        bufs[1 - j], sems[1 - j])

                pltpu.make_async_copy(
                    table_hbm.at[idx_v.at[pl.ds(cur * rc, rc)]],
                    bufs[j], sems[j]).wait()
                pltpu.sync_copy(
                    bufs[j],
                    out_hbm.at[bat, pl.ds(base_in_b + cur * rc, rc)])
            return carry

        lax.fori_loop(0, nchunks // 2, pair, 0)

    return sck



def _conv_body(S, C, CT, gath_ref, cent_ref, w_ref, out_ref):
    gath = jnp.reshape(gath_ref[0], (_K, S, CT))[:, :, :C]
    cent = cent_ref[0][:S, :C]
    edge = jnp.concatenate([gath, gath - cent[None, :, :]], axis=-1)
    edge2 = jnp.reshape(edge, (_K * S, 2 * C))
    t = jnp.dot(edge2, w_ref[...], preferred_element_type=jnp.float32)
    t3 = jnp.reshape(t, (_K, S, t.shape[-1]))
    out_ref[0] = jax.nn.gelu(jnp.max(t3, axis=0))


def _make_conv(B, N, S, C, CT, D, DT):
    return pl.pallas_call(
        functools.partial(_conv_body, S, C, CT),
        grid=(B,),
        in_specs=[
            pl.BlockSpec((1, _K * S, CT), lambda b: (b, 0, 0)),
            pl.BlockSpec((1, N, CT), lambda b: (b, 0, 0)),
            pl.BlockSpec((2 * C, DT), lambda b: (0, 0)),
        ],
        out_specs=pl.BlockSpec((1, S, DT), lambda b: (b, 0, 0)),
        out_shape=jax.ShapeDtypeStruct((B, S, DT), jnp.float32),
    )



def _conv_tail_body(S, C, gath_ref, cent_ref, w_ref, wlast_ref, wlin1_ref,
                    bng_ref, bnb_ref, wlin2_ref, blin2_ref, out_ref):
    gath = jnp.reshape(gath_ref[0], (_K, S, C))
    cent = cent_ref[0][:S, :]
    edge = jnp.concatenate([gath, gath - cent[None, :, :]], axis=-1)
    edge2 = jnp.reshape(edge, (_K * S, 2 * C))
    t = jnp.dot(edge2, w_ref[...], preferred_element_type=jnp.float32)
    t3 = jnp.reshape(t, (_K, S, t.shape[-1]))
    f4 = jax.nn.gelu(jnp.max(t3, axis=0))

    h = jax.nn.gelu(jnp.dot(f4, wlast_ref[...],
                            preferred_element_type=jnp.float32))
    hmax = jnp.max(h, axis=0, keepdims=True)
    havg = jnp.mean(h, axis=0, keepdims=True)
    g = jnp.concatenate([hmax, havg], axis=-1)
    g = jnp.dot(g, wlin1_ref[...], preferred_element_type=jnp.float32)
    g = g * bng_ref[...] + bnb_ref[...]
    g = jax.nn.gelu(g)
    out_ref[0] = (jnp.dot(g, wlin2_ref[...],
                          preferred_element_type=jnp.float32)
                  + blin2_ref[...])


def _make_conv_tail(B, N, S, C):
    return pl.pallas_call(
        functools.partial(_conv_tail_body, S, C),
        grid=(B,),
        in_specs=[
            pl.BlockSpec((1, _K * S, C), lambda b: (b, 0, 0)),
            pl.BlockSpec((1, N, C), lambda b: (b, 0, 0)),
            pl.BlockSpec((2 * C, 512), lambda b: (0, 0)),
            pl.BlockSpec((512, 1024), lambda b: (0, 0)),
            pl.BlockSpec((2048, 512), lambda b: (0, 0)),
            pl.BlockSpec((1, 512), lambda b: (0, 0)),
            pl.BlockSpec((1, 512), lambda b: (0, 0)),
            pl.BlockSpec((512, 40), lambda b: (0, 0)),
            pl.BlockSpec((1, 40), lambda b: (0, 0)),
        ],
        out_specs=pl.BlockSpec((1, 1, 40), lambda b: (b, 0, 0)),
        out_shape=jax.ShapeDtypeStruct((B, 1, 40), jnp.float32),
    )



def kernel(x, W_le, W1, W2, W3, W4, W_last, W_lin1, bn_g, bn_b,
           W_lin2, b_lin2):
    B, N, _ = x.shape
    f32 = jnp.float32

    xT = jnp.transpose(x, (0, 2, 1))
    wle_p = jnp.zeros((3, 128), f32).at[:, :32].set(W_le)
    w1_p = jnp.zeros((64, 128), f32).at[:, :64].set(W1)

    feat, i1 = _make_prep(B, N)(x, xT, wle_p)
    i2 = i1[:, :, :512]
    ws = (w1_p, W2, W3, W4)

    idxs = [i1, i2, None, None]
    for li, (n, s, c, d) in enumerate(_LEVELS[:3]):
        ct = _pad128(c)
        dt = _pad128(d)
        gath = _make_sc_gather(B, B * n, B * s * _K, ct)(
            jnp.reshape(feat, (B * n, ct)),
            jnp.reshape(idxs[li], (B * s * _K,)))
        if li == 0:
            i3, i4 = _make_prep34(B)(x[:, :512, :], xT[:, :, :512])
            idxs[2], idxs[3] = i3, i4
        feat = _make_conv(B, n, s, c, ct, d, dt)(gath, feat, ws[li])

    n, s, c, d = _LEVELS[3]
    gath = _make_sc_gather(B, B * n, B * s * _K, c)(
        jnp.reshape(feat, (B * n, c)),
        jnp.reshape(idxs[3], (B * s * _K,)))
    out = _make_conv_tail(B, n, s, c)(
        gath, feat, W4, W_last, W_lin1,
        jnp.reshape(bn_g, (1, -1)), jnp.reshape(bn_b, (1, -1)),
        W_lin2, jnp.reshape(b_lin2, (1, -1)))
    return jnp.reshape(out, (B, 40))

# --- scband reference (transcript-rebuilt; emitter-appended) ---
"""Pipeline reference for scband-model-7232724926613 (READ-ONLY COPY).

The authoritative reference and input builder live on the scoring server;
editing this copy changes nothing except your own understanding.
"""

import jax, jax.numpy as jnp
import numpy as np

K_NEIGH = 16

def _diffconv(feat, xyz, sample_num, W):
    # Reconstructed diffConv: subsample points, kNN ball-style grouping,
    # edge feature = [neighbor_feat, neighbor_feat - center_feat], linear, max-pool, GELU.
    new_xyz = xyz[:, :sample_num]
    center_feat = feat[:, :sample_num]
    d2 = (jnp.sum(new_xyz ** 2, axis=-1)[:, :, None]
          + jnp.sum(xyz ** 2, axis=-1)[:, None, :]
          - 2.0 * jnp.einsum('bsc,bnc->bsn', new_xyz, xyz))
    _, idx = jax.lax.top_k(-d2, K_NEIGH)  # [B, S, K] nearest neighbors
    gathered = jax.vmap(lambda f, i: f[i])(feat, idx)  # [B, S, K, C]
    edge = jnp.concatenate([gathered, gathered - center_feat[:, :, None, :]], axis=-1)
    out = jnp.einsum('bskc,cd->bskd', edge, W)
    out = jax.nn.gelu(jnp.max(out, axis=2))
    return out, new_xyz

def _forward(x, W_le, W1, W2, W3, W4, W_last, W_lin1, bn_g, bn_b, W_lin2, b_lin2):
    xyz = x
    n = x.shape[1]
    feat = jax.nn.gelu(jnp.einsum('bnc,cd->bnd', x, W_le))
    f1, x1 = _diffconv(feat, xyz, n, W1)
    f2, x2 = _diffconv(f1, x1, n // 2, W2)
    f3, x3 = _diffconv(f2, x2, n // 4, W3)
    f4, _ = _diffconv(f3, x3, n // 8, W4)
    h = jax.nn.gelu(jnp.einsum('bnc,cd->bnd', f4, W_last))
    hmax = jnp.max(h, axis=1)
    havg = jnp.mean(h, axis=1)
    g = jnp.concatenate([hmax, havg], axis=-1)
    g = g @ W_lin1
    g = g * bn_g + bn_b  # BatchNorm1d eval-mode affine (running stats = identity)
    g = jax.nn.gelu(g)   # dropout is identity in eval
    return g @ W_lin2 + b_lin2

def setup_inputs(seed: int = 0):
    key = jax.random.key(seed)
    ks = jax.random.split(key, 12)
    B, N = 16, 1024
    def w(k, shape, fan_in):
        return (jax.random.normal(k, shape, jnp.float32) / np.sqrt(fan_in)).astype(jnp.float32)
    return {
        'x': jax.random.normal(ks[0], (B, N, 3), jnp.float32),
        'W_le': w(ks[1], (3, 32), 3),
        'W1': w(ks[2], (64, 64), 64),
        'W2': w(ks[3], (128, 128), 128),
        'W3': w(ks[4], (256, 256), 256),
        'W4': w(ks[5], (512, 512), 512),
        'W_last': w(ks[6], (512, 1024), 512),
        'W_lin1': w(ks[7], (2048, 512), 2048),
        'bn_g': jnp.ones((512,), jnp.float32),
        'bn_b': jnp.zeros((512,), jnp.float32),
        'W_lin2': w(ks[8], (512, 40), 512),
        'b_lin2': jnp.zeros((40,), jnp.float32),
    }

def reference(x, W_le, W1, W2, W3, W4, W_last, W_lin1, bn_g, bn_b, W_lin2, b_lin2):
    return _forward(x, W_le, W1, W2, W3, W4, W_last, W_lin1, bn_g, bn_b, W_lin2, b_lin2)

if __name__ == "__main__":
    import jax
    _d = setup_inputs()
    print(jax.jit(kernel)(*tuple(_d.values())))

</pallas_src>

<mosaic_0001>
#map = affine_map<(d0, d1) -> (0, 0)>
#map1 = affine_map<(d0, d1) -> (0)>
#map2 = affine_map<(d0, d1) -> (0, 0, 0)>
module attributes {stable_mosaic.version = 14 : i64} {
  func.func @sck(%arg0: i32, %arg1: i32, %arg2: memref<16384x128xf32, #tpu.memory_space<hbm>>, %arg3: memref<131072xi32, #tpu.memory_space<hbm>>, %arg4: memref<16x8192x128xf32, #tpu.memory_space<hbm>>, %arg5: memref<4096xi32, #tpu.memory_space<vmem>>, %arg6: memref<128x128xf32, #tpu.memory_space<vmem>>, %arg7: memref<128x128xf32, #tpu.memory_space<vmem>>, %arg8: memref<!tpu.dma_semaphore, #tpu.memory_space<semaphore_mem>>, %arg9: memref<!tpu.dma_semaphore, #tpu.memory_space<semaphore_mem>>) attributes {dimension_semantics = [#tpu.dimension_semantics<core_parallel>, #tpu.dimension_semantics<subcore_parallel>], iteration_bounds = array<i64: 2, 16>, scalar_prefetch = 0 : i64, scratch_operands = 5 : i64, tpu.core_type = #tpu.core_type<sc_vector_subcore>, window_params = [{transform_indices = #map}, {transform_indices = #map1}, {transform_indices = #map2}]} {
    %mul3A = arith.constant 2 : i32
    %mul3A_0 = arith.muli %arg1, %mul3A : i32
    %add3A = arith.addi %mul3A_0, %arg0 : i32
    %mul3A_1 = arith.constant 4096 : i32
    %mul3A_2 = arith.muli %add3A, %mul3A_1 : i32
    %jit3A = arith.constant 2 : i32
    %div3A = arith.divsi %add3A, %jit3A : i32
    %sign3A = arith.constant 0 : i32
    %sign3A_3 = arith.cmpi sgt, %add3A, %sign3A : i32
    %sign3A_4 = arith.extui %sign3A_3 : i1 to i32
    %sign3A_5 = arith.constant 0 : i32
    %sign3A_6 = arith.cmpi slt, %add3A, %sign3A_5 : i32
    %sign3A_7 = arith.extui %sign3A_6 : i1 to i32
    %sign3A_8 = arith.subi %sign3A_4, %sign3A_7 : i32
    %sign3A_9 = arith.constant 0 : i32
    %sign3A_10 = arith.cmpi sgt, %jit3A, %sign3A_9 : i32
    %sign3A_11 = arith.extui %sign3A_10 : i1 to i32
    %sign3A_12 = arith.constant 0 : i32
    %sign3A_13 = arith.cmpi slt, %jit3A, %sign3A_12 : i32
    %sign3A_14 = arith.extui %sign3A_13 : i1 to i32
    %sign3A_15 = arith.subi %sign3A_11, %sign3A_14 : i32
    %ne3A = arith.cmpi ne, %sign3A_8, %sign3A_15 : i32
    %rem3A = arith.remsi %add3A, %jit3A : i32
    %ne3A_16 = arith.constant 0 : i32
    %ne3A_17 = arith.cmpi ne, %rem3A, %ne3A_16 : i32
    %and3A = arith.andi %ne3A, %ne3A_17 : i1
    %sub3A = arith.constant 1 : i32
    %sub3A_18 = arith.subi %div3A, %sub3A : i32
    %select_n3A = arith.select %and3A, %sub3A_18, %div3A : i32
    %jit3A_19 = arith.constant 2 : i32
    %eq3A = arith.constant 0 : i32
    %eq3A_20 = arith.cmpi eq, %jit3A_19, %eq3A : i32
    %jit3A_21 = arith.constant 1 : i32
    %select_n3A_22 = arith.select %eq3A_20, %jit3A_21, %jit3A_19 : i32
    %rem3A_23 = arith.remsi %add3A, %select_n3A_22 : i32
    %ne3A_24 = arith.constant 0 : i32
    %ne3A_25 = arith.cmpi ne, %rem3A_23, %ne3A_24 : i32
    %lt3A = arith.constant 0 : i32
    %lt3A_26 = arith.cmpi slt, %rem3A_23, %lt3A : i32
    %lt3A_27 = arith.constant 0 : i32
    %lt3A_28 = arith.cmpi slt, %select_n3A_22, %lt3A_27 : i32
    %ne3A_29 = arith.xori %lt3A_26, %lt3A_28 : i1
    %and3A_30 = arith.andi %ne3A_29, %ne3A_25 : i1
    %add3A_31 = arith.addi %rem3A_23, %select_n3A_22 : i32
    %select_n3A_32 = arith.select %and3A_30, %add3A_31, %rem3A_23 : i32
    %mul3A_33 = arith.constant 4096 : i32
    %mul3A_34 = arith.muli %select_n3A_32, %mul3A_33 : i32
    "tpu.region"() ({
      %run_scoped3A = tpu.sem_alloc : memref<!tpu.dma_semaphore, #tpu.memory_space<semaphore_mem>>
      %dma_start3A_44 = tpu.memref_slice %arg3[%mul3A_2] : memref<131072xi32, #tpu.memory_space<hbm>> -> memref<4096xi32, #tpu.memory_space<hbm>>
      %dma_start3A_45 = tpu.memref_slice %arg3[%mul3A_2] : memref<131072xi32, #tpu.memory_space<hbm>> -> memref<4096xi32, #tpu.memory_space<hbm>>
      tpu.enqueue_dma source(%dma_start3A_45 : memref<4096xi32, #tpu.memory_space<hbm>>) target(%arg5 : memref<4096xi32, #tpu.memory_space<vmem>>) target_semaphore(%run_scoped3A : memref<!tpu.dma_semaphore, #tpu.memory_space<semaphore_mem>>)
      %dma_wait3A = tpu.memref_slice %arg3[%mul3A_2] : memref<131072xi32, #tpu.memory_space<hbm>> -> memref<4096xi32, #tpu.memory_space<hbm>>
      %dma_wait3A_46 = tpu.memref_slice %arg3[%mul3A_2] : memref<131072xi32, #tpu.memory_space<hbm>> -> memref<4096xi32, #tpu.memory_space<hbm>>
      tpu.wait_dma2 semaphore(%run_scoped3A : memref<!tpu.dma_semaphore, #tpu.memory_space<semaphore_mem>>) src(%dma_wait3A_46 : memref<4096xi32, #tpu.memory_space<hbm>>) dst(%arg5 : memref<4096xi32, #tpu.memory_space<vmem>>)
      tpu.yield
    }) : () -> ()
    %dma_start3A = arith.constant 0 : i32
    %dma_start3A_35 = tpu.memref_slice %arg5[%dma_start3A] : memref<4096xi32, #tpu.memory_space<vmem>> -> memref<128xi32, #tpu.memory_space<vmem>>
    %dma_start3A_36 = arith.constant 0 : i32
    %dma_start3A_37 = arith.constant 0 : i32
    %dma_start3A_38 = tpu.memref_slice %arg2[%dma_start3A_36, %dma_start3A_37] : memref<16384x128xf32, #tpu.memory_space<hbm>> -> memref<16384x128xf32, #tpu.memory_space<hbm>>
    tpu.enqueue_indirect_dma source(%dma_start3A_38 : memref<16384x128xf32, #tpu.memory_space<hbm>>) target(%arg6 : memref<128x128xf32, #tpu.memory_space<vmem>>) offsets(%dma_start3A_35 : memref<128xi32, #tpu.memory_space<vmem>>) semaphore(%arg8 : memref<!tpu.dma_semaphore, #tpu.memory_space<semaphore_mem>>)
    %scan3A = arith.constant 0 : i32
    %scan3A_39 = arith.constant 0 : i32
    %scan3A_40 = arith.constant 16 : i32
    %scan3A_41 = arith.addi %scan3A_39, %scan3A_40 : i32
    %scan3A_42 = arith.constant 1 : i32
    scf.for %scan3A_44 = %scan3A_39 to %scan3A_41 step %scan3A_42  : i32 {
      %mul3A_45 = arith.constant 2 : i32
      %mul3A_46 = arith.muli %scan3A_44, %mul3A_45 : i32
      %add3A_47 = arith.constant 0 : i32
      %add3A_48 = arith.addi %mul3A_46, %add3A_47 : i32
      %add3A_49 = arith.constant 1 : i32
      %add3A_50 = arith.addi %add3A_48, %add3A_49 : i32
      %lt3A_51 = arith.constant 32 : i32
      %lt3A_52 = arith.cmpi slt, %add3A_50, %lt3A_51 : i32
      %convert_element_type3A = arith.extui %lt3A_52 : i1 to i32
      %cond3A = arith.constant 0 : i32
      %cond3A_53 = arith.cmpi ne, %convert_element_type3A, %cond3A : i32
      scf.if %cond3A_53 {
        %mul3A_82 = arith.constant 128 : i32
        %mul3A_83 = arith.muli %add3A_50, %mul3A_82 : i32
        %dma_start3A_84 = tpu.memref_slice %arg5[%mul3A_83] : memref<4096xi32, #tpu.memory_space<vmem>> -> memref<128xi32, #tpu.memory_space<vmem>>
        %dma_start3A_85 = arith.constant 0 : i32
        %dma_start3A_86 = arith.constant 0 : i32
        %dma_start3A_87 = tpu.memref_slice %arg2[%dma_start3A_85, %dma_start3A_86] : memref<16384x128xf32, #tpu.memory_space<hbm>> -> memref<16384x128xf32, #tpu.memory_space<hbm>>
        tpu.enqueue_indirect_dma source(%dma_start3A_87 : memref<16384x128xf32, #tpu.memory_space<hbm>>) target(%arg7 : memref<128x128xf32, #tpu.memory_space<vmem>>) offsets(%dma_start3A_84 : memref<128xi32, #tpu.memory_space<vmem>>) semaphore(%arg9 : memref<!tpu.dma_semaphore, #tpu.memory_space<semaphore_mem>>)
      } else {
      }
      %mul3A_54 = arith.constant 128 : i32
      %mul3A_55 = arith.muli %add3A_48, %mul3A_54 : i32
      %dma_wait3A = tpu.memref_slice %arg5[%mul3A_55] : memref<4096xi32, #tpu.memory_space<vmem>> -> memref<128xi32, #tpu.memory_space<vmem>>
      %dma_wait3A_56 = arith.constant 0 : i32
      %dma_wait3A_57 = arith.constant 0 : i32
      %dma_wait3A_58 = tpu.memref_slice %arg2[%dma_wait3A_56, %dma_wait3A_57] : memref<16384x128xf32, #tpu.memory_space<hbm>> -> memref<16384x128xf32, #tpu.memory_space<hbm>>
      tpu.wait_indirect_dma semaphore(%arg8 : memref<!tpu.dma_semaphore, #tpu.memory_space<semaphore_mem>>) src(%dma_wait3A_58 : memref<16384x128xf32, #tpu.memory_space<hbm>>) dst(%arg6 : memref<128x128xf32, #tpu.memory_space<vmem>>)
      %mul3A_59 = arith.constant 128 : i32
      %mul3A_60 = arith.muli %add3A_48, %mul3A_59 : i32
      %add3A_61 = arith.addi %mul3A_34, %mul3A_60 : i32
      "tpu.region"() ({
        %run_scoped3A = tpu.sem_alloc : memref<!tpu.dma_semaphore, #tpu.memory_space<semaphore_mem>>
        %dma_start3A_82 = arith.constant 0 : i32
        %dma_start3A_83 = tpu.memref_slice %arg4[%select_n3A, %add3A_61, %dma_start3A_82] : memref<16x8192x128xf32, #tpu.memory_space<hbm>> -> memref<1x128x128xf32, #tpu.memory_space<hbm>>
        %dma_start3A_84 = tpu.memref_squeeze %dma_start3A_83 : memref<1x128x128xf32, #tpu.memory_space<hbm>> -> memref<128x128xf32, #tpu.memory_space<hbm>>
        %dma_start3A_85 = arith.constant 0 : i32
        %dma_start3A_86 = tpu.memref_slice %arg4[%select_n3A, %add3A_61, %dma_start3A_85] : memref<16x8192x128xf32, #tpu.memory_space<hbm>> -> memref<1x128x128xf32, #tpu.memory_space<hbm>>
        %dma_start3A_87 = tpu.memref_squeeze %dma_start3A_86 : memref<1x128x128xf32, #tpu.memory_space<hbm>> -> memref<128x128xf32, #tpu.memory_space<hbm>>
        tpu.enqueue_dma source(%arg6 : memref<128x128xf32, #tpu.memory_space<vmem>>) target(%dma_start3A_87 : memref<128x128xf32, #tpu.memory_space<hbm>>) target_semaphore(%run_scoped3A : memref<!tpu.dma_semaphore, #tpu.memory_space<semaphore_mem>>)
        %dma_wait3A_88 = arith.constant 0 : i32
        %dma_wait3A_89 = tpu.memref_slice %arg4[%select_n3A, %add3A_61, %dma_wait3A_88] : memref<16x8192x128xf32, #tpu.memory_space<hbm>> -> memref<1x128x128xf32, #tpu.memory_space<hbm>>
        %dma_wait3A_90 = tpu.memref_squeeze %dma_wait3A_89 : memref<1x128x128xf32, #tpu.memory_space<hbm>> -> memref<128x128xf32, #tpu.memory_space<hbm>>
        %dma_wait3A_91 = arith.constant 0 : i32
        %dma_wait3A_92 = tpu.memref_slice %arg4[%select_n3A, %add3A_61, %dma_wait3A_91] : memref<16x8192x128xf32, #tpu.memory_space<hbm>> -> memref<1x128x128xf32, #tpu.memory_space<hbm>>
        %dma_wait3A_93 = tpu.memref_squeeze %dma_wait3A_92 : memref<1x128x128xf32, #tpu.memory_space<hbm>> -> memref<128x128xf32, #tpu.memory_space<hbm>>
        tpu.wait_dma2 semaphore(%run_scoped3A : memref<!tpu.dma_semaphore, #tpu.memory_space<semaphore_mem>>) src(%arg6 : memref<128x128xf32, #tpu.memory_space<vmem>>) dst(%dma_wait3A_93 : memref<128x128xf32, #tpu.memory_space<hbm>>)
        tpu.yield
      }) : () -> ()
      %mul3A_62 = arith.constant 2 : i32
      %mul3A_63 = arith.muli %scan3A_44, %mul3A_62 : i32
      %add3A_64 = arith.constant 1 : i32
      %add3A_65 = arith.addi %mul3A_63, %add3A_64 : i32
      %add3A_66 = arith.constant 1 : i32
      %add3A_67 = arith.addi %add3A_65, %add3A_66 : i32
      %lt3A_68 = arith.constant 32 : i32
      %lt3A_69 = arith.cmpi slt, %add3A_67, %lt3A_68 : i32
      %convert_element_type3A_70 = arith.extui %lt3A_69 : i1 to i32
      %cond3A_71 = arith.constant 0 : i32
      %cond3A_72 = arith.cmpi ne, %convert_element_type3A_70, %cond3A_71 : i32
      scf.if %cond3A_72 {
        %mul3A_82 = arith.constant 128 : i32
        %mul3A_83 = arith.muli %add3A_67, %mul3A_82 : i32
        %dma_start3A_84 = tpu.memref_slice %arg5[%mul3A_83] : memref<4096xi32, #tpu.memory_space<vmem>> -> memref<128xi32, #tpu.memory_space<vmem>>
        %dma_start3A_85 = arith.constant 0 : i32
        %dma_start3A_86 = arith.constant 0 : i32
        %dma_start3A_87 = tpu.memref_slice %arg2[%dma_start3A_85, %dma_start3A_86] : memref<16384x128xf32, #tpu.memory_space<hbm>> -> memref<16384x128xf32, #tpu.memory_space<hbm>>
        tpu.enqueue_indirect_dma source(%dma_start3A_87 : memref<16384x128xf32, #tpu.memory_space<hbm>>) target(%arg6 : memref<128x128xf32, #tpu.memory_space<vmem>>) offsets(%dma_start3A_84 : memref<128xi32, #tpu.memory_space<vmem>>) semaphore(%arg8 : memref<!tpu.dma_semaphore, #tpu.memory_space<semaphore_mem>>)
      } else {
      }
      %mul3A_73 = arith.constant 128 : i32
      %mul3A_74 = arith.muli %add3A_65, %mul3A_73 : i32
      %dma_wait3A_75 = tpu.memref_slice %arg5[%mul3A_74] : memref<4096xi32, #tpu.memory_space<vmem>> -> memref<128xi32, #tpu.memory_space<vmem>>
      %dma_wait3A_76 = arith.constant 0 : i32
      %dma_wait3A_77 = arith.constant 0 : i32
      %dma_wait3A_78 = tpu.memref_slice %arg2[%dma_wait3A_76, %dma_wait3A_77] : memref<16384x128xf32, #tpu.memory_space<hbm>> -> memref<16384x128xf32, #tpu.memory_space<hbm>>
      tpu.wait_indirect_dma semaphore(%arg9 : memref<!tpu.dma_semaphore, #tpu.memory_space<semaphore_mem>>) src(%dma_wait3A_78 : memref<16384x128xf32, #tpu.memory_space<hbm>>) dst(%arg7 : memref<128x128xf32, #tpu.memory_space<vmem>>)
      %mul3A_79 = arith.constant 128 : i32
      %mul3A_80 = arith.muli %add3A_65, %mul3A_79 : i32
      %add3A_81 = arith.addi %mul3A_34, %mul3A_80 : i32
      "tpu.region"() ({
        %run_scoped3A = tpu.sem_alloc : memref<!tpu.dma_semaphore, #tpu.memory_space<semaphore_mem>>
        %dma_start3A_82 = arith.constant 0 : i32
        %dma_start3A_83 = tpu.memref_slice %arg4[%select_n3A, %add3A_81, %dma_start3A_82] : memref<16x8192x128xf32, #tpu.memory_space<hbm>> -> memref<1x128x128xf32, #tpu.memory_space<hbm>>
        %dma_start3A_84 = tpu.memref_squeeze %dma_start3A_83 : memref<1x128x128xf32, #tpu.memory_space<hbm>> -> memref<128x128xf32, #tpu.memory_space<hbm>>
        %dma_start3A_85 = arith.constant 0 : i32
        %dma_start3A_86 = tpu.memref_slice %arg4[%select_n3A, %add3A_81, %dma_start3A_85] : memref<16x8192x128xf32, #tpu.memory_space<hbm>> -> memref<1x128x128xf32, #tpu.memory_space<hbm>>
        %dma_start3A_87 = tpu.memref_squeeze %dma_start3A_86 : memref<1x128x128xf32, #tpu.memory_space<hbm>> -> memref<128x128xf32, #tpu.memory_space<hbm>>
        tpu.enqueue_dma source(%arg7 : memref<128x128xf32, #tpu.memory_space<vmem>>) target(%dma_start3A_87 : memref<128x128xf32, #tpu.memory_space<hbm>>) target_semaphore(%run_scoped3A : memref<!tpu.dma_semaphore, #tpu.memory_space<semaphore_mem>>)
        %dma_wait3A_88 = arith.constant 0 : i32
        %dma_wait3A_89 = tpu.memref_slice %arg4[%select_n3A, %add3A_81, %dma_wait3A_88] : memref<16x8192x128xf32, #tpu.memory_space<hbm>> -> memref<1x128x128xf32, #tpu.memory_space<hbm>>
        %dma_wait3A_90 = tpu.memref_squeeze %dma_wait3A_89 : memref<1x128x128xf32, #tpu.memory_space<hbm>> -> memref<128x128xf32, #tpu.memory_space<hbm>>
        %dma_wait3A_91 = arith.constant 0 : i32
        %dma_wait3A_92 = tpu.memref_slice %arg4[%select_n3A, %add3A_81, %dma_wait3A_91] : memref<16x8192x128xf32, #tpu.memory_space<hbm>> -> memref<1x128x128xf32, #tpu.memory_space<hbm>>
        %dma_wait3A_93 = tpu.memref_squeeze %dma_wait3A_92 : memref<1x128x128xf32, #tpu.memory_space<hbm>> -> memref<128x128xf32, #tpu.memory_space<hbm>>
        tpu.wait_dma2 semaphore(%run_scoped3A : memref<!tpu.dma_semaphore, #tpu.memory_space<semaphore_mem>>) src(%arg7 : memref<128x128xf32, #tpu.memory_space<vmem>>) dst(%dma_wait3A_93 : memref<128x128xf32, #tpu.memory_space<hbm>>)
        tpu.yield
      }) : () -> ()
    }
    %scan3A_43 = arith.constant 16 : i32
    return
  }
}

#map = affine_map<(d0, d1) -> (0, 0)>
#map1 = affine_map<(d0, d1) -> (0)>
#map2 = affine_map<(d0, d1) -> (0, 0, 0)>
module attributes {stable_mosaic.version = 14 : i64} {
  func.func @sck(%arg0: i32, %arg1: i32, %arg2: memref<16384x128xf32, #tpu.memory_space<hbm>>, %arg3: memref<262144xi32, #tpu.memory_space<hbm>>, %arg4: memref<16x16384x128xf32, #tpu.memory_space<hbm>>, %arg5: memref<8192xi32, #tpu.memory_space<vmem>>, %arg6: memref<128x128xf32, #tpu.memory_space<vmem>>, %arg7: memref<128x128xf32, #tpu.memory_space<vmem>>, %arg8: memref<!tpu.dma_semaphore, #tpu.memory_space<semaphore_mem>>, %arg9: memref<!tpu.dma_semaphore, #tpu.memory_space<semaphore_mem>>) attributes {dimension_semantics = [#tpu.dimension_semantics<core_parallel>, #tpu.dimension_semantics<subcore_parallel>], iteration_bounds = array<i64: 2, 16>, scalar_prefetch = 0 : i64, scratch_operands = 5 : i64, tpu.core_type = #tpu.core_type<sc_vector_subcore>, window_params = [{transform_indices = #map}, {transform_indices = #map1}, {transform_indices = #map2}]} {
    %mul3A = arith.constant 2 : i32
    %mul3A_0 = arith.muli %arg1, %mul3A : i32
    %add3A = arith.addi %mul3A_0, %arg0 : i32
    %mul3A_1 = arith.constant 8192 : i32
    %mul3A_2 = arith.muli %add3A, %mul3A_1 : i32
    %jit3A = arith.constant 2 : i32
    %div3A = arith.divsi %add3A, %jit3A : i32
    %sign3A = arith.constant 0 : i32
    %sign3A_3 = arith.cmpi sgt, %add3A, %sign3A : i32
    %sign3A_4 = arith.extui %sign3A_3 : i1 to i32
    %sign3A_5 = arith.constant 0 : i32
    %sign3A_6 = arith.cmpi slt, %add3A, %sign3A_5 : i32
    %sign3A_7 = arith.extui %sign3A_6 : i1 to i32
    %sign3A_8 = arith.subi %sign3A_4, %sign3A_7 : i32
    %sign3A_9 = arith.constant 0 : i32
    %sign3A_10 = arith.cmpi sgt, %jit3A, %sign3A_9 : i32
    %sign3A_11 = arith.extui %sign3A_10 : i1 to i32
    %sign3A_12 = arith.constant 0 : i32
    %sign3A_13 = arith.cmpi slt, %jit3A, %sign3A_12 : i32
    %sign3A_14 = arith.extui %sign3A_13 : i1 to i32
    %sign3A_15 = arith.subi %sign3A_11, %sign3A_14 : i32
    %ne3A = arith.cmpi ne, %sign3A_8, %sign3A_15 : i32
    %rem3A = arith.remsi %add3A, %jit3A : i32
    %ne3A_16 = arith.constant 0 : i32
    %ne3A_17 = arith.cmpi ne, %rem3A, %ne3A_16 : i32
    %and3A = arith.andi %ne3A, %ne3A_17 : i1
    %sub3A = arith.constant 1 : i32
    %sub3A_18 = arith.subi %div3A, %sub3A : i32
    %select_n3A = arith.select %and3A, %sub3A_18, %div3A : i32
    %jit3A_19 = arith.constant 2 : i32
    %eq3A = arith.constant 0 : i32
    %eq3A_20 = arith.cmpi eq, %jit3A_19, %eq3A : i32
    %jit3A_21 = arith.constant 1 : i32
    %select_n3A_22 = arith.select %eq3A_20, %jit3A_21, %jit3A_19 : i32
    %rem3A_23 = arith.remsi %add3A, %select_n3A_22 : i32
    %ne3A_24 = arith.constant 0 : i32
    %ne3A_25 = arith.cmpi ne, %rem3A_23, %ne3A_24 : i32
    %lt3A = arith.constant 0 : i32
    %lt3A_26 = arith.cmpi slt, %rem3A_23, %lt3A : i32
    %lt3A_27 = arith.constant 0 : i32
    %lt3A_28 = arith.cmpi slt, %select_n3A_22, %lt3A_27 : i32
    %ne3A_29 = arith.xori %lt3A_26, %lt3A_28 : i1
    %and3A_30 = arith.andi %ne3A_29, %ne3A_25 : i1
    %add3A_31 = arith.addi %rem3A_23, %select_n3A_22 : i32
    %select_n3A_32 = arith.select %and3A_30, %add3A_31, %rem3A_23 : i32
    %mul3A_33 = arith.constant 8192 : i32
    %mul3A_34 = arith.muli %select_n3A_32, %mul3A_33 : i32
    "tpu.region"() ({
      %run_scoped3A = tpu.sem_alloc : memref<!tpu.dma_semaphore, #tpu.memory_space<semaphore_mem>>
      %dma_start3A_44 = tpu.memref_slice %arg3[%mul3A_2] : memref<262144xi32, #tpu.memory_space<hbm>> -> memref<8192xi32, #tpu.memory_space<hbm>>
      %dma_start3A_45 = tpu.memref_slice %arg3[%mul3A_2] : memref<262144xi32, #tpu.memory_space<hbm>> -> memref<8192xi32, #tpu.memory_space<hbm>>
      tpu.enqueue_dma source(%dma_start3A_45 : memref<8192xi32, #tpu.memory_space<hbm>>) target(%arg5 : memref<8192xi32, #tpu.memory_space<vmem>>) target_semaphore(%run_scoped3A : memref<!tpu.dma_semaphore, #tpu.memory_space<semaphore_mem>>)
      %dma_wait3A = tpu.memref_slice %arg3[%mul3A_2] : memref<262144xi32, #tpu.memory_space<hbm>> -> memref<8192xi32, #tpu.memory_space<hbm>>
      %dma_wait3A_46 = tpu.memref_slice %arg3[%mul3A_2] : memref<262144xi32, #tpu.memory_space<hbm>> -> memref<8192xi32, #tpu.memory_space<hbm>>
      tpu.wait_dma2 semaphore(%run_scoped3A : memref<!tpu.dma_semaphore, #tpu.memory_space<semaphore_mem>>) src(%dma_wait3A_46 : memref<8192xi32, #tpu.memory_space<hbm>>) dst(%arg5 : memref<8192xi32, #tpu.memory_space<vmem>>)
      tpu.yield
    }) : () -> ()
    %dma_start3A = arith.constant 0 : i32
    %dma_start3A_35 = tpu.memref_slice %arg5[%dma_start3A] : memref<8192xi32, #tpu.memory_space<vmem>> -> memref<128xi32, #tpu.memory_space<vmem>>
    %dma_start3A_36 = arith.constant 0 : i32
    %dma_start3A_37 = arith.constant 0 : i32
    %dma_start3A_38 = tpu.memref_slice %arg2[%dma_start3A_36, %dma_start3A_37] : memref<16384x128xf32, #tpu.memory_space<hbm>> -> memref<16384x128xf32, #tpu.memory_space<hbm>>
    tpu.enqueue_indirect_dma source(%dma_start3A_38 : memref<16384x128xf32, #tpu.memory_space<hbm>>) target(%arg6 : memref<128x128xf32, #tpu.memory_space<vmem>>) offsets(%dma_start3A_35 : memref<128xi32, #tpu.memory_space<vmem>>) semaphore(%arg8 : memref<!tpu.dma_semaphore, #tpu.memory_space<semaphore_mem>>)
    %scan3A = arith.constant 0 : i32
    %scan3A_39 = arith.constant 0 : i32
    %scan3A_40 = arith.constant 32 : i32
    %scan3A_41 = arith.addi %scan3A_39, %scan3A_40 : i32
    %scan3A_42 = arith.constant 1 : i32
    scf.for %scan3A_44 = %scan3A_39 to %scan3A_41 step %scan3A_42  : i32 {
      %mul3A_45 = arith.constant 2 : i32
      %mul3A_46 = arith.muli %scan3A_44, %mul3A_45 : i32
      %add3A_47 = arith.constant 0 : i32
      %add3A_48 = arith.addi %mul3A_46, %add3A_47 : i32
      %add3A_49 = arith.constant 1 : i32
      %add3A_50 = arith.addi %add3A_48, %add3A_49 : i32
      %lt3A_51 = arith.constant 64 : i32
      %lt3A_52 = arith.cmpi slt, %add3A_50, %lt3A_51 : i32
      %convert_element_type3A = arith.extui %lt3A_52 : i1 to i32
      %cond3A = arith.constant 0 : i32
      %cond3A_53 = arith.cmpi ne, %convert_element_type3A, %cond3A : i32
      scf.if %cond3A_53 {
        %mul3A_82 = arith.constant 128 : i32
        %mul3A_83 = arith.muli %add3A_50, %mul3A_82 : i32
        %dma_start3A_84 = tpu.memref_slice %arg5[%mul3A_83] : memref<8192xi32, #tpu.memory_space<vmem>> -> memref<128xi32, #tpu.memory_space<vmem>>
        %dma_start3A_85 = arith.constant 0 : i32
        %dma_start3A_86 = arith.constant 0 : i32
        %dma_start3A_87 = tpu.memref_slice %arg2[%dma_start3A_85, %dma_start3A_86] : memref<16384x128xf32, #tpu.memory_space<hbm>> -> memref<16384x128xf32, #tpu.memory_space<hbm>>
        tpu.enqueue_indirect_dma source(%dma_start3A_87 : memref<16384x128xf32, #tpu.memory_space<hbm>>) target(%arg7 : memref<128x128xf32, #tpu.memory_space<vmem>>) offsets(%dma_start3A_84 : memref<128xi32, #tpu.memory_space<vmem>>) semaphore(%arg9 : memref<!tpu.dma_semaphore, #tpu.memory_space<semaphore_mem>>)
      } else {
      }
      %mul3A_54 = arith.constant 128 : i32
      %mul3A_55 = arith.muli %add3A_48, %mul3A_54 : i32
      %dma_wait3A = tpu.memref_slice %arg5[%mul3A_55] : memref<8192xi32, #tpu.memory_space<vmem>> -> memref<128xi32, #tpu.memory_space<vmem>>
      %dma_wait3A_56 = arith.constant 0 : i32
      %dma_wait3A_57 = arith.constant 0 : i32
      %dma_wait3A_58 = tpu.memref_slice %arg2[%dma_wait3A_56, %dma_wait3A_57] : memref<16384x128xf32, #tpu.memory_space<hbm>> -> memref<16384x128xf32, #tpu.memory_space<hbm>>
      tpu.wait_indirect_dma semaphore(%arg8 : memref<!tpu.dma_semaphore, #tpu.memory_space<semaphore_mem>>) src(%dma_wait3A_58 : memref<16384x128xf32, #tpu.memory_space<hbm>>) dst(%arg6 : memref<128x128xf32, #tpu.memory_space<vmem>>)
      %mul3A_59 = arith.constant 128 : i32
      %mul3A_60 = arith.muli %add3A_48, %mul3A_59 : i32
      %add3A_61 = arith.addi %mul3A_34, %mul3A_60 : i32
      "tpu.region"() ({
        %run_scoped3A = tpu.sem_alloc : memref<!tpu.dma_semaphore, #tpu.memory_space<semaphore_mem>>
        %dma_start3A_82 = arith.constant 0 : i32
        %dma_start3A_83 = tpu.memref_slice %arg4[%select_n3A, %add3A_61, %dma_start3A_82] : memref<16x16384x128xf32, #tpu.memory_space<hbm>> -> memref<1x128x128xf32, #tpu.memory_space<hbm>>
        %dma_start3A_84 = tpu.memref_squeeze %dma_start3A_83 : memref<1x128x128xf32, #tpu.memory_space<hbm>> -> memref<128x128xf32, #tpu.memory_space<hbm>>
        %dma_start3A_85 = arith.constant 0 : i32
        %dma_start3A_86 = tpu.memref_slice %arg4[%select_n3A, %add3A_61, %dma_start3A_85] : memref<16x16384x128xf32, #tpu.memory_space<hbm>> -> memref<1x128x128xf32, #tpu.memory_space<hbm>>
        %dma_start3A_87 = tpu.memref_squeeze %dma_start3A_86 : memref<1x128x128xf32, #tpu.memory_space<hbm>> -> memref<128x128xf32, #tpu.memory_space<hbm>>
        tpu.enqueue_dma source(%arg6 : memref<128x128xf32, #tpu.memory_space<vmem>>) target(%dma_start3A_87 : memref<128x128xf32, #tpu.memory_space<hbm>>) target_semaphore(%run_scoped3A : memref<!tpu.dma_semaphore, #tpu.memory_space<semaphore_mem>>)
        %dma_wait3A_88 = arith.constant 0 : i32
        %dma_wait3A_89 = tpu.memref_slice %arg4[%select_n3A, %add3A_61, %dma_wait3A_88] : memref<16x16384x128xf32, #tpu.memory_space<hbm>> -> memref<1x128x128xf32, #tpu.memory_space<hbm>>
        %dma_wait3A_90 = tpu.memref_squeeze %dma_wait3A_89 : memref<1x128x128xf32, #tpu.memory_space<hbm>> -> memref<128x128xf32, #tpu.memory_space<hbm>>
        %dma_wait3A_91 = arith.constant 0 : i32
        %dma_wait3A_92 = tpu.memref_slice %arg4[%select_n3A, %add3A_61, %dma_wait3A_91] : memref<16x16384x128xf32, #tpu.memory_space<hbm>> -> memref<1x128x128xf32, #tpu.memory_space<hbm>>
        %dma_wait3A_93 = tpu.memref_squeeze %dma_wait3A_92 : memref<1x128x128xf32, #tpu.memory_space<hbm>> -> memref<128x128xf32, #tpu.memory_space<hbm>>
        tpu.wait_dma2 semaphore(%run_scoped3A : memref<!tpu.dma_semaphore, #tpu.memory_space<semaphore_mem>>) src(%arg6 : memref<128x128xf32, #tpu.memory_space<vmem>>) dst(%dma_wait3A_93 : memref<128x128xf32, #tpu.memory_space<hbm>>)
        tpu.yield
      }) : () -> ()
      %mul3A_62 = arith.constant 2 : i32
      %mul3A_63 = arith.muli %scan3A_44, %mul3A_62 : i32
      %add3A_64 = arith.constant 1 : i32
      %add3A_65 = arith.addi %mul3A_63, %add3A_64 : i32
      %add3A_66 = arith.constant 1 : i32
      %add3A_67 = arith.addi %add3A_65, %add3A_66 : i32
      %lt3A_68 = arith.constant 64 : i32
      %lt3A_69 = arith.cmpi slt, %add3A_67, %lt3A_68 : i32
      %convert_element_type3A_70 = arith.extui %lt3A_69 : i1 to i32
      %cond3A_71 = arith.constant 0 : i32
      %cond3A_72 = arith.cmpi ne, %convert_element_type3A_70, %cond3A_71 : i32
      scf.if %cond3A_72 {
        %mul3A_82 = arith.constant 128 : i32
        %mul3A_83 = arith.muli %add3A_67, %mul3A_82 : i32
        %dma_start3A_84 = tpu.memref_slice %arg5[%mul3A_83] : memref<8192xi32, #tpu.memory_space<vmem>> -> memref<128xi32, #tpu.memory_space<vmem>>
        %dma_start3A_85 = arith.constant 0 : i32
        %dma_start3A_86 = arith.constant 0 : i32
        %dma_start3A_87 = tpu.memref_slice %arg2[%dma_start3A_85, %dma_start3A_86] : memref<16384x128xf32, #tpu.memory_space<hbm>> -> memref<16384x128xf32, #tpu.memory_space<hbm>>
        tpu.enqueue_indirect_dma source(%dma_start3A_87 : memref<16384x128xf32, #tpu.memory_space<hbm>>) target(%arg6 : memref<128x128xf32, #tpu.memory_space<vmem>>) offsets(%dma_start3A_84 : memref<128xi32, #tpu.memory_space<vmem>>) semaphore(%arg8 : memref<!tpu.dma_semaphore, #tpu.memory_space<semaphore_mem>>)
      } else {
      }
      %mul3A_73 = arith.constant 128 : i32
      %mul3A_74 = arith.muli %add3A_65, %mul3A_73 : i32
      %dma_wait3A_75 = tpu.memref_slice %arg5[%mul3A_74] : memref<8192xi32, #tpu.memory_space<vmem>> -> memref<128xi32, #tpu.memory_space<vmem>>
      %dma_wait3A_76 = arith.constant 0 : i32
      %dma_wait3A_77 = arith.constant 0 : i32
      %dma_wait3A_78 = tpu.memref_slice %arg2[%dma_wait3A_76, %dma_wait3A_77] : memref<16384x128xf32, #tpu.memory_space<hbm>> -> memref<16384x128xf32, #tpu.memory_space<hbm>>
      tpu.wait_indirect_dma semaphore(%arg9 : memref<!tpu.dma_semaphore, #tpu.memory_space<semaphore_mem>>) src(%dma_wait3A_78 : memref<16384x128xf32, #tpu.memory_space<hbm>>) dst(%arg7 : memref<128x128xf32, #tpu.memory_space<vmem>>)
      %mul3A_79 = arith.constant 128 : i32
      %mul3A_80 = arith.muli %add3A_65, %mul3A_79 : i32
      %add3A_81 = arith.addi %mul3A_34, %mul3A_80 : i32
      "tpu.region"() ({
        %run_scoped3A = tpu.sem_alloc : memref<!tpu.dma_semaphore, #tpu.memory_space<semaphore_mem>>
        %dma_start3A_82 = arith.constant 0 : i32
        %dma_start3A_83 = tpu.memref_slice %arg4[%select_n3A, %add3A_81, %dma_start3A_82] : memref<16x16384x128xf32, #tpu.memory_space<hbm>> -> memref<1x128x128xf32, #tpu.memory_space<hbm>>
        %dma_start3A_84 = tpu.memref_squeeze %dma_start3A_83 : memref<1x128x128xf32, #tpu.memory_space<hbm>> -> memref<128x128xf32, #tpu.memory_space<hbm>>
        %dma_start3A_85 = arith.constant 0 : i32
        %dma_start3A_86 = tpu.memref_slice %arg4[%select_n3A, %add3A_81, %dma_start3A_85] : memref<16x16384x128xf32, #tpu.memory_space<hbm>> -> memref<1x128x128xf32, #tpu.memory_space<hbm>>
        %dma_start3A_87 = tpu.memref_squeeze %dma_start3A_86 : memref<1x128x128xf32, #tpu.memory_space<hbm>> -> memref<128x128xf32, #tpu.memory_space<hbm>>
        tpu.enqueue_dma source(%arg7 : memref<128x128xf32, #tpu.memory_space<vmem>>) target(%dma_start3A_87 : memref<128x128xf32, #tpu.memory_space<hbm>>) target_semaphore(%run_scoped3A : memref<!tpu.dma_semaphore, #tpu.memory_space<semaphore_mem>>)
        %dma_wait3A_88 = arith.constant 0 : i32
        %dma_wait3A_89 = tpu.memref_slice %arg4[%select_n3A, %add3A_81, %dma_wait3A_88] : memref<16x16384x128xf32, #tpu.memory_space<hbm>> -> memref<1x128x128xf32, #tpu.memory_space<hbm>>
        %dma_wait3A_90 = tpu.memref_squeeze %dma_wait3A_89 : memref<1x128x128xf32, #tpu.memory_space<hbm>> -> memref<128x128xf32, #tpu.memory_space<hbm>>
        %dma_wait3A_91 = arith.constant 0 : i32
        %dma_wait3A_92 = tpu.memref_slice %arg4[%select_n3A, %add3A_81, %dma_wait3A_91] : memref<16x16384x128xf32, #tpu.memory_space<hbm>> -> memref<1x128x128xf32, #tpu.memory_space<hbm>>
        %dma_wait3A_93 = tpu.memref_squeeze %dma_wait3A_92 : memref<1x128x128xf32, #tpu.memory_space<hbm>> -> memref<128x128xf32, #tpu.memory_space<hbm>>
        tpu.wait_dma2 semaphore(%run_scoped3A : memref<!tpu.dma_semaphore, #tpu.memory_space<semaphore_mem>>) src(%arg7 : memref<128x128xf32, #tpu.memory_space<vmem>>) dst(%dma_wait3A_93 : memref<128x128xf32, #tpu.memory_space<hbm>>)
        tpu.yield
      }) : () -> ()
    }
    %scan3A_43 = arith.constant 32 : i32
    return
  }
}

#map = affine_map<(d0, d1) -> (0, 0)>
#map1 = affine_map<(d0, d1) -> (0)>
#map2 = affine_map<(d0, d1) -> (0, 0, 0)>
module attributes {stable_mosaic.version = 14 : i64} {
  func.func @sck(%arg0: i32, %arg1: i32, %arg2: memref<4096x256xf32, #tpu.memory_space<hbm>>, %arg3: memref<32768xi32, #tpu.memory_space<hbm>>, %arg4: memref<16x2048x256xf32, #tpu.memory_space<hbm>>, %arg5: memref<1024xi32, #tpu.memory_space<vmem>>, %arg6: memref<128x256xf32, #tpu.memory_space<vmem>>, %arg7: memref<128x256xf32, #tpu.memory_space<vmem>>, %arg8: memref<!tpu.dma_semaphore, #tpu.memory_space<semaphore_mem>>, %arg9: memref<!tpu.dma_semaphore, #tpu.memory_space<semaphore_mem>>) attributes {dimension_semantics = [#tpu.dimension_semantics<core_parallel>, #tpu.dimension_semantics<subcore_parallel>], iteration_bounds = array<i64: 2, 16>, scalar_prefetch = 0 : i64, scratch_operands = 5 : i64, tpu.core_type = #tpu.core_type<sc_vector_subcore>, window_params = [{transform_indices = #map}, {transform_indices = #map1}, {transform_indices = #map2}]} {
    %mul3A = arith.constant 2 : i32
    %mul3A_0 = arith.muli %arg1, %mul3A : i32
    %add3A = arith.addi %mul3A_0, %arg0 : i32
    %mul3A_1 = arith.constant 1024 : i32
    %mul3A_2 = arith.muli %add3A, %mul3A_1 : i32
    %jit3A = arith.constant 2 : i32
    %div3A = arith.divsi %add3A, %jit3A : i32
    %sign3A = arith.constant 0 : i32
    %sign3A_3 = arith.cmpi sgt, %add3A, %sign3A : i32
    %sign3A_4 = arith.extui %sign3A_3 : i1 to i32
    %sign3A_5 = arith.constant 0 : i32
    %sign3A_6 = arith.cmpi slt, %add3A, %sign3A_5 : i32
    %sign3A_7 = arith.extui %sign3A_6 : i1 to i32
    %sign3A_8 = arith.subi %sign3A_4, %sign3A_7 : i32
    %sign3A_9 = arith.constant 0 : i32
    %sign3A_10 = arith.cmpi sgt, %jit3A, %sign3A_9 : i32
    %sign3A_11 = arith.extui %sign3A_10 : i1 to i32
    %sign3A_12 = arith.constant 0 : i32
    %sign3A_13 = arith.cmpi slt, %jit3A, %sign3A_12 : i32
    %sign3A_14 = arith.extui %sign3A_13 : i1 to i32
    %sign3A_15 = arith.subi %sign3A_11, %sign3A_14 : i32
    %ne3A = arith.cmpi ne, %sign3A_8, %sign3A_15 : i32
    %rem3A = arith.remsi %add3A, %jit3A : i32
    %ne3A_16 = arith.constant 0 : i32
    %ne3A_17 = arith.cmpi ne, %rem3A, %ne3A_16 : i32
    %and3A = arith.andi %ne3A, %ne3A_17 : i1
    %sub3A = arith.constant 1 : i32
    %sub3A_18 = arith.subi %div3A, %sub3A : i32
    %select_n3A = arith.select %and3A, %sub3A_18, %div3A : i32
    %jit3A_19 = arith.constant 2 : i32
    %eq3A = arith.constant 0 : i32
    %eq3A_20 = arith.cmpi eq, %jit3A_19, %eq3A : i32
    %jit3A_21 = arith.constant 1 : i32
    %select_n3A_22 = arith.select %eq3A_20, %jit3A_21, %jit3A_19 : i32
    %rem3A_23 = arith.remsi %add3A, %select_n3A_22 : i32
    %ne3A_24 = arith.constant 0 : i32
    %ne3A_25 = arith.cmpi ne, %rem3A_23, %ne3A_24 : i32
    %lt3A = arith.constant 0 : i32
    %lt3A_26 = arith.cmpi slt, %rem3A_23, %lt3A : i32
    %lt3A_27 = arith.constant 0 : i32
    %lt3A_28 = arith.cmpi slt, %select_n3A_22, %lt3A_27 : i32
    %ne3A_29 = arith.xori %lt3A_26, %lt3A_28 : i1
    %and3A_30 = arith.andi %ne3A_29, %ne3A_25 : i1
    %add3A_31 = arith.addi %rem3A_23, %select_n3A_22 : i32
    %select_n3A_32 = arith.select %and3A_30, %add3A_31, %rem3A_23 : i32
    %mul3A_33 = arith.constant 1024 : i32
    %mul3A_34 = arith.muli %select_n3A_32, %mul3A_33 : i32
    "tpu.region"() ({
      %run_scoped3A = tpu.sem_alloc : memref<!tpu.dma_semaphore, #tpu.memory_space<semaphore_mem>>
      %dma_start3A_44 = tpu.memref_slice %arg3[%mul3A_2] : memref<32768xi32, #tpu.memory_space<hbm>> -> memref<1024xi32, #tpu.memory_space<hbm>>
      %dma_start3A_45 = tpu.memref_slice %arg3[%mul3A_2] : memref<32768xi32, #tpu.memory_space<hbm>> -> memref<1024xi32, #tpu.memory_space<hbm>>
      tpu.enqueue_dma source(%dma_start3A_45 : memref<1024xi32, #tpu.memory_space<hbm>>) target(%arg5 : memref<1024xi32, #tpu.memory_space<vmem>>) target_semaphore(%run_scoped3A : memref<!tpu.dma_semaphore, #tpu.memory_space<semaphore_mem>>)
      %dma_wait3A = tpu.memref_slice %arg3[%mul3A_2] : memref<32768xi32, #tpu.memory_space<hbm>> -> memref<1024xi32, #tpu.memory_space<hbm>>
      %dma_wait3A_46 = tpu.memref_slice %arg3[%mul3A_2] : memref<32768xi32, #tpu.memory_space<hbm>> -> memref<1024xi32, #tpu.memory_space<hbm>>
      tpu.wait_dma2 semaphore(%run_scoped3A : memref<!tpu.dma_semaphore, #tpu.memory_space<semaphore_mem>>) src(%dma_wait3A_46 : memref<1024xi32, #tpu.memory_space<hbm>>) dst(%arg5 : memref<1024xi32, #tpu.memory_space<vmem>>)
      tpu.yield
    }) : () -> ()
    %dma_start3A = arith.constant 0 : i32
    %dma_start3A_35 = tpu.memref_slice %arg5[%dma_start3A] : memref<1024xi32, #tpu.memory_space<vmem>> -> memref<128xi32, #tpu.memory_space<vmem>>
    %dma_start3A_36 = arith.constant 0 : i32
    %dma_start3A_37 = arith.constant 0 : i32
    %dma_start3A_38 = tpu.memref_slice %arg2[%dma_start3A_36, %dma_start3A_37] : memref<4096x256xf32, #tpu.memory_space<hbm>> -> memref<4096x256xf32, #tpu.memory_space<hbm>>
    tpu.enqueue_indirect_dma source(%dma_start3A_38 : memref<4096x256xf32, #tpu.memory_space<hbm>>) target(%arg6 : memref<128x256xf32, #tpu.memory_space<vmem>>) offsets(%dma_start3A_35 : memref<128xi32, #tpu.memory_space<vmem>>) semaphore(%arg8 : memref<!tpu.dma_semaphore, #tpu.memory_space<semaphore_mem>>)
    %scan3A = arith.constant 0 : i32
    %scan3A_39 = arith.constant 0 : i32
    %scan3A_40 = arith.constant 4 : i32
    %scan3A_41 = arith.addi %scan3A_39, %scan3A_40 : i32
    %scan3A_42 = arith.constant 1 : i32
    scf.for %scan3A_44 = %scan3A_39 to %scan3A_41 step %scan3A_42  : i32 {
      %mul3A_45 = arith.constant 2 : i32
      %mul3A_46 = arith.muli %scan3A_44, %mul3A_45 : i32
      %add3A_47 = arith.constant 0 : i32
      %add3A_48 = arith.addi %mul3A_46, %add3A_47 : i32
      %add3A_49 = arith.constant 1 : i32
      %add3A_50 = arith.addi %add3A_48, %add3A_49 : i32
      %lt3A_51 = arith.constant 8 : i32
      %lt3A_52 = arith.cmpi slt, %add3A_50, %lt3A_51 : i32
      %convert_element_type3A = arith.extui %lt3A_52 : i1 to i32
      %cond3A = arith.constant 0 : i32
      %cond3A_53 = arith.cmpi ne, %convert_element_type3A, %cond3A : i32
      scf.if %cond3A_53 {
        %mul3A_82 = arith.constant 128 : i32
        %mul3A_83 = arith.muli %add3A_50, %mul3A_82 : i32
        %dma_start3A_84 = tpu.memref_slice %arg5[%mul3A_83] : memref<1024xi32, #tpu.memory_space<vmem>> -> memref<128xi32, #tpu.memory_space<vmem>>
        %dma_start3A_85 = arith.constant 0 : i32
        %dma_start3A_86 = arith.constant 0 : i32
        %dma_start3A_87 = tpu.memref_slice %arg2[%dma_start3A_85, %dma_start3A_86] : memref<4096x256xf32, #tpu.memory_space<hbm>> -> memref<4096x256xf32, #tpu.memory_space<hbm>>
        tpu.enqueue_indirect_dma source(%dma_start3A_87 : memref<4096x256xf32, #tpu.memory_space<hbm>>) target(%arg7 : memref<128x256xf32, #tpu.memory_space<vmem>>) offsets(%dma_start3A_84 : memref<128xi32, #tpu.memory_space<vmem>>) semaphore(%arg9 : memref<!tpu.dma_semaphore, #tpu.memory_space<semaphore_mem>>)
      } else {
      }
      %mul3A_54 = arith.constant 128 : i32
      %mul3A_55 = arith.muli %add3A_48, %mul3A_54 : i32
      %dma_wait3A = tpu.memref_slice %arg5[%mul3A_55] : memref<1024xi32, #tpu.memory_space<vmem>> -> memref<128xi32, #tpu.memory_space<vmem>>
      %dma_wait3A_56 = arith.constant 0 : i32
      %dma_wait3A_57 = arith.constant 0 : i32
      %dma_wait3A_58 = tpu.memref_slice %arg2[%dma_wait3A_56, %dma_wait3A_57] : memref<4096x256xf32, #tpu.memory_space<hbm>> -> memref<4096x256xf32, #tpu.memory_space<hbm>>
      tpu.wait_indirect_dma semaphore(%arg8 : memref<!tpu.dma_semaphore, #tpu.memory_space<semaphore_mem>>) src(%dma_wait3A_58 : memref<4096x256xf32, #tpu.memory_space<hbm>>) dst(%arg6 : memref<128x256xf32, #tpu.memory_space<vmem>>)
      %mul3A_59 = arith.constant 128 : i32
      %mul3A_60 = arith.muli %add3A_48, %mul3A_59 : i32
      %add3A_61 = arith.addi %mul3A_34, %mul3A_60 : i32
      "tpu.region"() ({
        %run_scoped3A = tpu.sem_alloc : memref<!tpu.dma_semaphore, #tpu.memory_space<semaphore_mem>>
        %dma_start3A_82 = arith.constant 0 : i32
        %dma_start3A_83 = tpu.memref_slice %arg4[%select_n3A, %add3A_61, %dma_start3A_82] : memref<16x2048x256xf32, #tpu.memory_space<hbm>> -> memref<1x128x256xf32, #tpu.memory_space<hbm>>
        %dma_start3A_84 = tpu.memref_squeeze %dma_start3A_83 : memref<1x128x256xf32, #tpu.memory_space<hbm>> -> memref<128x256xf32, #tpu.memory_space<hbm>>
        %dma_start3A_85 = arith.constant 0 : i32
        %dma_start3A_86 = tpu.memref_slice %arg4[%select_n3A, %add3A_61, %dma_start3A_85] : memref<16x2048x256xf32, #tpu.memory_space<hbm>> -> memref<1x128x256xf32, #tpu.memory_space<hbm>>
        %dma_start3A_87 = tpu.memref_squeeze %dma_start3A_86 : memref<1x128x256xf32, #tpu.memory_space<hbm>> -> memref<128x256xf32, #tpu.memory_space<hbm>>
        tpu.enqueue_dma source(%arg6 : memref<128x256xf32, #tpu.memory_space<vmem>>) target(%dma_start3A_87 : memref<128x256xf32, #tpu.memory_space<hbm>>) target_semaphore(%run_scoped3A : memref<!tpu.dma_semaphore, #tpu.memory_space<semaphore_mem>>)
        %dma_wait3A_88 = arith.constant 0 : i32
        %dma_wait3A_89 = tpu.memref_slice %arg4[%select_n3A, %add3A_61, %dma_wait3A_88] : memref<16x2048x256xf32, #tpu.memory_space<hbm>> -> memref<1x128x256xf32, #tpu.memory_space<hbm>>
        %dma_wait3A_90 = tpu.memref_squeeze %dma_wait3A_89 : memref<1x128x256xf32, #tpu.memory_space<hbm>> -> memref<128x256xf32, #tpu.memory_space<hbm>>
        %dma_wait3A_91 = arith.constant 0 : i32
        %dma_wait3A_92 = tpu.memref_slice %arg4[%select_n3A, %add3A_61, %dma_wait3A_91] : memref<16x2048x256xf32, #tpu.memory_space<hbm>> -> memref<1x128x256xf32, #tpu.memory_space<hbm>>
        %dma_wait3A_93 = tpu.memref_squeeze %dma_wait3A_92 : memref<1x128x256xf32, #tpu.memory_space<hbm>> -> memref<128x256xf32, #tpu.memory_space<hbm>>
        tpu.wait_dma2 semaphore(%run_scoped3A : memref<!tpu.dma_semaphore, #tpu.memory_space<semaphore_mem>>) src(%arg6 : memref<128x256xf32, #tpu.memory_space<vmem>>) dst(%dma_wait3A_93 : memref<128x256xf32, #tpu.memory_space<hbm>>)
        tpu.yield
      }) : () -> ()
      %mul3A_62 = arith.constant 2 : i32
      %mul3A_63 = arith.muli %scan3A_44, %mul3A_62 : i32
      %add3A_64 = arith.constant 1 : i32
      %add3A_65 = arith.addi %mul3A_63, %add3A_64 : i32
      %add3A_66 = arith.constant 1 : i32
      %add3A_67 = arith.addi %add3A_65, %add3A_66 : i32
      %lt3A_68 = arith.constant 8 : i32
      %lt3A_69 = arith.cmpi slt, %add3A_67, %lt3A_68 : i32
      %convert_element_type3A_70 = arith.extui %lt3A_69 : i1 to i32
      %cond3A_71 = arith.constant 0 : i32
      %cond3A_72 = arith.cmpi ne, %convert_element_type3A_70, %cond3A_71 : i32
      scf.if %cond3A_72 {
        %mul3A_82 = arith.constant 128 : i32
        %mul3A_83 = arith.muli %add3A_67, %mul3A_82 : i32
        %dma_start3A_84 = tpu.memref_slice %arg5[%mul3A_83] : memref<1024xi32, #tpu.memory_space<vmem>> -> memref<128xi32, #tpu.memory_space<vmem>>
        %dma_start3A_85 = arith.constant 0 : i32
        %dma_start3A_86 = arith.constant 0 : i32
        %dma_start3A_87 = tpu.memref_slice %arg2[%dma_start3A_85, %dma_start3A_86] : memref<4096x256xf32, #tpu.memory_space<hbm>> -> memref<4096x256xf32, #tpu.memory_space<hbm>>
        tpu.enqueue_indirect_dma source(%dma_start3A_87 : memref<4096x256xf32, #tpu.memory_space<hbm>>) target(%arg6 : memref<128x256xf32, #tpu.memory_space<vmem>>) offsets(%dma_start3A_84 : memref<128xi32, #tpu.memory_space<vmem>>) semaphore(%arg8 : memref<!tpu.dma_semaphore, #tpu.memory_space<semaphore_mem>>)
      } else {
      }
      %mul3A_73 = arith.constant 128 : i32
      %mul3A_74 = arith.muli %add3A_65, %mul3A_73 : i32
      %dma_wait3A_75 = tpu.memref_slice %arg5[%mul3A_74] : memref<1024xi32, #tpu.memory_space<vmem>> -> memref<128xi32, #tpu.memory_space<vmem>>
      %dma_wait3A_76 = arith.constant 0 : i32
      %dma_wait3A_77 = arith.constant 0 : i32
      %dma_wait3A_78 = tpu.memref_slice %arg2[%dma_wait3A_76, %dma_wait3A_77] : memref<4096x256xf32, #tpu.memory_space<hbm>> -> memref<4096x256xf32, #tpu.memory_space<hbm>>
      tpu.wait_indirect_dma semaphore(%arg9 : memref<!tpu.dma_semaphore, #tpu.memory_space<semaphore_mem>>) src(%dma_wait3A_78 : memref<4096x256xf32, #tpu.memory_space<hbm>>) dst(%arg7 : memref<128x256xf32, #tpu.memory_space<vmem>>)
      %mul3A_79 = arith.constant 128 : i32
      %mul3A_80 = arith.muli %add3A_65, %mul3A_79 : i32
      %add3A_81 = arith.addi %mul3A_34, %mul3A_80 : i32
      "tpu.region"() ({
        %run_scoped3A = tpu.sem_alloc : memref<!tpu.dma_semaphore, #tpu.memory_space<semaphore_mem>>
        %dma_start3A_82 = arith.constant 0 : i32
        %dma_start3A_83 = tpu.memref_slice %arg4[%select_n3A, %add3A_81, %dma_start3A_82] : memref<16x2048x256xf32, #tpu.memory_space<hbm>> -> memref<1x128x256xf32, #tpu.memory_space<hbm>>
        %dma_start3A_84 = tpu.memref_squeeze %dma_start3A_83 : memref<1x128x256xf32, #tpu.memory_space<hbm>> -> memref<128x256xf32, #tpu.memory_space<hbm>>
        %dma_start3A_85 = arith.constant 0 : i32
        %dma_start3A_86 = tpu.memref_slice %arg4[%select_n3A, %add3A_81, %dma_start3A_85] : memref<16x2048x256xf32, #tpu.memory_space<hbm>> -> memref<1x128x256xf32, #tpu.memory_space<hbm>>
        %dma_start3A_87 = tpu.memref_squeeze %dma_start3A_86 : memref<1x128x256xf32, #tpu.memory_space<hbm>> -> memref<128x256xf32, #tpu.memory_space<hbm>>
        tpu.enqueue_dma source(%arg7 : memref<128x256xf32, #tpu.memory_space<vmem>>) target(%dma_start3A_87 : memref<128x256xf32, #tpu.memory_space<hbm>>) target_semaphore(%run_scoped3A : memref<!tpu.dma_semaphore, #tpu.memory_space<semaphore_mem>>)
        %dma_wait3A_88 = arith.constant 0 : i32
        %dma_wait3A_89 = tpu.memref_slice %arg4[%select_n3A, %add3A_81, %dma_wait3A_88] : memref<16x2048x256xf32, #tpu.memory_space<hbm>> -> memref<1x128x256xf32, #tpu.memory_space<hbm>>
        %dma_wait3A_90 = tpu.memref_squeeze %dma_wait3A_89 : memref<1x128x256xf32, #tpu.memory_space<hbm>> -> memref<128x256xf32, #tpu.memory_space<hbm>>
        %dma_wait3A_91 = arith.constant 0 : i32
        %dma_wait3A_92 = tpu.memref_slice %arg4[%select_n3A, %add3A_81, %dma_wait3A_91] : memref<16x2048x256xf32, #tpu.memory_space<hbm>> -> memref<1x128x256xf32, #tpu.memory_space<hbm>>
        %dma_wait3A_93 = tpu.memref_squeeze %dma_wait3A_92 : memref<1x128x256xf32, #tpu.memory_space<hbm>> -> memref<128x256xf32, #tpu.memory_space<hbm>>
        tpu.wait_dma2 semaphore(%run_scoped3A : memref<!tpu.dma_semaphore, #tpu.memory_space<semaphore_mem>>) src(%arg7 : memref<128x256xf32, #tpu.memory_space<vmem>>) dst(%dma_wait3A_93 : memref<128x256xf32, #tpu.memory_space<hbm>>)
        tpu.yield
      }) : () -> ()
    }
    %scan3A_43 = arith.constant 4 : i32
    return
  }
}

#map = affine_map<(d0, d1) -> (0, 0)>
#map1 = affine_map<(d0, d1) -> (0)>
#map2 = affine_map<(d0, d1) -> (0, 0, 0)>
module attributes {stable_mosaic.version = 14 : i64} {
  func.func @sck(%arg0: i32, %arg1: i32, %arg2: memref<8192x128xf32, #tpu.memory_space<hbm>>, %arg3: memref<65536xi32, #tpu.memory_space<hbm>>, %arg4: memref<16x4096x128xf32, #tpu.memory_space<hbm>>, %arg5: memref<2048xi32, #tpu.memory_space<vmem>>, %arg6: memref<128x128xf32, #tpu.memory_space<vmem>>, %arg7: memref<128x128xf32, #tpu.memory_space<vmem>>, %arg8: memref<!tpu.dma_semaphore, #tpu.memory_space<semaphore_mem>>, %arg9: memref<!tpu.dma_semaphore, #tpu.memory_space<semaphore_mem>>) attributes {dimension_semantics = [#tpu.dimension_semantics<core_parallel>, #tpu.dimension_semantics<subcore_parallel>], iteration_bounds = array<i64: 2, 16>, scalar_prefetch = 0 : i64, scratch_operands = 5 : i64, tpu.core_type = #tpu.core_type<sc_vector_subcore>, window_params = [{transform_indices = #map}, {transform_indices = #map1}, {transform_indices = #map2}]} {
    %mul3A = arith.constant 2 : i32
    %mul3A_0 = arith.muli %arg1, %mul3A : i32
    %add3A = arith.addi %mul3A_0, %arg0 : i32
    %mul3A_1 = arith.constant 2048 : i32
    %mul3A_2 = arith.muli %add3A, %mul3A_1 : i32
    %jit3A = arith.constant 2 : i32
    %div3A = arith.divsi %add3A, %jit3A : i32
    %sign3A = arith.constant 0 : i32
    %sign3A_3 = arith.cmpi sgt, %add3A, %sign3A : i32
    %sign3A_4 = arith.extui %sign3A_3 : i1 to i32
    %sign3A_5 = arith.constant 0 : i32
    %sign3A_6 = arith.cmpi slt, %add3A, %sign3A_5 : i32
    %sign3A_7 = arith.extui %sign3A_6 : i1 to i32
    %sign3A_8 = arith.subi %sign3A_4, %sign3A_7 : i32
    %sign3A_9 = arith.constant 0 : i32
    %sign3A_10 = arith.cmpi sgt, %jit3A, %sign3A_9 : i32
    %sign3A_11 = arith.extui %sign3A_10 : i1 to i32
    %sign3A_12 = arith.constant 0 : i32
    %sign3A_13 = arith.cmpi slt, %jit3A, %sign3A_12 : i32
    %sign3A_14 = arith.extui %sign3A_13 : i1 to i32
    %sign3A_15 = arith.subi %sign3A_11, %sign3A_14 : i32
    %ne3A = arith.cmpi ne, %sign3A_8, %sign3A_15 : i32
    %rem3A = arith.remsi %add3A, %jit3A : i32
    %ne3A_16 = arith.constant 0 : i32
    %ne3A_17 = arith.cmpi ne, %rem3A, %ne3A_16 : i32
    %and3A = arith.andi %ne3A, %ne3A_17 : i1
    %sub3A = arith.constant 1 : i32
    %sub3A_18 = arith.subi %div3A, %sub3A : i32
    %select_n3A = arith.select %and3A, %sub3A_18, %div3A : i32
    %jit3A_19 = arith.constant 2 : i32
    %eq3A = arith.constant 0 : i32
    %eq3A_20 = arith.cmpi eq, %jit3A_19, %eq3A : i32
    %jit3A_21 = arith.constant 1 : i32
    %select_n3A_22 = arith.select %eq3A_20, %jit3A_21, %jit3A_19 : i32
    %rem3A_23 = arith.remsi %add3A, %select_n3A_22 : i32
    %ne3A_24 = arith.constant 0 : i32
    %ne3A_25 = arith.cmpi ne, %rem3A_23, %ne3A_24 : i32
    %lt3A = arith.constant 0 : i32
    %lt3A_26 = arith.cmpi slt, %rem3A_23, %lt3A : i32
    %lt3A_27 = arith.constant 0 : i32
    %lt3A_28 = arith.cmpi slt, %select_n3A_22, %lt3A_27 : i32
    %ne3A_29 = arith.xori %lt3A_26, %lt3A_28 : i1
    %and3A_30 = arith.andi %ne3A_29, %ne3A_25 : i1
    %add3A_31 = arith.addi %rem3A_23, %select_n3A_22 : i32
    %select_n3A_32 = arith.select %and3A_30, %add3A_31, %rem3A_23 : i32
    %mul3A_33 = arith.constant 2048 : i32
    %mul3A_34 = arith.muli %select_n3A_32, %mul3A_33 : i32
    "tpu.region"() ({
      %run_scoped3A = tpu.sem_alloc : memref<!tpu.dma_semaphore, #tpu.memory_space<semaphore_mem>>
      %dma_start3A_44 = tpu.memref_slice %arg3[%mul3A_2] : memref<65536xi32, #tpu.memory_space<hbm>> -> memref<2048xi32, #tpu.memory_space<hbm>>
      %dma_start3A_45 = tpu.memref_slice %arg3[%mul3A_2] : memref<65536xi32, #tpu.memory_space<hbm>> -> memref<2048xi32, #tpu.memory_space<hbm>>
      tpu.enqueue_dma source(%dma_start3A_45 : memref<2048xi32, #tpu.memory_space<hbm>>) target(%arg5 : memref<2048xi32, #tpu.memory_space<vmem>>) target_semaphore(%run_scoped3A : memref<!tpu.dma_semaphore, #tpu.memory_space<semaphore_mem>>)
      %dma_wait3A = tpu.memref_slice %arg3[%mul3A_2] : memref<65536xi32, #tpu.memory_space<hbm>> -> memref<2048xi32, #tpu.memory_space<hbm>>
      %dma_wait3A_46 = tpu.memref_slice %arg3[%mul3A_2] : memref<65536xi32, #tpu.memory_space<hbm>> -> memref<2048xi32, #tpu.memory_space<hbm>>
      tpu.wait_dma2 semaphore(%run_scoped3A : memref<!tpu.dma_semaphore, #tpu.memory_space<semaphore_mem>>) src(%dma_wait3A_46 : memref<2048xi32, #tpu.memory_space<hbm>>) dst(%arg5 : memref<2048xi32, #tpu.memory_space<vmem>>)
      tpu.yield
    }) : () -> ()
    %dma_start3A = arith.constant 0 : i32
    %dma_start3A_35 = tpu.memref_slice %arg5[%dma_start3A] : memref<2048xi32, #tpu.memory_space<vmem>> -> memref<128xi32, #tpu.memory_space<vmem>>
    %dma_start3A_36 = arith.constant 0 : i32
    %dma_start3A_37 = arith.constant 0 : i32
    %dma_start3A_38 = tpu.memref_slice %arg2[%dma_start3A_36, %dma_start3A_37] : memref<8192x128xf32, #tpu.memory_space<hbm>> -> memref<8192x128xf32, #tpu.memory_space<hbm>>
    tpu.enqueue_indirect_dma source(%dma_start3A_38 : memref<8192x128xf32, #tpu.memory_space<hbm>>) target(%arg6 : memref<128x128xf32, #tpu.memory_space<vmem>>) offsets(%dma_start3A_35 : memref<128xi32, #tpu.memory_space<vmem>>) semaphore(%arg8 : memref<!tpu.dma_semaphore, #tpu.memory_space<semaphore_mem>>)
    %scan3A = arith.constant 0 : i32
    %scan3A_39 = arith.constant 0 : i32
    %scan3A_40 = arith.constant 8 : i32
    %scan3A_41 = arith.addi %scan3A_39, %scan3A_40 : i32
    %scan3A_42 = arith.constant 1 : i32
    scf.for %scan3A_44 = %scan3A_39 to %scan3A_41 step %scan3A_42  : i32 {
      %mul3A_45 = arith.constant 2 : i32
      %mul3A_46 = arith.muli %scan3A_44, %mul3A_45 : i32
      %add3A_47 = arith.constant 0 : i32
      %add3A_48 = arith.addi %mul3A_46, %add3A_47 : i32
      %add3A_49 = arith.constant 1 : i32
      %add3A_50 = arith.addi %add3A_48, %add3A_49 : i32
      %lt3A_51 = arith.constant 16 : i32
      %lt3A_52 = arith.cmpi slt, %add3A_50, %lt3A_51 : i32
      %convert_element_type3A = arith.extui %lt3A_52 : i1 to i32
      %cond3A = arith.constant 0 : i32
      %cond3A_53 = arith.cmpi ne, %convert_element_type3A, %cond3A : i32
      scf.if %cond3A_53 {
        %mul3A_82 = arith.constant 128 : i32
        %mul3A_83 = arith.muli %add3A_50, %mul3A_82 : i32
        %dma_start3A_84 = tpu.memref_slice %arg5[%mul3A_83] : memref<2048xi32, #tpu.memory_space<vmem>> -> memref<128xi32, #tpu.memory_space<vmem>>
        %dma_start3A_85 = arith.constant 0 : i32
        %dma_start3A_86 = arith.constant 0 : i32
        %dma_start3A_87 = tpu.memref_slice %arg2[%dma_start3A_85, %dma_start3A_86] : memref<8192x128xf32, #tpu.memory_space<hbm>> -> memref<8192x128xf32, #tpu.memory_space<hbm>>
        tpu.enqueue_indirect_dma source(%dma_start3A_87 : memref<8192x128xf32, #tpu.memory_space<hbm>>) target(%arg7 : memref<128x128xf32, #tpu.memory_space<vmem>>) offsets(%dma_start3A_84 : memref<128xi32, #tpu.memory_space<vmem>>) semaphore(%arg9 : memref<!tpu.dma_semaphore, #tpu.memory_space<semaphore_mem>>)
      } else {
      }
      %mul3A_54 = arith.constant 128 : i32
      %mul3A_55 = arith.muli %add3A_48, %mul3A_54 : i32
      %dma_wait3A = tpu.memref_slice %arg5[%mul3A_55] : memref<2048xi32, #tpu.memory_space<vmem>> -> memref<128xi32, #tpu.memory_space<vmem>>
      %dma_wait3A_56 = arith.constant 0 : i32
      %dma_wait3A_57 = arith.constant 0 : i32
      %dma_wait3A_58 = tpu.memref_slice %arg2[%dma_wait3A_56, %dma_wait3A_57] : memref<8192x128xf32, #tpu.memory_space<hbm>> -> memref<8192x128xf32, #tpu.memory_space<hbm>>
      tpu.wait_indirect_dma semaphore(%arg8 : memref<!tpu.dma_semaphore, #tpu.memory_space<semaphore_mem>>) src(%dma_wait3A_58 : memref<8192x128xf32, #tpu.memory_space<hbm>>) dst(%arg6 : memref<128x128xf32, #tpu.memory_space<vmem>>)
      %mul3A_59 = arith.constant 128 : i32
      %mul3A_60 = arith.muli %add3A_48, %mul3A_59 : i32
      %add3A_61 = arith.addi %mul3A_34, %mul3A_60 : i32
      "tpu.region"() ({
        %run_scoped3A = tpu.sem_alloc : memref<!tpu.dma_semaphore, #tpu.memory_space<semaphore_mem>>
        %dma_start3A_82 = arith.constant 0 : i32
        %dma_start3A_83 = tpu.memref_slice %arg4[%select_n3A, %add3A_61, %dma_start3A_82] : memref<16x4096x128xf32, #tpu.memory_space<hbm>> -> memref<1x128x128xf32, #tpu.memory_space<hbm>>
        %dma_start3A_84 = tpu.memref_squeeze %dma_start3A_83 : memref<1x128x128xf32, #tpu.memory_space<hbm>> -> memref<128x128xf32, #tpu.memory_space<hbm>>
        %dma_start3A_85 = arith.constant 0 : i32
        %dma_start3A_86 = tpu.memref_slice %arg4[%select_n3A, %add3A_61, %dma_start3A_85] : memref<16x4096x128xf32, #tpu.memory_space<hbm>> -> memref<1x128x128xf32, #tpu.memory_space<hbm>>
        %dma_start3A_87 = tpu.memref_squeeze %dma_start3A_86 : memref<1x128x128xf32, #tpu.memory_space<hbm>> -> memref<128x128xf32, #tpu.memory_space<hbm>>
        tpu.enqueue_dma source(%arg6 : memref<128x128xf32, #tpu.memory_space<vmem>>) target(%dma_start3A_87 : memref<128x128xf32, #tpu.memory_space<hbm>>) target_semaphore(%run_scoped3A : memref<!tpu.dma_semaphore, #tpu.memory_space<semaphore_mem>>)
        %dma_wait3A_88 = arith.constant 0 : i32
        %dma_wait3A_89 = tpu.memref_slice %arg4[%select_n3A, %add3A_61, %dma_wait3A_88] : memref<16x4096x128xf32, #tpu.memory_space<hbm>> -> memref<1x128x128xf32, #tpu.memory_space<hbm>>
        %dma_wait3A_90 = tpu.memref_squeeze %dma_wait3A_89 : memref<1x128x128xf32, #tpu.memory_space<hbm>> -> memref<128x128xf32, #tpu.memory_space<hbm>>
        %dma_wait3A_91 = arith.constant 0 : i32
        %dma_wait3A_92 = tpu.memref_slice %arg4[%select_n3A, %add3A_61, %dma_wait3A_91] : memref<16x4096x128xf32, #tpu.memory_space<hbm>> -> memref<1x128x128xf32, #tpu.memory_space<hbm>>
        %dma_wait3A_93 = tpu.memref_squeeze %dma_wait3A_92 : memref<1x128x128xf32, #tpu.memory_space<hbm>> -> memref<128x128xf32, #tpu.memory_space<hbm>>
        tpu.wait_dma2 semaphore(%run_scoped3A : memref<!tpu.dma_semaphore, #tpu.memory_space<semaphore_mem>>) src(%arg6 : memref<128x128xf32, #tpu.memory_space<vmem>>) dst(%dma_wait3A_93 : memref<128x128xf32, #tpu.memory_space<hbm>>)
        tpu.yield
      }) : () -> ()
      %mul3A_62 = arith.constant 2 : i32
      %mul3A_63 = arith.muli %scan3A_44, %mul3A_62 : i32
      %add3A_64 = arith.constant 1 : i32
      %add3A_65 = arith.addi %mul3A_63, %add3A_64 : i32
      %add3A_66 = arith.constant 1 : i32
      %add3A_67 = arith.addi %add3A_65, %add3A_66 : i32
      %lt3A_68 = arith.constant 16 : i32
      %lt3A_69 = arith.cmpi slt, %add3A_67, %lt3A_68 : i32
      %convert_element_type3A_70 = arith.extui %lt3A_69 : i1 to i32
      %cond3A_71 = arith.constant 0 : i32
      %cond3A_72 = arith.cmpi ne, %convert_element_type3A_70, %cond3A_71 : i32
      scf.if %cond3A_72 {
        %mul3A_82 = arith.constant 128 : i32
        %mul3A_83 = arith.muli %add3A_67, %mul3A_82 : i32
        %dma_start3A_84 = tpu.memref_slice %arg5[%mul3A_83] : memref<2048xi32, #tpu.memory_space<vmem>> -> memref<128xi32, #tpu.memory_space<vmem>>
        %dma_start3A_85 = arith.constant 0 : i32
        %dma_start3A_86 = arith.constant 0 : i32
        %dma_start3A_87 = tpu.memref_slice %arg2[%dma_start3A_85, %dma_start3A_86] : memref<8192x128xf32, #tpu.memory_space<hbm>> -> memref<8192x128xf32, #tpu.memory_space<hbm>>
        tpu.enqueue_indirect_dma source(%dma_start3A_87 : memref<8192x128xf32, #tpu.memory_space<hbm>>) target(%arg6 : memref<128x128xf32, #tpu.memory_space<vmem>>) offsets(%dma_start3A_84 : memref<128xi32, #tpu.memory_space<vmem>>) semaphore(%arg8 : memref<!tpu.dma_semaphore, #tpu.memory_space<semaphore_mem>>)
      } else {
      }
      %mul3A_73 = arith.constant 128 : i32
      %mul3A_74 = arith.muli %add3A_65, %mul3A_73 : i32
      %dma_wait3A_75 = tpu.memref_slice %arg5[%mul3A_74] : memref<2048xi32, #tpu.memory_space<vmem>> -> memref<128xi32, #tpu.memory_space<vmem>>
      %dma_wait3A_76 = arith.constant 0 : i32
      %dma_wait3A_77 = arith.constant 0 : i32
      %dma_wait3A_78 = tpu.memref_slice %arg2[%dma_wait3A_76, %dma_wait3A_77] : memref<8192x128xf32, #tpu.memory_space<hbm>> -> memref<8192x128xf32, #tpu.memory_space<hbm>>
      tpu.wait_indirect_dma semaphore(%arg9 : memref<!tpu.dma_semaphore, #tpu.memory_space<semaphore_mem>>) src(%dma_wait3A_78 : memref<8192x128xf32, #tpu.memory_space<hbm>>) dst(%arg7 : memref<128x128xf32, #tpu.memory_space<vmem>>)
      %mul3A_79 = arith.constant 128 : i32
      %mul3A_80 = arith.muli %add3A_65, %mul3A_79 : i32
      %add3A_81 = arith.addi %mul3A_34, %mul3A_80 : i32
      "tpu.region"() ({
        %run_scoped3A = tpu.sem_alloc : memref<!tpu.dma_semaphore, #tpu.memory_space<semaphore_mem>>
        %dma_start3A_82 = arith.constant 0 : i32
        %dma_start3A_83 = tpu.memref_slice %arg4[%select_n3A, %add3A_81, %dma_start3A_82] : memref<16x4096x128xf32, #tpu.memory_space<hbm>> -> memref<1x128x128xf32, #tpu.memory_space<hbm>>
        %dma_start3A_84 = tpu.memref_squeeze %dma_start3A_83 : memref<1x128x128xf32, #tpu.memory_space<hbm>> -> memref<128x128xf32, #tpu.memory_space<hbm>>
        %dma_start3A_85 = arith.constant 0 : i32
        %dma_start3A_86 = tpu.memref_slice %arg4[%select_n3A, %add3A_81, %dma_start3A_85] : memref<16x4096x128xf32, #tpu.memory_space<hbm>> -> memref<1x128x128xf32, #tpu.memory_space<hbm>>
        %dma_start3A_87 = tpu.memref_squeeze %dma_start3A_86 : memref<1x128x128xf32, #tpu.memory_space<hbm>> -> memref<128x128xf32, #tpu.memory_space<hbm>>
        tpu.enqueue_dma source(%arg7 : memref<128x128xf32, #tpu.memory_space<vmem>>) target(%dma_start3A_87 : memref<128x128xf32, #tpu.memory_space<hbm>>) target_semaphore(%run_scoped3A : memref<!tpu.dma_semaphore, #tpu.memory_space<semaphore_mem>>)
        %dma_wait3A_88 = arith.constant 0 : i32
        %dma_wait3A_89 = tpu.memref_slice %arg4[%select_n3A, %add3A_81, %dma_wait3A_88] : memref<16x4096x128xf32, #tpu.memory_space<hbm>> -> memref<1x128x128xf32, #tpu.memory_space<hbm>>
        %dma_wait3A_90 = tpu.memref_squeeze %dma_wait3A_89 : memref<1x128x128xf32, #tpu.memory_space<hbm>> -> memref<128x128xf32, #tpu.memory_space<hbm>>
        %dma_wait3A_91 = arith.constant 0 : i32
        %dma_wait3A_92 = tpu.memref_slice %arg4[%select_n3A, %add3A_81, %dma_wait3A_91] : memref<16x4096x128xf32, #tpu.memory_space<hbm>> -> memref<1x128x128xf32, #tpu.memory_space<hbm>>
        %dma_wait3A_93 = tpu.memref_squeeze %dma_wait3A_92 : memref<1x128x128xf32, #tpu.memory_space<hbm>> -> memref<128x128xf32, #tpu.memory_space<hbm>>
        tpu.wait_dma2 semaphore(%run_scoped3A : memref<!tpu.dma_semaphore, #tpu.memory_space<semaphore_mem>>) src(%arg7 : memref<128x128xf32, #tpu.memory_space<vmem>>) dst(%dma_wait3A_93 : memref<128x128xf32, #tpu.memory_space<hbm>>)
        tpu.yield
      }) : () -> ()
    }
    %scan3A_43 = arith.constant 8 : i32
    return
  }
}

module attributes {stable_mosaic.version = 14 : i64} {
  func.func @_prep_body(%arg0: i32, %arg1: memref<1x1024x3xf32, #tpu.memory_space<vmem>>, %arg2: memref<1x3x1024xf32, #tpu.memory_space<vmem>>, %arg3: memref<3x128xf32, #tpu.memory_space<vmem>>, %arg4: memref<1x1024x128xf32, #tpu.memory_space<vmem>>, %arg5: memref<1x16x1024xi32, #tpu.memory_space<vmem>>) attributes {dimension_semantics = [#tpu.dimension_semantics<arbitrary>], iteration_bounds = array<i64: 16>, scalar_prefetch = 0 : i64, scratch_operands = 0 : i64, tpu.core_type = #tpu.core_type<tc>, window_params = [{transform_indices = @transform_0, window_bounds = array<i64: 1, 1024, 3>}, {transform_indices = @transform_1, window_bounds = array<i64: 1, 3, 1024>}, {pipeline_mode = #tpu.pipeline_mode<synchronous>, transform_indices = @transform_2, window_bounds = array<i64: 3, 128>}, {transform_indices = @transform_3, window_bounds = array<i64: 1, 1024, 128>}, {transform_indices = @transform_4, window_bounds = array<i64: 1, 16, 1024>}]} {
    %get3A = arith.constant 0 : index
    %get3A_0 = arith.constant 0 : index
    %get3A_1 = arith.constant 0 : index
    %get3A_2 = vector.load %arg1[%get3A, %get3A_0, %get3A_1] : memref<1x1024x3xf32, #tpu.memory_space<vmem>>, vector<1x1024x3xf32>
    %get3A_3 = vector.shape_cast %get3A_2 : vector<1x1024x3xf32> to vector<1024x3xf32>
    %get3A_4 = arith.constant 0 : index
    %get3A_5 = arith.constant 0 : index
    %get3A_6 = arith.constant 0 : index
    %get3A_7 = vector.load %arg2[%get3A_4, %get3A_5, %get3A_6] : memref<1x3x1024xf32, #tpu.memory_space<vmem>>, vector<1x3x1024xf32>
    %get3A_8 = vector.shape_cast %get3A_7 : vector<1x3x1024xf32> to vector<3x1024xf32>
    %get3A_9 = arith.constant 0 : index
    %get3A_10 = arith.constant 0 : index
    %get3A_11 = vector.load %arg3[%get3A_9, %get3A_10] : memref<3x128xf32, #tpu.memory_space<vmem>>, vector<3x128xf32>
    %dot_general3A = arith.constant dense<0.000000e+00> : vector<1024x128xf32>
    %dot_general3A_12 = tpu.matmul %get3A_3, %get3A_11, %dot_general3A {dimension_numbers = #tpu.dot_dimension_numbers<[1], [0], [0], [1], [0, 0, 1, 1], [], []>, transpose_lhs_hint = false} : vector<1024x3xf32>, vector<3x128xf32>, vector<1024x128xf32> -> vector<1024x128xf32>
    %integer_pow3A = arith.mulf %dot_general3A_12, %dot_general3A_12 : vector<1024x128xf32>
    %integer_pow3A_13 = arith.mulf %dot_general3A_12, %integer_pow3A : vector<1024x128xf32>
    %mul3A = arith.constant 4.471500e-02 : f32
    %mul3A_14 = vector.broadcast %mul3A : f32 to vector<1024x128xf32>
    %mul3A_15 = arith.mulf %mul3A_14, %integer_pow3A_13 : vector<1024x128xf32>
    %add3A = arith.addf %dot_general3A_12, %mul3A_15 : vector<1024x128xf32>
    %mul3A_16 = arith.constant 0.797884583 : f32
    %mul3A_17 = vector.broadcast %mul3A_16 : f32 to vector<1024x128xf32>
    %mul3A_18 = arith.mulf %mul3A_17, %add3A : vector<1024x128xf32>
    %tanh3A = math.tanh %mul3A_18 : vector<1024x128xf32>
    %add3A_19 = arith.constant 1.000000e+00 : f32
    %add3A_20 = vector.broadcast %add3A_19 : f32 to vector<1024x128xf32>
    %add3A_21 = arith.addf %add3A_20, %tanh3A : vector<1024x128xf32>
    %mul3A_22 = arith.constant 5.000000e-01 : f32
    %mul3A_23 = vector.broadcast %mul3A_22 : f32 to vector<1024x128xf32>
    %mul3A_24 = arith.mulf %mul3A_23, %add3A_21 : vector<1024x128xf32>
    %mul3A_25 = arith.mulf %dot_general3A_12, %mul3A_24 : vector<1024x128xf32>
    %swap3A = arith.constant 0 : index
    %swap3A_26 = arith.constant 0 : index
    %swap3A_27 = arith.constant 0 : index
    %swap3A_28 = vector.load %arg4[%swap3A, %swap3A_26, %swap3A_27] : memref<1x1024x128xf32, #tpu.memory_space<vmem>>, vector<1x1024x128xf32>
    %swap3A_29 = vector.shape_cast %swap3A_28 : vector<1x1024x128xf32> to vector<1024x128xf32>
    %swap3A_30 = vector.shape_cast %mul3A_25 : vector<1024x128xf32> to vector<1x1024x128xf32>
    tpu.vector_store %arg4[%swap3A, %swap3A_26, %swap3A_27], %swap3A_30 {strides = array<i32>} : memref<1x1024x128xf32, #tpu.memory_space<vmem>>, vector<1x1024x128xf32>,
    %mul3A_31 = arith.mulf %get3A_3, %get3A_3 : vector<1024x3xf32>
    %reduce_sum3A = arith.constant dense<0.000000e+00> : vector<1024xf32>
    %reduce_sum3A_32 = vector.multi_reduction <add>, %mul3A_31, %reduce_sum3A [1] : vector<1024x3xf32> to vector<1024xf32>
    %broadcast_in_dim3A = vector.shape_cast %reduce_sum3A_32 : vector<1024xf32> to vector<1024x1xf32>
    %mul3A_33 = arith.mulf %get3A_8, %get3A_8 : vector<3x1024xf32>
    %reduce_sum3A_34 = arith.constant dense<0.000000e+00> : vector<1024xf32>
    %reduce_sum3A_35 = vector.multi_reduction <add>, %mul3A_33, %reduce_sum3A_34 [0] : vector<3x1024xf32> to vector<1024xf32>
    %broadcast_in_dim3A_36 = vector.shape_cast %reduce_sum3A_35 : vector<1024xf32> to vector<1x1024xf32>
    %dot_general3A_37 = arith.constant dense<0.000000e+00> : vector<1024x1024xf32>
    %dot_general3A_38 = tpu.matmul %get3A_3, %get3A_8, %dot_general3A_37 {dimension_numbers = #tpu.dot_dimension_numbers<[1], [0], [0], [1], [0, 0, 1, 1], [], []>, transpose_lhs_hint = false} : vector<1024x3xf32>, vector<3x1024xf32>, vector<1024x1024xf32> -> vector<1024x1024xf32>
    %add3A_39 = vector.broadcast %broadcast_in_dim3A_36 : vector<1x1024xf32> to vector<1024x1024xf32>
    %add3A_40 = vector.broadcast %broadcast_in_dim3A : vector<1024x1xf32> to vector<1024x1024xf32>
    %add3A_41 = arith.addf %add3A_39, %add3A_40 : vector<1024x1024xf32>
    %mul3A_42 = arith.constant 2.000000e+00 : f32
    %mul3A_43 = vector.broadcast %mul3A_42 : f32 to vector<1024x1024xf32>
    %mul3A_44 = arith.mulf %mul3A_43, %dot_general3A_38 : vector<1024x1024xf32>
    %sub3A = arith.subf %add3A_41, %mul3A_44 : vector<1024x1024xf32>
    %iota3A = tpu.iota {dimensions = array<i32: 0>} : vector<1024x1024xi32>
    %reduce_min3A = arith.constant dense<0x7F800000> : vector<1024xf32>
    %reduce_min3A_45 = vector.multi_reduction <minimumf>, %sub3A, %reduce_min3A [0] : vector<1024x1024xf32> to vector<1024xf32>
    %broadcast_in_dim3A_46 = vector.shape_cast %reduce_min3A_45 : vector<1024xf32> to vector<1x1024xf32>
    %le3A = vector.broadcast %broadcast_in_dim3A_46 : vector<1x1024xf32> to vector<1024x1024xf32>
    %le3A_47 = arith.cmpf ole, %sub3A, %le3A : vector<1024x1024xf32>
    %jit3A = arith.constant 1024 : i32
    %broadcast_in_dim3A_48 = vector.broadcast %jit3A : i32 to vector<1024x1024xi32>
    %select_n3A = arith.select %le3A_47, %iota3A, %broadcast_in_dim3A_48 : vector<1024x1024xi1>, vector<1024x1024xi32>
    %reduce_min3A_49 = arith.constant dense<2147483647> : vector<1024xi32>
    %reduce_min3A_50 = vector.multi_reduction <minsi>, %select_n3A, %reduce_min3A_49 [0] : vector<1024x1024xi32> to vector<1024xi32>
    %broadcast_in_dim3A_51 = vector.shape_cast %reduce_min3A_50 : vector<1024xi32> to vector<1x1024xi32>
    %eq3A = vector.broadcast %broadcast_in_dim3A_51 : vector<1x1024xi32> to vector<1024x1024xi32>
    %eq3A_52 = arith.cmpi eq, %iota3A, %eq3A : vector<1024x1024xi32>
    %jit3A_53 = arith.constant 3.000000e+38 : f32
    %broadcast_in_dim3A_54 = vector.broadcast %jit3A_53 : f32 to vector<1024x1024xf32>
    %select_n3A_55 = arith.select %eq3A_52, %broadcast_in_dim3A_54, %sub3A : vector<1024x1024xi1>, vector<1024x1024xf32>
    %reduce_min3A_56 = arith.constant dense<0x7F800000> : vector<1024xf32>
    %reduce_min3A_57 = vector.multi_reduction <minimumf>, %select_n3A_55, %reduce_min3A_56 [0] : vector<1024x1024xf32> to vector<1024xf32>
    %broadcast_in_dim3A_58 = vector.shape_cast %reduce_min3A_57 : vector<1024xf32> to vector<1x1024xf32>
    %le3A_59 = vector.broadcast %broadcast_in_dim3A_58 : vector<1x1024xf32> to vector<1024x1024xf32>
    %le3A_60 = arith.cmpf ole, %select_n3A_55, %le3A_59 : vector<1024x1024xf32>
    %jit3A_61 = arith.constant 1024 : i32
    %broadcast_in_dim3A_62 = vector.broadcast %jit3A_61 : i32 to vector<1024x1024xi32>
    %select_n3A_63 = arith.select %le3A_60, %iota3A, %broadcast_in_dim3A_62 : vector<1024x1024xi1>, vector<1024x1024xi32>
    %reduce_min3A_64 = arith.constant dense<2147483647> : vector<1024xi32>
    %reduce_min3A_65 = vector.multi_reduction <minsi>, %select_n3A_63, %reduce_min3A_64 [0] : vector<1024x1024xi32> to vector<1024xi32>
    %broadcast_in_dim3A_66 = vector.shape_cast %reduce_min3A_65 : vector<1024xi32> to vector<1x1024xi32>
    %eq3A_67 = vector.broadcast %broadcast_in_dim3A_66 : vector<1x1024xi32> to vector<1024x1024xi32>
    %eq3A_68 = arith.cmpi eq, %iota3A, %eq3A_67 : vector<1024x1024xi32>
    %jit3A_69 = arith.constant 3.000000e+38 : f32
    %broadcast_in_dim3A_70 = vector.broadcast %jit3A_69 : f32 to vector<1024x1024xf32>
    %select_n3A_71 = arith.select %eq3A_68, %broadcast_in_dim3A_70, %select_n3A_55 : vector<1024x1024xi1>, vector<1024x1024xf32>
    %reduce_min3A_72 = arith.constant dense<0x7F800000> : vector<1024xf32>
    %reduce_min3A_73 = vector.multi_reduction <minimumf>, %select_n3A_71, %reduce_min3A_72 [0] : vector<1024x1024xf32> to vector<1024xf32>
    %broadcast_in_dim3A_74 = vector.shape_cast %reduce_min3A_73 : vector<1024xf32> to vector<1x1024xf32>
    %le3A_75 = vector.broadcast %broadcast_in_dim3A_74 : vector<1x1024xf32> to vector<1024x1024xf32>
    %le3A_76 = arith.cmpf ole, %select_n3A_71, %le3A_75 : vector<1024x1024xf32>
    %jit3A_77 = arith.constant 1024 : i32
    %broadcast_in_dim3A_78 = vector.broadcast %jit3A_77 : i32 to vector<1024x1024xi32>
    %select_n3A_79 = arith.select %le3A_76, %iota3A, %broadcast_in_dim3A_78 : vector<1024x1024xi1>, vector<1024x1024xi32>
    %reduce_min3A_80 = arith.constant dense<2147483647> : vector<1024xi32>
    %reduce_min3A_81 = vector.multi_reduction <minsi>, %select_n3A_79, %reduce_min3A_80 [0] : vector<1024x1024xi32> to vector<1024xi32>
    %broadcast_in_dim3A_82 = vector.shape_cast %reduce_min3A_81 : vector<1024xi32> to vector<1x1024xi32>
    %eq3A_83 = vector.broadcast %broadcast_in_dim3A_82 : vector<1x1024xi32> to vector<1024x1024xi32>
    %eq3A_84 = arith.cmpi eq, %iota3A, %eq3A_83 : vector<1024x1024xi32>
    %jit3A_85 = arith.constant 3.000000e+38 : f32
    %broadcast_in_dim3A_86 = vector.broadcast %jit3A_85 : f32 to vector<1024x1024xf32>
    %select_n3A_87 = arith.select %eq3A_84, %broadcast_in_dim3A_86, %select_n3A_71 : vector<1024x1024xi1>, vector<1024x1024xf32>
    %reduce_min3A_88 = arith.constant dense<0x7F800000> : vector<1024xf32>
    %reduce_min3A_89 = vector.multi_reduction <minimumf>, %select_n3A_87, %reduce_min3A_88 [0] : vector<1024x1024xf32> to vector<1024xf32>
    %broadcast_in_dim3A_90 = vector.shape_cast %reduce_min3A_89 : vector<1024xf32> to vector<1x1024xf32>
    %le3A_91 = vector.broadcast %broadcast_in_dim3A_90 : vector<1x1024xf32> to vector<1024x1024xf32>
    %le3A_92 = arith.cmpf ole, %select_n3A_87, %le3A_91 : vector<1024x1024xf32>
    %jit3A_93 = arith.constant 1024 : i32
    %broadcast_in_dim3A_94 = vector.broadcast %jit3A_93 : i32 to vector<1024x1024xi32>
    %select_n3A_95 = arith.select %le3A_92, %iota3A, %broadcast_in_dim3A_94 : vector<1024x1024xi1>, vector<1024x1024xi32>
    %reduce_min3A_96 = arith.constant dense<2147483647> : vector<1024xi32>
    %reduce_min3A_97 = vector.multi_reduction <minsi>, %select_n3A_95, %reduce_min3A_96 [0] : vector<1024x1024xi32> to vector<1024xi32>
    %broadcast_in_dim3A_98 = vector.shape_cast %reduce_min3A_97 : vector<1024xi32> to vector<1x1024xi32>
    %eq3A_99 = vector.broadcast %broadcast_in_dim3A_98 : vector<1x1024xi32> to vector<1024x1024xi32>
    %eq3A_100 = arith.cmpi eq, %iota3A, %eq3A_99 : vector<1024x1024xi32>
    %jit3A_101 = arith.constant 3.000000e+38 : f32
    %broadcast_in_dim3A_102 = vector.broadcast %jit3A_101 : f32 to vector<1024x1024xf32>
    %select_n3A_103 = arith.select %eq3A_100, %broadcast_in_dim3A_102, %select_n3A_87 : vector<1024x1024xi1>, vector<1024x1024xf32>
    %reduce_min3A_104 = arith.constant dense<0x7F800000> : vector<1024xf32>
    %reduce_min3A_105 = vector.multi_reduction <minimumf>, %select_n3A_103, %reduce_min3A_104 [0] : vector<1024x1024xf32> to vector<1024xf32>
    %broadcast_in_dim3A_106 = vector.shape_cast %reduce_min3A_105 : vector<1024xf32> to vector<1x1024xf32>
    %le3A_107 = vector.broadcast %broadcast_in_dim3A_106 : vector<1x1024xf32> to vector<1024x1024xf32>
    %le3A_108 = arith.cmpf ole, %select_n3A_103, %le3A_107 : vector<1024x1024xf32>
    %jit3A_109 = arith.constant 1024 : i32
    %broadcast_in_dim3A_110 = vector.broadcast %jit3A_109 : i32 to vector<1024x1024xi32>
    %select_n3A_111 = arith.select %le3A_108, %iota3A, %broadcast_in_dim3A_110 : vector<1024x1024xi1>, vector<1024x1024xi32>
    %reduce_min3A_112 = arith.constant dense<2147483647> : vector<1024xi32>
    %reduce_min3A_113 = vector.multi_reduction <minsi>, %select_n3A_111, %reduce_min3A_112 [0] : vector<1024x1024xi32> to vector<1024xi32>
    %broadcast_in_dim3A_114 = vector.shape_cast %reduce_min3A_113 : vector<1024xi32> to vector<1x1024xi32>
    %eq3A_115 = vector.broadcast %broadcast_in_dim3A_114 : vector<1x1024xi32> to vector<1024x1024xi32>
    %eq3A_116 = arith.cmpi eq, %iota3A, %eq3A_115 : vector<1024x1024xi32>
    %jit3A_117 = arith.constant 3.000000e+38 : f32
    %broadcast_in_dim3A_118 = vector.broadcast %jit3A_117 : f32 to vector<1024x1024xf32>
    %select_n3A_119 = arith.select %eq3A_116, %broadcast_in_dim3A_118, %select_n3A_103 : vector<1024x1024xi1>, vector<1024x1024xf32>
    %reduce_min3A_120 = arith.constant dense<0x7F800000> : vector<1024xf32>
    %reduce_min3A_121 = vector.multi_reduction <minimumf>, %select_n3A_119, %reduce_min3A_120 [0] : vector<1024x1024xf32> to vector<1024xf32>
    %broadcast_in_dim3A_122 = vector.shape_cast %reduce_min3A_121 : vector<1024xf32> to vector<1x1024xf32>
    %le3A_123 = vector.broadcast %broadcast_in_dim3A_122 : vector<1x1024xf32> to vector<1024x1024xf32>
    %le3A_124 = arith.cmpf ole, %select_n3A_119, %le3A_123 : vector<1024x1024xf32>
    %jit3A_125 = arith.constant 1024 : i32
    %broadcast_in_dim3A_126 = vector.broadcast %jit3A_125 : i32 to vector<1024x1024xi32>
    %select_n3A_127 = arith.select %le3A_124, %iota3A, %broadcast_in_dim3A_126 : vector<1024x1024xi1>, vector<1024x1024xi32>
    %reduce_min3A_128 = arith.constant dense<2147483647> : vector<1024xi32>
    %reduce_min3A_129 = vector.multi_reduction <minsi>, %select_n3A_127, %reduce_min3A_128 [0] : vector<1024x1024xi32> to vector<1024xi32>
    %broadcast_in_dim3A_130 = vector.shape_cast %reduce_min3A_129 : vector<1024xi32> to vector<1x1024xi32>
    %eq3A_131 = vector.broadcast %broadcast_in_dim3A_130 : vector<1x1024xi32> to vector<1024x1024xi32>
    %eq3A_132 = arith.cmpi eq, %iota3A, %eq3A_131 : vector<1024x1024xi32>
    %jit3A_133 = arith.constant 3.000000e+38 : f32
    %broadcast_in_dim3A_134 = vector.broadcast %jit3A_133 : f32 to vector<1024x1024xf32>
    %select_n3A_135 = arith.select %eq3A_132, %broadcast_in_dim3A_134, %select_n3A_119 : vector<1024x1024xi1>, vector<1024x1024xf32>
    %reduce_min3A_136 = arith.constant dense<0x7F800000> : vector<1024xf32>
    %reduce_min3A_137 = vector.multi_reduction <minimumf>, %select_n3A_135, %reduce_min3A_136 [0] : vector<1024x1024xf32> to vector<1024xf32>
    %broadcast_in_dim3A_138 = vector.shape_cast %reduce_min3A_137 : vector<1024xf32> to vector<1x1024xf32>
    %le3A_139 = vector.broadcast %broadcast_in_dim3A_138 : vector<1x1024xf32> to vector<1024x1024xf32>
    %le3A_140 = arith.cmpf ole, %select_n3A_135, %le3A_139 : vector<1024x1024xf32>
    %jit3A_141 = arith.constant 1024 : i32
    %broadcast_in_dim3A_142 = vector.broadcast %jit3A_141 : i32 to vector<1024x1024xi32>
    %select_n3A_143 = arith.select %le3A_140, %iota3A, %broadcast_in_dim3A_142 : vector<1024x1024xi1>, vector<1024x1024xi32>
    %reduce_min3A_144 = arith.constant dense<2147483647> : vector<1024xi32>
    %reduce_min3A_145 = vector.multi_reduction <minsi>, %select_n3A_143, %reduce_min3A_144 [0] : vector<1024x1024xi32> to vector<1024xi32>
    %broadcast_in_dim3A_146 = vector.shape_cast %reduce_min3A_145 : vector<1024xi32> to vector<1x1024xi32>
    %eq3A_147 = vector.broadcast %broadcast_in_dim3A_146 : vector<1x1024xi32> to vector<1024x1024xi32>
    %eq3A_148 = arith.cmpi eq, %iota3A, %eq3A_147 : vector<1024x1024xi32>
    %jit3A_149 = arith.constant 3.000000e+38 : f32
    %broadcast_in_dim3A_150 = vector.broadcast %jit3A_149 : f32 to vector<1024x1024xf32>
    %select_n3A_151 = arith.select %eq3A_148, %broadcast_in_dim3A_150, %select_n3A_135 : vector<1024x1024xi1>, vector<1024x1024xf32>
    %reduce_min3A_152 = arith.constant dense<0x7F800000> : vector<1024xf32>
    %reduce_min3A_153 = vector.multi_reduction <minimumf>, %select_n3A_151, %reduce_min3A_152 [0] : vector<1024x1024xf32> to vector<1024xf32>
    %broadcast_in_dim3A_154 = vector.shape_cast %reduce_min3A_153 : vector<1024xf32> to vector<1x1024xf32>
    %le3A_155 = vector.broadcast %broadcast_in_dim3A_154 : vector<1x1024xf32> to vector<1024x1024xf32>
    %le3A_156 = arith.cmpf ole, %select_n3A_151, %le3A_155 : vector<1024x1024xf32>
    %jit3A_157 = arith.constant 1024 : i32
    %broadcast_in_dim3A_158 = vector.broadcast %jit3A_157 : i32 to vector<1024x1024xi32>
    %select_n3A_159 = arith.select %le3A_156, %iota3A, %broadcast_in_dim3A_158 : vector<1024x1024xi1>, vector<1024x1024xi32>
    %reduce_min3A_160 = arith.constant dense<2147483647> : vector<1024xi32>
    %reduce_min3A_161 = vector.multi_reduction <minsi>, %select_n3A_159, %reduce_min3A_160 [0] : vector<1024x1024xi32> to vector<1024xi32>
    %broadcast_in_dim3A_162 = vector.shape_cast %reduce_min3A_161 : vector<1024xi32> to vector<1x1024xi32>
    %eq3A_163 = vector.broadcast %broadcast_in_dim3A_162 : vector<1x1024xi32> to vector<1024x1024xi32>
    %eq3A_164 = arith.cmpi eq, %iota3A, %eq3A_163 : vector<1024x1024xi32>
    %jit3A_165 = arith.constant 3.000000e+38 : f32
    %broadcast_in_dim3A_166 = vector.broadcast %jit3A_165 : f32 to vector<1024x1024xf32>
    %select_n3A_167 = arith.select %eq3A_164, %broadcast_in_dim3A_166, %select_n3A_151 : vector<1024x1024xi1>, vector<1024x1024xf32>
    %reduce_min3A_168 = arith.constant dense<0x7F800000> : vector<1024xf32>
    %reduce_min3A_169 = vector.multi_reduction <minimumf>, %select_n3A_167, %reduce_min3A_168 [0] : vector<1024x1024xf32> to vector<1024xf32>
    %broadcast_in_dim3A_170 = vector.shape_cast %reduce_min3A_169 : vector<1024xf32> to vector<1x1024xf32>
    %le3A_171 = vector.broadcast %broadcast_in_dim3A_170 : vector<1x1024xf32> to vector<1024x1024xf32>
    %le3A_172 = arith.cmpf ole, %select_n3A_167, %le3A_171 : vector<1024x1024xf32>
    %jit3A_173 = arith.constant 1024 : i32
    %broadcast_in_dim3A_174 = vector.broadcast %jit3A_173 : i32 to vector<1024x1024xi32>
    %select_n3A_175 = arith.select %le3A_172, %iota3A, %broadcast_in_dim3A_174 : vector<1024x1024xi1>, vector<1024x1024xi32>
    %reduce_min3A_176 = arith.constant dense<2147483647> : vector<1024xi32>
    %reduce_min3A_177 = vector.multi_reduction <minsi>, %select_n3A_175, %reduce_min3A_176 [0] : vector<1024x1024xi32> to vector<1024xi32>
    %broadcast_in_dim3A_178 = vector.shape_cast %reduce_min3A_177 : vector<1024xi32> to vector<1x1024xi32>
    %eq3A_179 = vector.broadcast %broadcast_in_dim3A_178 : vector<1x1024xi32> to vector<1024x1024xi32>
    %eq3A_180 = arith.cmpi eq, %iota3A, %eq3A_179 : vector<1024x1024xi32>
    %jit3A_181 = arith.constant 3.000000e+38 : f32
    %broadcast_in_dim3A_182 = vector.broadcast %jit3A_181 : f32 to vector<1024x1024xf32>
    %select_n3A_183 = arith.select %eq3A_180, %broadcast_in_dim3A_182, %select_n3A_167 : vector<1024x1024xi1>, vector<1024x1024xf32>
    %reduce_min3A_184 = arith.constant dense<0x7F800000> : vector<1024xf32>
    %reduce_min3A_185 = vector.multi_reduction <minimumf>, %select_n3A_183, %reduce_min3A_184 [0] : vector<1024x1024xf32> to vector<1024xf32>
    %broadcast_in_dim3A_186 = vector.shape_cast %reduce_min3A_185 : vector<1024xf32> to vector<1x1024xf32>
    %le3A_187 = vector.broadcast %broadcast_in_dim3A_186 : vector<1x1024xf32> to vector<1024x1024xf32>
    %le3A_188 = arith.cmpf ole, %select_n3A_183, %le3A_187 : vector<1024x1024xf32>
    %jit3A_189 = arith.constant 1024 : i32
    %broadcast_in_dim3A_190 = vector.broadcast %jit3A_189 : i32 to vector<1024x1024xi32>
    %select_n3A_191 = arith.select %le3A_188, %iota3A, %broadcast_in_dim3A_190 : vector<1024x1024xi1>, vector<1024x1024xi32>
    %reduce_min3A_192 = arith.constant dense<2147483647> : vector<1024xi32>
    %reduce_min3A_193 = vector.multi_reduction <minsi>, %select_n3A_191, %reduce_min3A_192 [0] : vector<1024x1024xi32> to vector<1024xi32>
    %broadcast_in_dim3A_194 = vector.shape_cast %reduce_min3A_193 : vector<1024xi32> to vector<1x1024xi32>
    %eq3A_195 = vector.broadcast %broadcast_in_dim3A_194 : vector<1x1024xi32> to vector<1024x1024xi32>
    %eq3A_196 = arith.cmpi eq, %iota3A, %eq3A_195 : vector<1024x1024xi32>
    %jit3A_197 = arith.constant 3.000000e+38 : f32
    %broadcast_in_dim3A_198 = vector.broadcast %jit3A_197 : f32 to vector<1024x1024xf32>
    %select_n3A_199 = arith.select %eq3A_196, %broadcast_in_dim3A_198, %select_n3A_183 : vector<1024x1024xi1>, vector<1024x1024xf32>
    %reduce_min3A_200 = arith.constant dense<0x7F800000> : vector<1024xf32>
    %reduce_min3A_201 = vector.multi_reduction <minimumf>, %select_n3A_199, %reduce_min3A_200 [0] : vector<1024x1024xf32> to vector<1024xf32>
    %broadcast_in_dim3A_202 = vector.shape_cast %reduce_min3A_201 : vector<1024xf32> to vector<1x1024xf32>
    %le3A_203 = vector.broadcast %broadcast_in_dim3A_202 : vector<1x1024xf32> to vector<1024x1024xf32>
    %le3A_204 = arith.cmpf ole, %select_n3A_199, %le3A_203 : vector<1024x1024xf32>
    %jit3A_205 = arith.constant 1024 : i32
    %broadcast_in_dim3A_206 = vector.broadcast %jit3A_205 : i32 to vector<1024x1024xi32>
    %select_n3A_207 = arith.select %le3A_204, %iota3A, %broadcast_in_dim3A_206 : vector<1024x1024xi1>, vector<1024x1024xi32>
    %reduce_min3A_208 = arith.constant dense<2147483647> : vector<1024xi32>
    %reduce_min3A_209 = vector.multi_reduction <minsi>, %select_n3A_207, %reduce_min3A_208 [0] : vector<1024x1024xi32> to vector<1024xi32>
    %broadcast_in_dim3A_210 = vector.shape_cast %reduce_min3A_209 : vector<1024xi32> to vector<1x1024xi32>
    %eq3A_211 = vector.broadcast %broadcast_in_dim3A_210 : vector<1x1024xi32> to vector<1024x1024xi32>
    %eq3A_212 = arith.cmpi eq, %iota3A, %eq3A_211 : vector<1024x1024xi32>
    %jit3A_213 = arith.constant 3.000000e+38 : f32
    %broadcast_in_dim3A_214 = vector.broadcast %jit3A_213 : f32 to vector<1024x1024xf32>
    %select_n3A_215 = arith.select %eq3A_212, %broadcast_in_dim3A_214, %select_n3A_199 : vector<1024x1024xi1>, vector<1024x1024xf32>
    %reduce_min3A_216 = arith.constant dense<0x7F800000> : vector<1024xf32>
    %reduce_min3A_217 = vector.multi_reduction <minimumf>, %select_n3A_215, %reduce_min3A_216 [0] : vector<1024x1024xf32> to vector<1024xf32>
    %broadcast_in_dim3A_218 = vector.shape_cast %reduce_min3A_217 : vector<1024xf32> to vector<1x1024xf32>
    %le3A_219 = vector.broadcast %broadcast_in_dim3A_218 : vector<1x1024xf32> to vector<1024x1024xf32>
    %le3A_220 = arith.cmpf ole, %select_n3A_215, %le3A_219 : vector<1024x1024xf32>
    %jit3A_221 = arith.constant 1024 : i32
    %broadcast_in_dim3A_222 = vector.broadcast %jit3A_221 : i32 to vector<1024x1024xi32>
    %select_n3A_223 = arith.select %le3A_220, %iota3A, %broadcast_in_dim3A_222 : vector<1024x1024xi1>, vector<1024x1024xi32>
    %reduce_min3A_224 = arith.constant dense<2147483647> : vector<1024xi32>
    %reduce_min3A_225 = vector.multi_reduction <minsi>, %select_n3A_223, %reduce_min3A_224 [0] : vector<1024x1024xi32> to vector<1024xi32>
    %broadcast_in_dim3A_226 = vector.shape_cast %reduce_min3A_225 : vector<1024xi32> to vector<1x1024xi32>
    %eq3A_227 = vector.broadcast %broadcast_in_dim3A_226 : vector<1x1024xi32> to vector<1024x1024xi32>
    %eq3A_228 = arith.cmpi eq, %iota3A, %eq3A_227 : vector<1024x1024xi32>
    %jit3A_229 = arith.constant 3.000000e+38 : f32
    %broadcast_in_dim3A_230 = vector.broadcast %jit3A_229 : f32 to vector<1024x1024xf32>
    %select_n3A_231 = arith.select %eq3A_228, %broadcast_in_dim3A_230, %select_n3A_215 : vector<1024x1024xi1>, vector<1024x1024xf32>
    %reduce_min3A_232 = arith.constant dense<0x7F800000> : vector<1024xf32>
    %reduce_min3A_233 = vector.multi_reduction <minimumf>, %select_n3A_231, %reduce_min3A_232 [0] : vector<1024x1024xf32> to vector<1024xf32>
    %broadcast_in_dim3A_234 = vector.shape_cast %reduce_min3A_233 : vector<1024xf32> to vector<1x1024xf32>
    %le3A_235 = vector.broadcast %broadcast_in_dim3A_234 : vector<1x1024xf32> to vector<1024x1024xf32>
    %le3A_236 = arith.cmpf ole, %select_n3A_231, %le3A_235 : vector<1024x1024xf32>
    %jit3A_237 = arith.constant 1024 : i32
    %broadcast_in_dim3A_238 = vector.broadcast %jit3A_237 : i32 to vector<1024x1024xi32>
    %select_n3A_239 = arith.select %le3A_236, %iota3A, %broadcast_in_dim3A_238 : vector<1024x1024xi1>, vector<1024x1024xi32>
    %reduce_min3A_240 = arith.constant dense<2147483647> : vector<1024xi32>
    %reduce_min3A_241 = vector.multi_reduction <minsi>, %select_n3A_239, %reduce_min3A_240 [0] : vector<1024x1024xi32> to vector<1024xi32>
    %broadcast_in_dim3A_242 = vector.shape_cast %reduce_min3A_241 : vector<1024xi32> to vector<1x1024xi32>
    %eq3A_243 = vector.broadcast %broadcast_in_dim3A_242 : vector<1x1024xi32> to vector<1024x1024xi32>
    %eq3A_244 = arith.cmpi eq, %iota3A, %eq3A_243 : vector<1024x1024xi32>
    %jit3A_245 = arith.constant 3.000000e+38 : f32
    %broadcast_in_dim3A_246 = vector.broadcast %jit3A_245 : f32 to vector<1024x1024xf32>
    %select_n3A_247 = arith.select %eq3A_244, %broadcast_in_dim3A_246, %select_n3A_231 : vector<1024x1024xi1>, vector<1024x1024xf32>
    %reduce_min3A_248 = arith.constant dense<0x7F800000> : vector<1024xf32>
    %reduce_min3A_249 = vector.multi_reduction <minimumf>, %select_n3A_247, %reduce_min3A_248 [0] : vector<1024x1024xf32> to vector<1024xf32>
    %broadcast_in_dim3A_250 = vector.shape_cast %reduce_min3A_249 : vector<1024xf32> to vector<1x1024xf32>
    %le3A_251 = vector.broadcast %broadcast_in_dim3A_250 : vector<1x1024xf32> to vector<1024x1024xf32>
    %le3A_252 = arith.cmpf ole, %select_n3A_247, %le3A_251 : vector<1024x1024xf32>
    %jit3A_253 = arith.constant 1024 : i32
    %broadcast_in_dim3A_254 = vector.broadcast %jit3A_253 : i32 to vector<1024x1024xi32>
    %select_n3A_255 = arith.select %le3A_252, %iota3A, %broadcast_in_dim3A_254 : vector<1024x1024xi1>, vector<1024x1024xi32>
    %reduce_min3A_256 = arith.constant dense<2147483647> : vector<1024xi32>
    %reduce_min3A_257 = vector.multi_reduction <minsi>, %select_n3A_255, %reduce_min3A_256 [0] : vector<1024x1024xi32> to vector<1024xi32>
    %broadcast_in_dim3A_258 = vector.shape_cast %reduce_min3A_257 : vector<1024xi32> to vector<1x1024xi32>
    %eq3A_259 = vector.broadcast %broadcast_in_dim3A_258 : vector<1x1024xi32> to vector<1024x1024xi32>
    %eq3A_260 = arith.cmpi eq, %iota3A, %eq3A_259 : vector<1024x1024xi32>
    %jit3A_261 = arith.constant 3.000000e+38 : f32
    %broadcast_in_dim3A_262 = vector.broadcast %jit3A_261 : f32 to vector<1024x1024xf32>
    %select_n3A_263 = arith.select %eq3A_260, %broadcast_in_dim3A_262, %select_n3A_247 : vector<1024x1024xi1>, vector<1024x1024xf32>
    %reduce_min3A_264 = arith.constant dense<0x7F800000> : vector<1024xf32>
    %reduce_min3A_265 = vector.multi_reduction <minimumf>, %select_n3A_263, %reduce_min3A_264 [0] : vector<1024x1024xf32> to vector<1024xf32>
    %broadcast_in_dim3A_266 = vector.shape_cast %reduce_min3A_265 : vector<1024xf32> to vector<1x1024xf32>
    %le3A_267 = vector.broadcast %broadcast_in_dim3A_266 : vector<1x1024xf32> to vector<1024x1024xf32>
    %le3A_268 = arith.cmpf ole, %select_n3A_263, %le3A_267 : vector<1024x1024xf32>
    %jit3A_269 = arith.constant 1024 : i32
    %broadcast_in_dim3A_270 = vector.broadcast %jit3A_269 : i32 to vector<1024x1024xi32>
    %select_n3A_271 = arith.select %le3A_268, %iota3A, %broadcast_in_dim3A_270 : vector<1024x1024xi1>, vector<1024x1024xi32>
    %reduce_min3A_272 = arith.constant dense<2147483647> : vector<1024xi32>
    %reduce_min3A_273 = vector.multi_reduction <minsi>, %select_n3A_271, %reduce_min3A_272 [0] : vector<1024x1024xi32> to vector<1024xi32>
    %broadcast_in_dim3A_274 = vector.shape_cast %reduce_min3A_273 : vector<1024xi32> to vector<1x1024xi32>
    %eq3A_275 = vector.broadcast %broadcast_in_dim3A_274 : vector<1x1024xi32> to vector<1024x1024xi32>
    %eq3A_276 = arith.cmpi eq, %iota3A, %eq3A_275 : vector<1024x1024xi32>
    %jit3A_277 = arith.constant 3.000000e+38 : f32
    %broadcast_in_dim3A_278 = vector.broadcast %jit3A_277 : f32 to vector<1024x1024xf32>
    %select_n3A_279 = arith.select %eq3A_276, %broadcast_in_dim3A_278, %select_n3A_263 : vector<1024x1024xi1>, vector<1024x1024xf32>
    %reduce_min3A_280 = arith.constant dense<0x7F800000> : vector<1024xf32>
    %reduce_min3A_281 = vector.multi_reduction <minimumf>, %select_n3A_279, %reduce_min3A_280 [0] : vector<1024x1024xf32> to vector<1024xf32>
    %broadcast_in_dim3A_282 = vector.shape_cast %reduce_min3A_281 : vector<1024xf32> to vector<1x1024xf32>
    %le3A_283 = vector.broadcast %broadcast_in_dim3A_282 : vector<1x1024xf32> to vector<1024x1024xf32>
    %le3A_284 = arith.cmpf ole, %select_n3A_279, %le3A_283 : vector<1024x1024xf32>
    %jit3A_285 = arith.constant 1024 : i32
    %broadcast_in_dim3A_286 = vector.broadcast %jit3A_285 : i32 to vector<1024x1024xi32>
    %select_n3A_287 = arith.select %le3A_284, %iota3A, %broadcast_in_dim3A_286 : vector<1024x1024xi1>, vector<1024x1024xi32>
    %reduce_min3A_288 = arith.constant dense<2147483647> : vector<1024xi32>
    %reduce_min3A_289 = vector.multi_reduction <minsi>, %select_n3A_287, %reduce_min3A_288 [0] : vector<1024x1024xi32> to vector<1024xi32>
    %broadcast_in_dim3A_290 = vector.shape_cast %reduce_min3A_289 : vector<1024xi32> to vector<1x1024xi32>
    %concatenate3A = tpu.concatenate %broadcast_in_dim3A_51, %broadcast_in_dim3A_66, %broadcast_in_dim3A_82, %broadcast_in_dim3A_98, %broadcast_in_dim3A_114, %broadcast_in_dim3A_130, %broadcast_in_dim3A_146, %broadcast_in_dim3A_162, %broadcast_in_dim3A_178, %broadcast_in_dim3A_194, %broadcast_in_dim3A_210, %broadcast_in_dim3A_226, %broadcast_in_dim3A_242, %broadcast_in_dim3A_258, %broadcast_in_dim3A_274, %broadcast_in_dim3A_290 in 0 : vector<1x1024xi32>, vector<1x1024xi32>, vector<1x1024xi32>, vector<1x1024xi32>, vector<1x1024xi32>, vector<1x1024xi32>, vector<1x1024xi32>, vector<1x1024xi32>, vector<1x1024xi32>, vector<1x1024xi32>, vector<1x1024xi32>, vector<1x1024xi32>, vector<1x1024xi32>, vector<1x1024xi32>, vector<1x1024xi32>, vector<1x1024xi32> -> vector<16x1024xi32>
    %mul3A_291 = arith.constant 1024 : i32
    %mul3A_292 = arith.muli %arg0, %mul3A_291 : i32
    %add3A_293 = vector.broadcast %mul3A_292 : i32 to vector<16x1024xi32>
    %add3A_294 = arith.addi %concatenate3A, %add3A_293 : vector<16x1024xi32>
    %swap3A_295 = arith.constant 0 : index
    %swap3A_296 = arith.constant 0 : index
    %swap3A_297 = arith.constant 0 : index
    %swap3A_298 = vector.load %arg5[%swap3A_295, %swap3A_296, %swap3A_297] : memref<1x16x1024xi32, #tpu.memory_space<vmem>>, vector<1x16x1024xi32>
    %swap3A_299 = vector.shape_cast %swap3A_298 : vector<1x16x1024xi32> to vector<16x1024xi32>
    %swap3A_300 = vector.shape_cast %add3A_294 : vector<16x1024xi32> to vector<1x16x1024xi32>
    tpu.vector_store %arg5[%swap3A_295, %swap3A_296, %swap3A_297], %swap3A_300 {strides = array<i32>} : memref<1x16x1024xi32, #tpu.memory_space<vmem>>, vector<1x16x1024xi32>,
    return
  }
  func.func @transform_0(%arg0: i32) -> (i32, i32, i32) {
    %c0_i32 = arith.constant 0 : i32
    %c0_i32_0 = arith.constant 0 : i32
    %c0_i32_1 = arith.constant 0 : i32
    return %arg0, %c0_i32, %c0_i32_0 : i32, i32, i32
  }
  func.func @transform_1(%arg0: i32) -> (i32, i32, i32) {
    %c0_i32 = arith.constant 0 : i32
    %c0_i32_0 = arith.constant 0 : i32
    %c0_i32_1 = arith.constant 0 : i32
    return %arg0, %c0_i32, %c0_i32_0 : i32, i32, i32
  }
  func.func @transform_2(%arg0: i32) -> (i32, i32) {
    %c0_i32 = arith.constant 0 : i32
    %c0_i32_0 = arith.constant 0 : i32
    %c0_i32_1 = arith.constant 0 : i32
    return %c0_i32, %c0_i32_0 : i32, i32
  }
  func.func @transform_3(%arg0: i32) -> (i32, i32, i32) {
    %c0_i32 = arith.constant 0 : i32
    %c0_i32_0 = arith.constant 0 : i32
    %c0_i32_1 = arith.constant 0 : i32
    return %arg0, %c0_i32, %c0_i32_0 : i32, i32, i32
  }
  func.func @transform_4(%arg0: i32) -> (i32, i32, i32) {
    %c0_i32 = arith.constant 0 : i32
    %c0_i32_0 = arith.constant 0 : i32
    %c0_i32_1 = arith.constant 0 : i32
    return %arg0, %c0_i32, %c0_i32_0 : i32, i32, i32
  }
}

module attributes {stable_mosaic.version = 14 : i64} {
  func.func @_conv_body(%arg0: i32, %arg1: memref<1x16384x128xf32, #tpu.memory_space<vmem>>, %arg2: memref<1x1024x128xf32, #tpu.memory_space<vmem>>, %arg3: memref<64x128xf32, #tpu.memory_space<vmem>>, %arg4: memref<1x1024x128xf32, #tpu.memory_space<vmem>>) attributes {dimension_semantics = [#tpu.dimension_semantics<arbitrary>], iteration_bounds = array<i64: 16>, scalar_prefetch = 0 : i64, scratch_operands = 0 : i64, tpu.core_type = #tpu.core_type<tc>, window_params = [{transform_indices = @transform_0, window_bounds = array<i64: 1, 16384, 128>}, {transform_indices = @transform_1, window_bounds = array<i64: 1, 1024, 128>}, {pipeline_mode = #tpu.pipeline_mode<synchronous>, transform_indices = @transform_2, window_bounds = array<i64: 64, 128>}, {transform_indices = @transform_3, window_bounds = array<i64: 1, 1024, 128>}]} {
    %get3A = arith.constant 0 : index
    %get3A_0 = arith.constant 0 : index
    %get3A_1 = arith.constant 0 : index
    %get3A_2 = vector.load %arg1[%get3A, %get3A_0, %get3A_1] : memref<1x16384x128xf32, #tpu.memory_space<vmem>>, vector<1x16384x128xf32>
    %get3A_3 = vector.shape_cast %get3A_2 : vector<1x16384x128xf32> to vector<16384x128xf32>
    %reshape3A = vector.shape_cast %get3A_3 : vector<16384x128xf32> to vector<16x1024x128xf32>
    %slice3A = vector.extract_strided_slice %reshape3A {offsets = [0, 0, 0], sizes = [16, 1024, 32], strides = [1, 1, 1]} : vector<16x1024x128xf32> to vector<16x1024x32xf32>
    %get3A_4 = arith.constant 0 : index
    %get3A_5 = arith.constant 0 : index
    %get3A_6 = arith.constant 0 : index
    %get3A_7 = vector.load %arg2[%get3A_4, %get3A_5, %get3A_6] : memref<1x1024x128xf32, #tpu.memory_space<vmem>>, vector<1x1024x128xf32>
    %get3A_8 = vector.shape_cast %get3A_7 : vector<1x1024x128xf32> to vector<1024x128xf32>
    %slice3A_9 = vector.extract_strided_slice %get3A_8 {offsets = [0, 0], sizes = [1024, 32], strides = [1, 1]} : vector<1024x128xf32> to vector<1024x32xf32>
    %broadcast_in_dim3A = vector.shape_cast %slice3A_9 : vector<1024x32xf32> to vector<1x1024x32xf32>
    %sub3A = vector.broadcast %broadcast_in_dim3A : vector<1x1024x32xf32> to vector<16x1024x32xf32>
    %sub3A_10 = arith.subf %slice3A, %sub3A : vector<16x1024x32xf32>
    %concatenate3A = tpu.concatenate %slice3A, %sub3A_10 in 2 : vector<16x1024x32xf32>, vector<16x1024x32xf32> -> vector<16x1024x64xf32>
    %reshape3A_11 = vector.shape_cast %concatenate3A : vector<16x1024x64xf32> to vector<16384x64xf32>
    %get3A_12 = arith.constant 0 : index
    %get3A_13 = arith.constant 0 : index
    %get3A_14 = vector.load %arg3[%get3A_12, %get3A_13] : memref<64x128xf32, #tpu.memory_space<vmem>>, vector<64x128xf32>
    %dot_general3A = arith.constant dense<0.000000e+00> : vector<16384x128xf32>
    %dot_general3A_15 = tpu.matmul %reshape3A_11, %get3A_14, %dot_general3A {dimension_numbers = #tpu.dot_dimension_numbers<[1], [0], [0], [1], [0, 0, 1, 1], [], []>, transpose_lhs_hint = false} : vector<16384x64xf32>, vector<64x128xf32>, vector<16384x128xf32> -> vector<16384x128xf32>
    %reshape3A_16 = vector.shape_cast %dot_general3A_15 : vector<16384x128xf32> to vector<16x1024x128xf32>
    %reduce_max3A = arith.constant dense<0xFF800000> : vector<1024x128xf32>
    %reduce_max3A_17 = vector.multi_reduction <maximumf>, %reshape3A_16, %reduce_max3A [0] : vector<16x1024x128xf32> to vector<1024x128xf32>
    %integer_pow3A = arith.mulf %reduce_max3A_17, %reduce_max3A_17 : vector<1024x128xf32>
    %integer_pow3A_18 = arith.mulf %reduce_max3A_17, %integer_pow3A : vector<1024x128xf32>
    %mul3A = arith.constant 4.471500e-02 : f32
    %mul3A_19 = vector.broadcast %mul3A : f32 to vector<1024x128xf32>
    %mul3A_20 = arith.mulf %mul3A_19, %integer_pow3A_18 : vector<1024x128xf32>
    %add3A = arith.addf %reduce_max3A_17, %mul3A_20 : vector<1024x128xf32>
    %mul3A_21 = arith.constant 0.797884583 : f32
    %mul3A_22 = vector.broadcast %mul3A_21 : f32 to vector<1024x128xf32>
    %mul3A_23 = arith.mulf %mul3A_22, %add3A : vector<1024x128xf32>
    %tanh3A = math.tanh %mul3A_23 : vector<1024x128xf32>
    %add3A_24 = arith.constant 1.000000e+00 : f32
    %add3A_25 = vector.broadcast %add3A_24 : f32 to vector<1024x128xf32>
    %add3A_26 = arith.addf %add3A_25, %tanh3A : vector<1024x128xf32>
    %mul3A_27 = arith.constant 5.000000e-01 : f32
    %mul3A_28 = vector.broadcast %mul3A_27 : f32 to vector<1024x128xf32>
    %mul3A_29 = arith.mulf %mul3A_28, %add3A_26 : vector<1024x128xf32>
    %mul3A_30 = arith.mulf %reduce_max3A_17, %mul3A_29 : vector<1024x128xf32>
    %swap3A = arith.constant 0 : index
    %swap3A_31 = arith.constant 0 : index
    %swap3A_32 = arith.constant 0 : index
    %swap3A_33 = vector.load %arg4[%swap3A, %swap3A_31, %swap3A_32] : memref<1x1024x128xf32, #tpu.memory_space<vmem>>, vector<1x1024x128xf32>
    %swap3A_34 = vector.shape_cast %swap3A_33 : vector<1x1024x128xf32> to vector<1024x128xf32>
    %swap3A_35 = vector.shape_cast %mul3A_30 : vector<1024x128xf32> to vector<1x1024x128xf32>
    tpu.vector_store %arg4[%swap3A, %swap3A_31, %swap3A_32], %swap3A_35 {strides = array<i32>} : memref<1x1024x128xf32, #tpu.memory_space<vmem>>, vector<1x1024x128xf32>,
    return
  }
  func.func @transform_0(%arg0: i32) -> (i32, i32, i32) {
    %c0_i32 = arith.constant 0 : i32
    %c0_i32_0 = arith.constant 0 : i32
    %c0_i32_1 = arith.constant 0 : i32
    return %arg0, %c0_i32, %c0_i32_0 : i32, i32, i32
  }
  func.func @transform_1(%arg0: i32) -> (i32, i32, i32) {
    %c0_i32 = arith.constant 0 : i32
    %c0_i32_0 = arith.constant 0 : i32
    %c0_i32_1 = arith.constant 0 : i32
    return %arg0, %c0_i32, %c0_i32_0 : i32, i32, i32
  }
  func.func @transform_2(%arg0: i32) -> (i32, i32) {
    %c0_i32 = arith.constant 0 : i32
    %c0_i32_0 = arith.constant 0 : i32
    %c0_i32_1 = arith.constant 0 : i32
    return %c0_i32, %c0_i32_0 : i32, i32
  }
  func.func @transform_3(%arg0: i32) -> (i32, i32, i32) {
    %c0_i32 = arith.constant 0 : i32
    %c0_i32_0 = arith.constant 0 : i32
    %c0_i32_1 = arith.constant 0 : i32
    return %arg0, %c0_i32, %c0_i32_0 : i32, i32, i32
  }
}

module attributes {stable_mosaic.version = 14 : i64} {
  func.func @_prep34_body(%arg0: i32, %arg1: memref<1x512x3xf32, #tpu.memory_space<vmem>>, %arg2: memref<1x3x512xf32, #tpu.memory_space<vmem>>, %arg3: memref<1x16x256xi32, #tpu.memory_space<vmem>>, %arg4: memref<1x16x128xi32, #tpu.memory_space<vmem>>) attributes {dimension_semantics = [#tpu.dimension_semantics<arbitrary>], iteration_bounds = array<i64: 16>, scalar_prefetch = 0 : i64, scratch_operands = 0 : i64, tpu.core_type = #tpu.core_type<tc>, window_params = [{transform_indices = @transform_0, window_bounds = array<i64: 1, 512, 3>}, {transform_indices = @transform_1, window_bounds = array<i64: 1, 3, 512>}, {transform_indices = @transform_2, window_bounds = array<i64: 1, 16, 256>}, {transform_indices = @transform_3, window_bounds = array<i64: 1, 16, 128>}]} {
    %get3A = arith.constant 0 : index
    %get3A_0 = arith.constant 0 : index
    %get3A_1 = arith.constant 0 : index
    %get3A_2 = vector.load %arg1[%get3A, %get3A_0, %get3A_1] : memref<1x512x3xf32, #tpu.memory_space<vmem>>, vector<1x512x3xf32>
    %get3A_3 = vector.shape_cast %get3A_2 : vector<1x512x3xf32> to vector<512x3xf32>
    %get3A_4 = arith.constant 0 : index
    %get3A_5 = arith.constant 0 : index
    %get3A_6 = arith.constant 0 : index
    %get3A_7 = vector.load %arg2[%get3A_4, %get3A_5, %get3A_6] : memref<1x3x512xf32, #tpu.memory_space<vmem>>, vector<1x3x512xf32>
    %get3A_8 = vector.shape_cast %get3A_7 : vector<1x3x512xf32> to vector<3x512xf32>
    %mul3A = arith.mulf %get3A_3, %get3A_3 : vector<512x3xf32>
    %reduce_sum3A = arith.constant dense<0.000000e+00> : vector<512xf32>
    %reduce_sum3A_9 = vector.multi_reduction <add>, %mul3A, %reduce_sum3A [1] : vector<512x3xf32> to vector<512xf32>
    %broadcast_in_dim3A = vector.shape_cast %reduce_sum3A_9 : vector<512xf32> to vector<512x1xf32>
    %mul3A_10 = arith.mulf %get3A_8, %get3A_8 : vector<3x512xf32>
    %reduce_sum3A_11 = arith.constant dense<0.000000e+00> : vector<512xf32>
    %reduce_sum3A_12 = vector.multi_reduction <add>, %mul3A_10, %reduce_sum3A_11 [0] : vector<3x512xf32> to vector<512xf32>
    %broadcast_in_dim3A_13 = vector.shape_cast %reduce_sum3A_12 : vector<512xf32> to vector<1x512xf32>
    %slice3A = vector.extract_strided_slice %get3A_8 {offsets = [0, 0], sizes = [3, 256], strides = [1, 1]} : vector<3x512xf32> to vector<3x256xf32>
    %dot_general3A = arith.constant dense<0.000000e+00> : vector<512x256xf32>
    %dot_general3A_14 = tpu.matmul %get3A_3, %slice3A, %dot_general3A {dimension_numbers = #tpu.dot_dimension_numbers<[1], [0], [0], [1], [0, 0, 1, 1], [], []>, transpose_lhs_hint = false} : vector<512x3xf32>, vector<3x256xf32>, vector<512x256xf32> -> vector<512x256xf32>
    %slice3A_15 = vector.extract_strided_slice %broadcast_in_dim3A_13 {offsets = [0, 0], sizes = [1, 256], strides = [1, 1]} : vector<1x512xf32> to vector<1x256xf32>
    %add3A = vector.broadcast %slice3A_15 : vector<1x256xf32> to vector<512x256xf32>
    %add3A_16 = vector.broadcast %broadcast_in_dim3A : vector<512x1xf32> to vector<512x256xf32>
    %add3A_17 = arith.addf %add3A, %add3A_16 : vector<512x256xf32>
    %mul3A_18 = arith.constant 2.000000e+00 : f32
    %mul3A_19 = vector.broadcast %mul3A_18 : f32 to vector<512x256xf32>
    %mul3A_20 = arith.mulf %mul3A_19, %dot_general3A_14 : vector<512x256xf32>
    %sub3A = arith.subf %add3A_17, %mul3A_20 : vector<512x256xf32>
    %iota3A = tpu.iota {dimensions = array<i32: 0>} : vector<512x256xi32>
    %reduce_min3A = arith.constant dense<0x7F800000> : vector<256xf32>
    %reduce_min3A_21 = vector.multi_reduction <minimumf>, %sub3A, %reduce_min3A [0] : vector<512x256xf32> to vector<256xf32>
    %broadcast_in_dim3A_22 = vector.shape_cast %reduce_min3A_21 : vector<256xf32> to vector<1x256xf32>
    %le3A = vector.broadcast %broadcast_in_dim3A_22 : vector<1x256xf32> to vector<512x256xf32>
    %le3A_23 = arith.cmpf ole, %sub3A, %le3A : vector<512x256xf32>
    %jit3A = arith.constant 512 : i32
    %broadcast_in_dim3A_24 = vector.broadcast %jit3A : i32 to vector<512x256xi32>
    %select_n3A = arith.select %le3A_23, %iota3A, %broadcast_in_dim3A_24 : vector<512x256xi1>, vector<512x256xi32>
    %reduce_min3A_25 = arith.constant dense<2147483647> : vector<256xi32>
    %reduce_min3A_26 = vector.multi_reduction <minsi>, %select_n3A, %reduce_min3A_25 [0] : vector<512x256xi32> to vector<256xi32>
    %broadcast_in_dim3A_27 = vector.shape_cast %reduce_min3A_26 : vector<256xi32> to vector<1x256xi32>
    %eq3A = vector.broadcast %broadcast_in_dim3A_27 : vector<1x256xi32> to vector<512x256xi32>
    %eq3A_28 = arith.cmpi eq, %iota3A, %eq3A : vector<512x256xi32>
    %jit3A_29 = arith.constant 3.000000e+38 : f32
    %broadcast_in_dim3A_30 = vector.broadcast %jit3A_29 : f32 to vector<512x256xf32>
    %select_n3A_31 = arith.select %eq3A_28, %broadcast_in_dim3A_30, %sub3A : vector<512x256xi1>, vector<512x256xf32>
    %reduce_min3A_32 = arith.constant dense<0x7F800000> : vector<256xf32>
    %reduce_min3A_33 = vector.multi_reduction <minimumf>, %select_n3A_31, %reduce_min3A_32 [0] : vector<512x256xf32> to vector<256xf32>
    %broadcast_in_dim3A_34 = vector.shape_cast %reduce_min3A_33 : vector<256xf32> to vector<1x256xf32>
    %le3A_35 = vector.broadcast %broadcast_in_dim3A_34 : vector<1x256xf32> to vector<512x256xf32>
    %le3A_36 = arith.cmpf ole, %select_n3A_31, %le3A_35 : vector<512x256xf32>
    %jit3A_37 = arith.constant 512 : i32
    %broadcast_in_dim3A_38 = vector.broadcast %jit3A_37 : i32 to vector<512x256xi32>
    %select_n3A_39 = arith.select %le3A_36, %iota3A, %broadcast_in_dim3A_38 : vector<512x256xi1>, vector<512x256xi32>
    %reduce_min3A_40 = arith.constant dense<2147483647> : vector<256xi32>
    %reduce_min3A_41 = vector.multi_reduction <minsi>, %select_n3A_39, %reduce_min3A_40 [0] : vector<512x256xi32> to vector<256xi32>
    %broadcast_in_dim3A_42 = vector.shape_cast %reduce_min3A_41 : vector<256xi32> to vector<1x256xi32>
    %eq3A_43 = vector.broadcast %broadcast_in_dim3A_42 : vector<1x256xi32> to vector<512x256xi32>
    %eq3A_44 = arith.cmpi eq, %iota3A, %eq3A_43 : vector<512x256xi32>
    %jit3A_45 = arith.constant 3.000000e+38 : f32
    %broadcast_in_dim3A_46 = vector.broadcast %jit3A_45 : f32 to vector<512x256xf32>
    %select_n3A_47 = arith.select %eq3A_44, %broadcast_in_dim3A_46, %select_n3A_31 : vector<512x256xi1>, vector<512x256xf32>
    %reduce_min3A_48 = arith.constant dense<0x7F800000> : vector<256xf32>
    %reduce_min3A_49 = vector.multi_reduction <minimumf>, %select_n3A_47, %reduce_min3A_48 [0] : vector<512x256xf32> to vector<256xf32>
    %broadcast_in_dim3A_50 = vector.shape_cast %reduce_min3A_49 : vector<256xf32> to vector<1x256xf32>
    %le3A_51 = vector.broadcast %broadcast_in_dim3A_50 : vector<1x256xf32> to vector<512x256xf32>
    %le3A_52 = arith.cmpf ole, %select_n3A_47, %le3A_51 : vector<512x256xf32>
    %jit3A_53 = arith.constant 512 : i32
    %broadcast_in_dim3A_54 = vector.broadcast %jit3A_53 : i32 to vector<512x256xi32>
    %select_n3A_55 = arith.select %le3A_52, %iota3A, %broadcast_in_dim3A_54 : vector<512x256xi1>, vector<512x256xi32>
    %reduce_min3A_56 = arith.constant dense<2147483647> : vector<256xi32>
    %reduce_min3A_57 = vector.multi_reduction <minsi>, %select_n3A_55, %reduce_min3A_56 [0] : vector<512x256xi32> to vector<256xi32>
    %broadcast_in_dim3A_58 = vector.shape_cast %reduce_min3A_57 : vector<256xi32> to vector<1x256xi32>
    %eq3A_59 = vector.broadcast %broadcast_in_dim3A_58 : vector<1x256xi32> to vector<512x256xi32>
    %eq3A_60 = arith.cmpi eq, %iota3A, %eq3A_59 : vector<512x256xi32>
    %jit3A_61 = arith.constant 3.000000e+38 : f32
    %broadcast_in_dim3A_62 = vector.broadcast %jit3A_61 : f32 to vector<512x256xf32>
    %select_n3A_63 = arith.select %eq3A_60, %broadcast_in_dim3A_62, %select_n3A_47 : vector<512x256xi1>, vector<512x256xf32>
    %reduce_min3A_64 = arith.constant dense<0x7F800000> : vector<256xf32>
    %reduce_min3A_65 = vector.multi_reduction <minimumf>, %select_n3A_63, %reduce_min3A_64 [0] : vector<512x256xf32> to vector<256xf32>
    %broadcast_in_dim3A_66 = vector.shape_cast %reduce_min3A_65 : vector<256xf32> to vector<1x256xf32>
    %le3A_67 = vector.broadcast %broadcast_in_dim3A_66 : vector<1x256xf32> to vector<512x256xf32>
    %le3A_68 = arith.cmpf ole, %select_n3A_63, %le3A_67 : vector<512x256xf32>
    %jit3A_69 = arith.constant 512 : i32
    %broadcast_in_dim3A_70 = vector.broadcast %jit3A_69 : i32 to vector<512x256xi32>
    %select_n3A_71 = arith.select %le3A_68, %iota3A, %broadcast_in_dim3A_70 : vector<512x256xi1>, vector<512x256xi32>
    %reduce_min3A_72 = arith.constant dense<2147483647> : vector<256xi32>
    %reduce_min3A_73 = vector.multi_reduction <minsi>, %select_n3A_71, %reduce_min3A_72 [0] : vector<512x256xi32> to vector<256xi32>
    %broadcast_in_dim3A_74 = vector.shape_cast %reduce_min3A_73 : vector<256xi32> to vector<1x256xi32>
    %eq3A_75 = vector.broadcast %broadcast_in_dim3A_74 : vector<1x256xi32> to vector<512x256xi32>
    %eq3A_76 = arith.cmpi eq, %iota3A, %eq3A_75 : vector<512x256xi32>
    %jit3A_77 = arith.constant 3.000000e+38 : f32
    %broadcast_in_dim3A_78 = vector.broadcast %jit3A_77 : f32 to vector<512x256xf32>
    %select_n3A_79 = arith.select %eq3A_76, %broadcast_in_dim3A_78, %select_n3A_63 : vector<512x256xi1>, vector<512x256xf32>
    %reduce_min3A_80 = arith.constant dense<0x7F800000> : vector<256xf32>
    %reduce_min3A_81 = vector.multi_reduction <minimumf>, %select_n3A_79, %reduce_min3A_80 [0] : vector<512x256xf32> to vector<256xf32>
    %broadcast_in_dim3A_82 = vector.shape_cast %reduce_min3A_81 : vector<256xf32> to vector<1x256xf32>
    %le3A_83 = vector.broadcast %broadcast_in_dim3A_82 : vector<1x256xf32> to vector<512x256xf32>
    %le3A_84 = arith.cmpf ole, %select_n3A_79, %le3A_83 : vector<512x256xf32>
    %jit3A_85 = arith.constant 512 : i32
    %broadcast_in_dim3A_86 = vector.broadcast %jit3A_85 : i32 to vector<512x256xi32>
    %select_n3A_87 = arith.select %le3A_84, %iota3A, %broadcast_in_dim3A_86 : vector<512x256xi1>, vector<512x256xi32>
    %reduce_min3A_88 = arith.constant dense<2147483647> : vector<256xi32>
    %reduce_min3A_89 = vector.multi_reduction <minsi>, %select_n3A_87, %reduce_min3A_88 [0] : vector<512x256xi32> to vector<256xi32>
    %broadcast_in_dim3A_90 = vector.shape_cast %reduce_min3A_89 : vector<256xi32> to vector<1x256xi32>
    %eq3A_91 = vector.broadcast %broadcast_in_dim3A_90 : vector<1x256xi32> to vector<512x256xi32>
    %eq3A_92 = arith.cmpi eq, %iota3A, %eq3A_91 : vector<512x256xi32>
    %jit3A_93 = arith.constant 3.000000e+38 : f32
    %broadcast_in_dim3A_94 = vector.broadcast %jit3A_93 : f32 to vector<512x256xf32>
    %select_n3A_95 = arith.select %eq3A_92, %broadcast_in_dim3A_94, %select_n3A_79 : vector<512x256xi1>, vector<512x256xf32>
    %reduce_min3A_96 = arith.constant dense<0x7F800000> : vector<256xf32>
    %reduce_min3A_97 = vector.multi_reduction <minimumf>, %select_n3A_95, %reduce_min3A_96 [0] : vector<512x256xf32> to vector<256xf32>
    %broadcast_in_dim3A_98 = vector.shape_cast %reduce_min3A_97 : vector<256xf32> to vector<1x256xf32>
    %le3A_99 = vector.broadcast %broadcast_in_dim3A_98 : vector<1x256xf32> to vector<512x256xf32>
    %le3A_100 = arith.cmpf ole, %select_n3A_95, %le3A_99 : vector<512x256xf32>
    %jit3A_101 = arith.constant 512 : i32
    %broadcast_in_dim3A_102 = vector.broadcast %jit3A_101 : i32 to vector<512x256xi32>
    %select_n3A_103 = arith.select %le3A_100, %iota3A, %broadcast_in_dim3A_102 : vector<512x256xi1>, vector<512x256xi32>
    %reduce_min3A_104 = arith.constant dense<2147483647> : vector<256xi32>
    %reduce_min3A_105 = vector.multi_reduction <minsi>, %select_n3A_103, %reduce_min3A_104 [0] : vector<512x256xi32> to vector<256xi32>
    %broadcast_in_dim3A_106 = vector.shape_cast %reduce_min3A_105 : vector<256xi32> to vector<1x256xi32>
    %eq3A_107 = vector.broadcast %broadcast_in_dim3A_106 : vector<1x256xi32> to vector<512x256xi32>
    %eq3A_108 = arith.cmpi eq, %iota3A, %eq3A_107 : vector<512x256xi32>
    %jit3A_109 = arith.constant 3.000000e+38 : f32
    %broadcast_in_dim3A_110 = vector.broadcast %jit3A_109 : f32 to vector<512x256xf32>
    %select_n3A_111 = arith.select %eq3A_108, %broadcast_in_dim3A_110, %select_n3A_95 : vector<512x256xi1>, vector<512x256xf32>
    %reduce_min3A_112 = arith.constant dense<0x7F800000> : vector<256xf32>
    %reduce_min3A_113 = vector.multi_reduction <minimumf>, %select_n3A_111, %reduce_min3A_112 [0] : vector<512x256xf32> to vector<256xf32>
    %broadcast_in_dim3A_114 = vector.shape_cast %reduce_min3A_113 : vector<256xf32> to vector<1x256xf32>
    %le3A_115 = vector.broadcast %broadcast_in_dim3A_114 : vector<1x256xf32> to vector<512x256xf32>
    %le3A_116 = arith.cmpf ole, %select_n3A_111, %le3A_115 : vector<512x256xf32>
    %jit3A_117 = arith.constant 512 : i32
    %broadcast_in_dim3A_118 = vector.broadcast %jit3A_117 : i32 to vector<512x256xi32>
    %select_n3A_119 = arith.select %le3A_116, %iota3A, %broadcast_in_dim3A_118 : vector<512x256xi1>, vector<512x256xi32>
    %reduce_min3A_120 = arith.constant dense<2147483647> : vector<256xi32>
    %reduce_min3A_121 = vector.multi_reduction <minsi>, %select_n3A_119, %reduce_min3A_120 [0] : vector<512x256xi32> to vector<256xi32>
    %broadcast_in_dim3A_122 = vector.shape_cast %reduce_min3A_121 : vector<256xi32> to vector<1x256xi32>
    %eq3A_123 = vector.broadcast %broadcast_in_dim3A_122 : vector<1x256xi32> to vector<512x256xi32>
    %eq3A_124 = arith.cmpi eq, %iota3A, %eq3A_123 : vector<512x256xi32>
    %jit3A_125 = arith.constant 3.000000e+38 : f32
    %broadcast_in_dim3A_126 = vector.broadcast %jit3A_125 : f32 to vector<512x256xf32>
    %select_n3A_127 = arith.select %eq3A_124, %broadcast_in_dim3A_126, %select_n3A_111 : vector<512x256xi1>, vector<512x256xf32>
    %reduce_min3A_128 = arith.constant dense<0x7F800000> : vector<256xf32>
    %reduce_min3A_129 = vector.multi_reduction <minimumf>, %select_n3A_127, %reduce_min3A_128 [0] : vector<512x256xf32> to vector<256xf32>
    %broadcast_in_dim3A_130 = vector.shape_cast %reduce_min3A_129 : vector<256xf32> to vector<1x256xf32>
    %le3A_131 = vector.broadcast %broadcast_in_dim3A_130 : vector<1x256xf32> to vector<512x256xf32>
    %le3A_132 = arith.cmpf ole, %select_n3A_127, %le3A_131 : vector<512x256xf32>
    %jit3A_133 = arith.constant 512 : i32
    %broadcast_in_dim3A_134 = vector.broadcast %jit3A_133 : i32 to vector<512x256xi32>
    %select_n3A_135 = arith.select %le3A_132, %iota3A, %broadcast_in_dim3A_134 : vector<512x256xi1>, vector<512x256xi32>
    %reduce_min3A_136 = arith.constant dense<2147483647> : vector<256xi32>
    %reduce_min3A_137 = vector.multi_reduction <minsi>, %select_n3A_135, %reduce_min3A_136 [0] : vector<512x256xi32> to vector<256xi32>
    %broadcast_in_dim3A_138 = vector.shape_cast %reduce_min3A_137 : vector<256xi32> to vector<1x256xi32>
    %eq3A_139 = vector.broadcast %broadcast_in_dim3A_138 : vector<1x256xi32> to vector<512x256xi32>
    %eq3A_140 = arith.cmpi eq, %iota3A, %eq3A_139 : vector<512x256xi32>
    %jit3A_141 = arith.constant 3.000000e+38 : f32
    %broadcast_in_dim3A_142 = vector.broadcast %jit3A_141 : f32 to vector<512x256xf32>
    %select_n3A_143 = arith.select %eq3A_140, %broadcast_in_dim3A_142, %select_n3A_127 : vector<512x256xi1>, vector<512x256xf32>
    %reduce_min3A_144 = arith.constant dense<0x7F800000> : vector<256xf32>
    %reduce_min3A_145 = vector.multi_reduction <minimumf>, %select_n3A_143, %reduce_min3A_144 [0] : vector<512x256xf32> to vector<256xf32>
    %broadcast_in_dim3A_146 = vector.shape_cast %reduce_min3A_145 : vector<256xf32> to vector<1x256xf32>
    %le3A_147 = vector.broadcast %broadcast_in_dim3A_146 : vector<1x256xf32> to vector<512x256xf32>
    %le3A_148 = arith.cmpf ole, %select_n3A_143, %le3A_147 : vector<512x256xf32>
    %jit3A_149 = arith.constant 512 : i32
    %broadcast_in_dim3A_150 = vector.broadcast %jit3A_149 : i32 to vector<512x256xi32>
    %select_n3A_151 = arith.select %le3A_148, %iota3A, %broadcast_in_dim3A_150 : vector<512x256xi1>, vector<512x256xi32>
    %reduce_min3A_152 = arith.constant dense<2147483647> : vector<256xi32>
    %reduce_min3A_153 = vector.multi_reduction <minsi>, %select_n3A_151, %reduce_min3A_152 [0] : vector<512x256xi32> to vector<256xi32>
    %broadcast_in_dim3A_154 = vector.shape_cast %reduce_min3A_153 : vector<256xi32> to vector<1x256xi32>
    %eq3A_155 = vector.broadcast %broadcast_in_dim3A_154 : vector<1x256xi32> to vector<512x256xi32>
    %eq3A_156 = arith.cmpi eq, %iota3A, %eq3A_155 : vector<512x256xi32>
    %jit3A_157 = arith.constant 3.000000e+38 : f32
    %broadcast_in_dim3A_158 = vector.broadcast %jit3A_157 : f32 to vector<512x256xf32>
    %select_n3A_159 = arith.select %eq3A_156, %broadcast_in_dim3A_158, %select_n3A_143 : vector<512x256xi1>, vector<512x256xf32>
    %reduce_min3A_160 = arith.constant dense<0x7F800000> : vector<256xf32>
    %reduce_min3A_161 = vector.multi_reduction <minimumf>, %select_n3A_159, %reduce_min3A_160 [0] : vector<512x256xf32> to vector<256xf32>
    %broadcast_in_dim3A_162 = vector.shape_cast %reduce_min3A_161 : vector<256xf32> to vector<1x256xf32>
    %le3A_163 = vector.broadcast %broadcast_in_dim3A_162 : vector<1x256xf32> to vector<512x256xf32>
    %le3A_164 = arith.cmpf ole, %select_n3A_159, %le3A_163 : vector<512x256xf32>
    %jit3A_165 = arith.constant 512 : i32
    %broadcast_in_dim3A_166 = vector.broadcast %jit3A_165 : i32 to vector<512x256xi32>
    %select_n3A_167 = arith.select %le3A_164, %iota3A, %broadcast_in_dim3A_166 : vector<512x256xi1>, vector<512x256xi32>
    %reduce_min3A_168 = arith.constant dense<2147483647> : vector<256xi32>
    %reduce_min3A_169 = vector.multi_reduction <minsi>, %select_n3A_167, %reduce_min3A_168 [0] : vector<512x256xi32> to vector<256xi32>
    %broadcast_in_dim3A_170 = vector.shape_cast %reduce_min3A_169 : vector<256xi32> to vector<1x256xi32>
    %eq3A_171 = vector.broadcast %broadcast_in_dim3A_170 : vector<1x256xi32> to vector<512x256xi32>
    %eq3A_172 = arith.cmpi eq, %iota3A, %eq3A_171 : vector<512x256xi32>
    %jit3A_173 = arith.constant 3.000000e+38 : f32
    %broadcast_in_dim3A_174 = vector.broadcast %jit3A_173 : f32 to vector<512x256xf32>
    %select_n3A_175 = arith.select %eq3A_172, %broadcast_in_dim3A_174, %select_n3A_159 : vector<512x256xi1>, vector<512x256xf32>
    %reduce_min3A_176 = arith.constant dense<0x7F800000> : vector<256xf32>
    %reduce_min3A_177 = vector.multi_reduction <minimumf>, %select_n3A_175, %reduce_min3A_176 [0] : vector<512x256xf32> to vector<256xf32>
    %broadcast_in_dim3A_178 = vector.shape_cast %reduce_min3A_177 : vector<256xf32> to vector<1x256xf32>
    %le3A_179 = vector.broadcast %broadcast_in_dim3A_178 : vector<1x256xf32> to vector<512x256xf32>
    %le3A_180 = arith.cmpf ole, %select_n3A_175, %le3A_179 : vector<512x256xf32>
    %jit3A_181 = arith.constant 512 : i32
    %broadcast_in_dim3A_182 = vector.broadcast %jit3A_181 : i32 to vector<512x256xi32>
    %select_n3A_183 = arith.select %le3A_180, %iota3A, %broadcast_in_dim3A_182 : vector<512x256xi1>, vector<512x256xi32>
    %reduce_min3A_184 = arith.constant dense<2147483647> : vector<256xi32>
    %reduce_min3A_185 = vector.multi_reduction <minsi>, %select_n3A_183, %reduce_min3A_184 [0] : vector<512x256xi32> to vector<256xi32>
    %broadcast_in_dim3A_186 = vector.shape_cast %reduce_min3A_185 : vector<256xi32> to vector<1x256xi32>
    %eq3A_187 = vector.broadcast %broadcast_in_dim3A_186 : vector<1x256xi32> to vector<512x256xi32>
    %eq3A_188 = arith.cmpi eq, %iota3A, %eq3A_187 : vector<512x256xi32>
    %jit3A_189 = arith.constant 3.000000e+38 : f32
    %broadcast_in_dim3A_190 = vector.broadcast %jit3A_189 : f32 to vector<512x256xf32>
    %select_n3A_191 = arith.select %eq3A_188, %broadcast_in_dim3A_190, %select_n3A_175 : vector<512x256xi1>, vector<512x256xf32>
    %reduce_min3A_192 = arith.constant dense<0x7F800000> : vector<256xf32>
    %reduce_min3A_193 = vector.multi_reduction <minimumf>, %select_n3A_191, %reduce_min3A_192 [0] : vector<512x256xf32> to vector<256xf32>
    %broadcast_in_dim3A_194 = vector.shape_cast %reduce_min3A_193 : vector<256xf32> to vector<1x256xf32>
    %le3A_195 = vector.broadcast %broadcast_in_dim3A_194 : vector<1x256xf32> to vector<512x256xf32>
    %le3A_196 = arith.cmpf ole, %select_n3A_191, %le3A_195 : vector<512x256xf32>
    %jit3A_197 = arith.constant 512 : i32
    %broadcast_in_dim3A_198 = vector.broadcast %jit3A_197 : i32 to vector<512x256xi32>
    %select_n3A_199 = arith.select %le3A_196, %iota3A, %broadcast_in_dim3A_198 : vector<512x256xi1>, vector<512x256xi32>
    %reduce_min3A_200 = arith.constant dense<2147483647> : vector<256xi32>
    %reduce_min3A_201 = vector.multi_reduction <minsi>, %select_n3A_199, %reduce_min3A_200 [0] : vector<512x256xi32> to vector<256xi32>
    %broadcast_in_dim3A_202 = vector.shape_cast %reduce_min3A_201 : vector<256xi32> to vector<1x256xi32>
    %eq3A_203 = vector.broadcast %broadcast_in_dim3A_202 : vector<1x256xi32> to vector<512x256xi32>
    %eq3A_204 = arith.cmpi eq, %iota3A, %eq3A_203 : vector<512x256xi32>
    %jit3A_205 = arith.constant 3.000000e+38 : f32
    %broadcast_in_dim3A_206 = vector.broadcast %jit3A_205 : f32 to vector<512x256xf32>
    %select_n3A_207 = arith.select %eq3A_204, %broadcast_in_dim3A_206, %select_n3A_191 : vector<512x256xi1>, vector<512x256xf32>
    %reduce_min3A_208 = arith.constant dense<0x7F800000> : vector<256xf32>
    %reduce_min3A_209 = vector.multi_reduction <minimumf>, %select_n3A_207, %reduce_min3A_208 [0] : vector<512x256xf32> to vector<256xf32>
    %broadcast_in_dim3A_210 = vector.shape_cast %reduce_min3A_209 : vector<256xf32> to vector<1x256xf32>
    %le3A_211 = vector.broadcast %broadcast_in_dim3A_210 : vector<1x256xf32> to vector<512x256xf32>
    %le3A_212 = arith.cmpf ole, %select_n3A_207, %le3A_211 : vector<512x256xf32>
    %jit3A_213 = arith.constant 512 : i32
    %broadcast_in_dim3A_214 = vector.broadcast %jit3A_213 : i32 to vector<512x256xi32>
    %select_n3A_215 = arith.select %le3A_212, %iota3A, %broadcast_in_dim3A_214 : vector<512x256xi1>, vector<512x256xi32>
    %reduce_min3A_216 = arith.constant dense<2147483647> : vector<256xi32>
    %reduce_min3A_217 = vector.multi_reduction <minsi>, %select_n3A_215, %reduce_min3A_216 [0] : vector<512x256xi32> to vector<256xi32>
    %broadcast_in_dim3A_218 = vector.shape_cast %reduce_min3A_217 : vector<256xi32> to vector<1x256xi32>
    %eq3A_219 = vector.broadcast %broadcast_in_dim3A_218 : vector<1x256xi32> to vector<512x256xi32>
    %eq3A_220 = arith.cmpi eq, %iota3A, %eq3A_219 : vector<512x256xi32>
    %jit3A_221 = arith.constant 3.000000e+38 : f32
    %broadcast_in_dim3A_222 = vector.broadcast %jit3A_221 : f32 to vector<512x256xf32>
    %select_n3A_223 = arith.select %eq3A_220, %broadcast_in_dim3A_222, %select_n3A_207 : vector<512x256xi1>, vector<512x256xf32>
    %reduce_min3A_224 = arith.constant dense<0x7F800000> : vector<256xf32>
    %reduce_min3A_225 = vector.multi_reduction <minimumf>, %select_n3A_223, %reduce_min3A_224 [0] : vector<512x256xf32> to vector<256xf32>
    %broadcast_in_dim3A_226 = vector.shape_cast %reduce_min3A_225 : vector<256xf32> to vector<1x256xf32>
    %le3A_227 = vector.broadcast %broadcast_in_dim3A_226 : vector<1x256xf32> to vector<512x256xf32>
    %le3A_228 = arith.cmpf ole, %select_n3A_223, %le3A_227 : vector<512x256xf32>
    %jit3A_229 = arith.constant 512 : i32
    %broadcast_in_dim3A_230 = vector.broadcast %jit3A_229 : i32 to vector<512x256xi32>
    %select_n3A_231 = arith.select %le3A_228, %iota3A, %broadcast_in_dim3A_230 : vector<512x256xi1>, vector<512x256xi32>
    %reduce_min3A_232 = arith.constant dense<2147483647> : vector<256xi32>
    %reduce_min3A_233 = vector.multi_reduction <minsi>, %select_n3A_231, %reduce_min3A_232 [0] : vector<512x256xi32> to vector<256xi32>
    %broadcast_in_dim3A_234 = vector.shape_cast %reduce_min3A_233 : vector<256xi32> to vector<1x256xi32>
    %eq3A_235 = vector.broadcast %broadcast_in_dim3A_234 : vector<1x256xi32> to vector<512x256xi32>
    %eq3A_236 = arith.cmpi eq, %iota3A, %eq3A_235 : vector<512x256xi32>
    %jit3A_237 = arith.constant 3.000000e+38 : f32
    %broadcast_in_dim3A_238 = vector.broadcast %jit3A_237 : f32 to vector<512x256xf32>
    %select_n3A_239 = arith.select %eq3A_236, %broadcast_in_dim3A_238, %select_n3A_223 : vector<512x256xi1>, vector<512x256xf32>
    %reduce_min3A_240 = arith.constant dense<0x7F800000> : vector<256xf32>
    %reduce_min3A_241 = vector.multi_reduction <minimumf>, %select_n3A_239, %reduce_min3A_240 [0] : vector<512x256xf32> to vector<256xf32>
    %broadcast_in_dim3A_242 = vector.shape_cast %reduce_min3A_241 : vector<256xf32> to vector<1x256xf32>
    %le3A_243 = vector.broadcast %broadcast_in_dim3A_242 : vector<1x256xf32> to vector<512x256xf32>
    %le3A_244 = arith.cmpf ole, %select_n3A_239, %le3A_243 : vector<512x256xf32>
    %jit3A_245 = arith.constant 512 : i32
    %broadcast_in_dim3A_246 = vector.broadcast %jit3A_245 : i32 to vector<512x256xi32>
    %select_n3A_247 = arith.select %le3A_244, %iota3A, %broadcast_in_dim3A_246 : vector<512x256xi1>, vector<512x256xi32>
    %reduce_min3A_248 = arith.constant dense<2147483647> : vector<256xi32>
    %reduce_min3A_249 = vector.multi_reduction <minsi>, %select_n3A_247, %reduce_min3A_248 [0] : vector<512x256xi32> to vector<256xi32>
    %broadcast_in_dim3A_250 = vector.shape_cast %reduce_min3A_249 : vector<256xi32> to vector<1x256xi32>
    %eq3A_251 = vector.broadcast %broadcast_in_dim3A_250 : vector<1x256xi32> to vector<512x256xi32>
    %eq3A_252 = arith.cmpi eq, %iota3A, %eq3A_251 : vector<512x256xi32>
    %jit3A_253 = arith.constant 3.000000e+38 : f32
    %broadcast_in_dim3A_254 = vector.broadcast %jit3A_253 : f32 to vector<512x256xf32>
    %select_n3A_255 = arith.select %eq3A_252, %broadcast_in_dim3A_254, %select_n3A_239 : vector<512x256xi1>, vector<512x256xf32>
    %reduce_min3A_256 = arith.constant dense<0x7F800000> : vector<256xf32>
    %reduce_min3A_257 = vector.multi_reduction <minimumf>, %select_n3A_255, %reduce_min3A_256 [0] : vector<512x256xf32> to vector<256xf32>
    %broadcast_in_dim3A_258 = vector.shape_cast %reduce_min3A_257 : vector<256xf32> to vector<1x256xf32>
    %le3A_259 = vector.broadcast %broadcast_in_dim3A_258 : vector<1x256xf32> to vector<512x256xf32>
    %le3A_260 = arith.cmpf ole, %select_n3A_255, %le3A_259 : vector<512x256xf32>
    %jit3A_261 = arith.constant 512 : i32
    %broadcast_in_dim3A_262 = vector.broadcast %jit3A_261 : i32 to vector<512x256xi32>
    %select_n3A_263 = arith.select %le3A_260, %iota3A, %broadcast_in_dim3A_262 : vector<512x256xi1>, vector<512x256xi32>
    %reduce_min3A_264 = arith.constant dense<2147483647> : vector<256xi32>
    %reduce_min3A_265 = vector.multi_reduction <minsi>, %select_n3A_263, %reduce_min3A_264 [0] : vector<512x256xi32> to vector<256xi32>
    %broadcast_in_dim3A_266 = vector.shape_cast %reduce_min3A_265 : vector<256xi32> to vector<1x256xi32>
    %concatenate3A = tpu.concatenate %broadcast_in_dim3A_27, %broadcast_in_dim3A_42, %broadcast_in_dim3A_58, %broadcast_in_dim3A_74, %broadcast_in_dim3A_90, %broadcast_in_dim3A_106, %broadcast_in_dim3A_122, %broadcast_in_dim3A_138, %broadcast_in_dim3A_154, %broadcast_in_dim3A_170, %broadcast_in_dim3A_186, %broadcast_in_dim3A_202, %broadcast_in_dim3A_218, %broadcast_in_dim3A_234, %broadcast_in_dim3A_250, %broadcast_in_dim3A_266 in 0 : vector<1x256xi32>, vector<1x256xi32>, vector<1x256xi32>, vector<1x256xi32>, vector<1x256xi32>, vector<1x256xi32>, vector<1x256xi32>, vector<1x256xi32>, vector<1x256xi32>, vector<1x256xi32>, vector<1x256xi32>, vector<1x256xi32>, vector<1x256xi32>, vector<1x256xi32>, vector<1x256xi32>, vector<1x256xi32> -> vector<16x256xi32>
    %mul3A_267 = arith.constant 512 : i32
    %mul3A_268 = arith.muli %arg0, %mul3A_267 : i32
    %add3A_269 = vector.broadcast %mul3A_268 : i32 to vector<16x256xi32>
    %add3A_270 = arith.addi %concatenate3A, %add3A_269 : vector<16x256xi32>
    %swap3A = arith.constant 0 : index
    %swap3A_271 = arith.constant 0 : index
    %swap3A_272 = arith.constant 0 : index
    %swap3A_273 = vector.load %arg3[%swap3A, %swap3A_271, %swap3A_272] : memref<1x16x256xi32, #tpu.memory_space<vmem>>, vector<1x16x256xi32>
    %swap3A_274 = vector.shape_cast %swap3A_273 : vector<1x16x256xi32> to vector<16x256xi32>
    %swap3A_275 = vector.shape_cast %add3A_270 : vector<16x256xi32> to vector<1x16x256xi32>
    tpu.vector_store %arg3[%swap3A, %swap3A_271, %swap3A_272], %swap3A_275 {strides = array<i32>} : memref<1x16x256xi32, #tpu.memory_space<vmem>>, vector<1x16x256xi32>,
    %slice3A_276 = vector.extract_strided_slice %get3A_3 {offsets = [0, 0], sizes = [256, 3], strides = [1, 1]} : vector<512x3xf32> to vector<256x3xf32>
    %slice3A_277 = vector.extract_strided_slice %get3A_8 {offsets = [0, 0], sizes = [3, 128], strides = [1, 1]} : vector<3x512xf32> to vector<3x128xf32>
    %dot_general3A_278 = arith.constant dense<0.000000e+00> : vector<256x128xf32>
    %dot_general3A_279 = tpu.matmul %slice3A_276, %slice3A_277, %dot_general3A_278 {dimension_numbers = #tpu.dot_dimension_numbers<[1], [0], [0], [1], [0, 0, 1, 1], [], []>, transpose_lhs_hint = false} : vector<256x3xf32>, vector<3x128xf32>, vector<256x128xf32> -> vector<256x128xf32>
    %slice3A_280 = vector.extract_strided_slice %broadcast_in_dim3A_13 {offsets = [0, 0], sizes = [1, 128], strides = [1, 1]} : vector<1x512xf32> to vector<1x128xf32>
    %slice3A_281 = vector.extract_strided_slice %broadcast_in_dim3A {offsets = [0, 0], sizes = [256, 1], strides = [1, 1]} : vector<512x1xf32> to vector<256x1xf32>
    %add3A_282 = vector.broadcast %slice3A_280 : vector<1x128xf32> to vector<256x128xf32>
    %add3A_283 = vector.broadcast %slice3A_281 : vector<256x1xf32> to vector<256x128xf32>
    %add3A_284 = arith.addf %add3A_282, %add3A_283 : vector<256x128xf32>
    %mul3A_285 = arith.constant 2.000000e+00 : f32
    %mul3A_286 = vector.broadcast %mul3A_285 : f32 to vector<256x128xf32>
    %mul3A_287 = arith.mulf %mul3A_286, %dot_general3A_279 : vector<256x128xf32>
    %sub3A_288 = arith.subf %add3A_284, %mul3A_287 : vector<256x128xf32>
    %iota3A_289 = tpu.iota {dimensions = array<i32: 0>} : vector<256x128xi32>
    %reduce_min3A_290 = arith.constant dense<0x7F800000> : vector<128xf32>
    %reduce_min3A_291 = vector.multi_reduction <minimumf>, %sub3A_288, %reduce_min3A_290 [0] : vector<256x128xf32> to vector<128xf32>
    %broadcast_in_dim3A_292 = vector.shape_cast %reduce_min3A_291 : vector<128xf32> to vector<1x128xf32>
    %le3A_293 = vector.broadcast %broadcast_in_dim3A_292 : vector<1x128xf32> to vector<256x128xf32>
    %le3A_294 = arith.cmpf ole, %sub3A_288, %le3A_293 : vector<256x128xf32>
    %jit3A_295 = arith.constant 256 : i32
    %broadcast_in_dim3A_296 = vector.broadcast %jit3A_295 : i32 to vector<256x128xi32>
    %select_n3A_297 = arith.select %le3A_294, %iota3A_289, %broadcast_in_dim3A_296 : vector<256x128xi1>, vector<256x128xi32>
    %reduce_min3A_298 = arith.constant dense<2147483647> : vector<128xi32>
    %reduce_min3A_299 = vector.multi_reduction <minsi>, %select_n3A_297, %reduce_min3A_298 [0] : vector<256x128xi32> to vector<128xi32>
    %broadcast_in_dim3A_300 = vector.shape_cast %reduce_min3A_299 : vector<128xi32> to vector<1x128xi32>
    %eq3A_301 = vector.broadcast %broadcast_in_dim3A_300 : vector<1x128xi32> to vector<256x128xi32>
    %eq3A_302 = arith.cmpi eq, %iota3A_289, %eq3A_301 : vector<256x128xi32>
    %jit3A_303 = arith.constant 3.000000e+38 : f32
    %broadcast_in_dim3A_304 = vector.broadcast %jit3A_303 : f32 to vector<256x128xf32>
    %select_n3A_305 = arith.select %eq3A_302, %broadcast_in_dim3A_304, %sub3A_288 : vector<256x128xi1>, vector<256x128xf32>
    %reduce_min3A_306 = arith.constant dense<0x7F800000> : vector<128xf32>
    %reduce_min3A_307 = vector.multi_reduction <minimumf>, %select_n3A_305, %reduce_min3A_306 [0] : vector<256x128xf32> to vector<128xf32>
    %broadcast_in_dim3A_308 = vector.shape_cast %reduce_min3A_307 : vector<128xf32> to vector<1x128xf32>
    %le3A_309 = vector.broadcast %broadcast_in_dim3A_308 : vector<1x128xf32> to vector<256x128xf32>
    %le3A_310 = arith.cmpf ole, %select_n3A_305, %le3A_309 : vector<256x128xf32>
    %jit3A_311 = arith.constant 256 : i32
    %broadcast_in_dim3A_312 = vector.broadcast %jit3A_311 : i32 to vector<256x128xi32>
    %select_n3A_313 = arith.select %le3A_310, %iota3A_289, %broadcast_in_dim3A_312 : vector<256x128xi1>, vector<256x128xi32>
    %reduce_min3A_314 = arith.constant dense<2147483647> : vector<128xi32>
    %reduce_min3A_315 = vector.multi_reduction <minsi>, %select_n3A_313, %reduce_min3A_314 [0] : vector<256x128xi32> to vector<128xi32>
    %broadcast_in_dim3A_316 = vector.shape_cast %reduce_min3A_315 : vector<128xi32> to vector<1x128xi32>
    %eq3A_317 = vector.broadcast %broadcast_in_dim3A_316 : vector<1x128xi32> to vector<256x128xi32>
    %eq3A_318 = arith.cmpi eq, %iota3A_289, %eq3A_317 : vector<256x128xi32>
    %jit3A_319 = arith.constant 3.000000e+38 : f32
    %broadcast_in_dim3A_320 = vector.broadcast %jit3A_319 : f32 to vector<256x128xf32>
    %select_n3A_321 = arith.select %eq3A_318, %broadcast_in_dim3A_320, %select_n3A_305 : vector<256x128xi1>, vector<256x128xf32>
    %reduce_min3A_322 = arith.constant dense<0x7F800000> : vector<128xf32>
    %reduce_min3A_323 = vector.multi_reduction <minimumf>, %select_n3A_321, %reduce_min3A_322 [0] : vector<256x128xf32> to vector<128xf32>
    %broadcast_in_dim3A_324 = vector.shape_cast %reduce_min3A_323 : vector<128xf32> to vector<1x128xf32>
    %le3A_325 = vector.broadcast %broadcast_in_dim3A_324 : vector<1x128xf32> to vector<256x128xf32>
    %le3A_326 = arith.cmpf ole, %select_n3A_321, %le3A_325 : vector<256x128xf32>
    %jit3A_327 = arith.constant 256 : i32
    %broadcast_in_dim3A_328 = vector.broadcast %jit3A_327 : i32 to vector<256x128xi32>
    %select_n3A_329 = arith.select %le3A_326, %iota3A_289, %broadcast_in_dim3A_328 : vector<256x128xi1>, vector<256x128xi32>
    %reduce_min3A_330 = arith.constant dense<2147483647> : vector<128xi32>
    %reduce_min3A_331 = vector.multi_reduction <minsi>, %select_n3A_329, %reduce_min3A_330 [0] : vector<256x128xi32> to vector<128xi32>
    %broadcast_in_dim3A_332 = vector.shape_cast %reduce_min3A_331 : vector<128xi32> to vector<1x128xi32>
    %eq3A_333 = vector.broadcast %broadcast_in_dim3A_332 : vector<1x128xi32> to vector<256x128xi32>
    %eq3A_334 = arith.cmpi eq, %iota3A_289, %eq3A_333 : vector<256x128xi32>
    %jit3A_335 = arith.constant 3.000000e+38 : f32
    %broadcast_in_dim3A_336 = vector.broadcast %jit3A_335 : f32 to vector<256x128xf32>
    %select_n3A_337 = arith.select %eq3A_334, %broadcast_in_dim3A_336, %select_n3A_321 : vector<256x128xi1>, vector<256x128xf32>
    %reduce_min3A_338 = arith.constant dense<0x7F800000> : vector<128xf32>
    %reduce_min3A_339 = vector.multi_reduction <minimumf>, %select_n3A_337, %reduce_min3A_338 [0] : vector<256x128xf32> to vector<128xf32>
    %broadcast_in_dim3A_340 = vector.shape_cast %reduce_min3A_339 : vector<128xf32> to vector<1x128xf32>
    %le3A_341 = vector.broadcast %broadcast_in_dim3A_340 : vector<1x128xf32> to vector<256x128xf32>
    %le3A_342 = arith.cmpf ole, %select_n3A_337, %le3A_341 : vector<256x128xf32>
    %jit3A_343 = arith.constant 256 : i32
    %broadcast_in_dim3A_344 = vector.broadcast %jit3A_343 : i32 to vector<256x128xi32>
    %select_n3A_345 = arith.select %le3A_342, %iota3A_289, %broadcast_in_dim3A_344 : vector<256x128xi1>, vector<256x128xi32>
    %reduce_min3A_346 = arith.constant dense<2147483647> : vector<128xi32>
    %reduce_min3A_347 = vector.multi_reduction <minsi>, %select_n3A_345, %reduce_min3A_346 [0] : vector<256x128xi32> to vector<128xi32>
    %broadcast_in_dim3A_348 = vector.shape_cast %reduce_min3A_347 : vector<128xi32> to vector<1x128xi32>
    %eq3A_349 = vector.broadcast %broadcast_in_dim3A_348 : vector<1x128xi32> to vector<256x128xi32>
    %eq3A_350 = arith.cmpi eq, %iota3A_289, %eq3A_349 : vector<256x128xi32>
    %jit3A_351 = arith.constant 3.000000e+38 : f32
    %broadcast_in_dim3A_352 = vector.broadcast %jit3A_351 : f32 to vector<256x128xf32>
    %select_n3A_353 = arith.select %eq3A_350, %broadcast_in_dim3A_352, %select_n3A_337 : vector<256x128xi1>, vector<256x128xf32>
    %reduce_min3A_354 = arith.constant dense<0x7F800000> : vector<128xf32>
    %reduce_min3A_355 = vector.multi_reduction <minimumf>, %select_n3A_353, %reduce_min3A_354 [0] : vector<256x128xf32> to vector<128xf32>
    %broadcast_in_dim3A_356 = vector.shape_cast %reduce_min3A_355 : vector<128xf32> to vector<1x128xf32>
    %le3A_357 = vector.broadcast %broadcast_in_dim3A_356 : vector<1x128xf32> to vector<256x128xf32>
    %le3A_358 = arith.cmpf ole, %select_n3A_353, %le3A_357 : vector<256x128xf32>
    %jit3A_359 = arith.constant 256 : i32
    %broadcast_in_dim3A_360 = vector.broadcast %jit3A_359 : i32 to vector<256x128xi32>
    %select_n3A_361 = arith.select %le3A_358, %iota3A_289, %broadcast_in_dim3A_360 : vector<256x128xi1>, vector<256x128xi32>
    %reduce_min3A_362 = arith.constant dense<2147483647> : vector<128xi32>
    %reduce_min3A_363 = vector.multi_reduction <minsi>, %select_n3A_361, %reduce_min3A_362 [0] : vector<256x128xi32> to vector<128xi32>
    %broadcast_in_dim3A_364 = vector.shape_cast %reduce_min3A_363 : vector<128xi32> to vector<1x128xi32>
    %eq3A_365 = vector.broadcast %broadcast_in_dim3A_364 : vector<1x128xi32> to vector<256x128xi32>
    %eq3A_366 = arith.cmpi eq, %iota3A_289, %eq3A_365 : vector<256x128xi32>
    %jit3A_367 = arith.constant 3.000000e+38 : f32
    %broadcast_in_dim3A_368 = vector.broadcast %jit3A_367 : f32 to vector<256x128xf32>
    %select_n3A_369 = arith.select %eq3A_366, %broadcast_in_dim3A_368, %select_n3A_353 : vector<256x128xi1>, vector<256x128xf32>
    %reduce_min3A_370 = arith.constant dense<0x7F800000> : vector<128xf32>
    %reduce_min3A_371 = vector.multi_reduction <minimumf>, %select_n3A_369, %reduce_min3A_370 [0] : vector<256x128xf32> to vector<128xf32>
    %broadcast_in_dim3A_372 = vector.shape_cast %reduce_min3A_371 : vector<128xf32> to vector<1x128xf32>
    %le3A_373 = vector.broadcast %broadcast_in_dim3A_372 : vector<1x128xf32> to vector<256x128xf32>
    %le3A_374 = arith.cmpf ole, %select_n3A_369, %le3A_373 : vector<256x128xf32>
    %jit3A_375 = arith.constant 256 : i32
    %broadcast_in_dim3A_376 = vector.broadcast %jit3A_375 : i32 to vector<256x128xi32>
    %select_n3A_377 = arith.select %le3A_374, %iota3A_289, %broadcast_in_dim3A_376 : vector<256x128xi1>, vector<256x128xi32>
    %reduce_min3A_378 = arith.constant dense<2147483647> : vector<128xi32>
    %reduce_min3A_379 = vector.multi_reduction <minsi>, %select_n3A_377, %reduce_min3A_378 [0] : vector<256x128xi32> to vector<128xi32>
    %broadcast_in_dim3A_380 = vector.shape_cast %reduce_min3A_379 : vector<128xi32> to vector<1x128xi32>
    %eq3A_381 = vector.broadcast %broadcast_in_dim3A_380 : vector<1x128xi32> to vector<256x128xi32>
    %eq3A_382 = arith.cmpi eq, %iota3A_289, %eq3A_381 : vector<256x128xi32>
    %jit3A_383 = arith.constant 3.000000e+38 : f32
    %broadcast_in_dim3A_384 = vector.broadcast %jit3A_383 : f32 to vector<256x128xf32>
    %select_n3A_385 = arith.select %eq3A_382, %broadcast_in_dim3A_384, %select_n3A_369 : vector<256x128xi1>, vector<256x128xf32>
    %reduce_min3A_386 = arith.constant dense<0x7F800000> : vector<128xf32>
    %reduce_min3A_387 = vector.multi_reduction <minimumf>, %select_n3A_385, %reduce_min3A_386 [0] : vector<256x128xf32> to vector<128xf32>
    %broadcast_in_dim3A_388 = vector.shape_cast %reduce_min3A_387 : vector<128xf32> to vector<1x128xf32>
    %le3A_389 = vector.broadcast %broadcast_in_dim3A_388 : vector<1x128xf32> to vector<256x128xf32>
    %le3A_390 = arith.cmpf ole, %select_n3A_385, %le3A_389 : vector<256x128xf32>
    %jit3A_391 = arith.constant 256 : i32
    %broadcast_in_dim3A_392 = vector.broadcast %jit3A_391 : i32 to vector<256x128xi32>
    %select_n3A_393 = arith.select %le3A_390, %iota3A_289, %broadcast_in_dim3A_392 : vector<256x128xi1>, vector<256x128xi32>
    %reduce_min3A_394 = arith.constant dense<2147483647> : vector<128xi32>
    %reduce_min3A_395 = vector.multi_reduction <minsi>, %select_n3A_393, %reduce_min3A_394 [0] : vector<256x128xi32> to vector<128xi32>
    %broadcast_in_dim3A_396 = vector.shape_cast %reduce_min3A_395 : vector<128xi32> to vector<1x128xi32>
    %eq3A_397 = vector.broadcast %broadcast_in_dim3A_396 : vector<1x128xi32> to vector<256x128xi32>
    %eq3A_398 = arith.cmpi eq, %iota3A_289, %eq3A_397 : vector<256x128xi32>
    %jit3A_399 = arith.constant 3.000000e+38 : f32
    %broadcast_in_dim3A_400 = vector.broadcast %jit3A_399 : f32 to vector<256x128xf32>
    %select_n3A_401 = arith.select %eq3A_398, %broadcast_in_dim3A_400, %select_n3A_385 : vector<256x128xi1>, vector<256x128xf32>
    %reduce_min3A_402 = arith.constant dense<0x7F800000> : vector<128xf32>
    %reduce_min3A_403 = vector.multi_reduction <minimumf>, %select_n3A_401, %reduce_min3A_402 [0] : vector<256x128xf32> to vector<128xf32>
    %broadcast_in_dim3A_404 = vector.shape_cast %reduce_min3A_403 : vector<128xf32> to vector<1x128xf32>
    %le3A_405 = vector.broadcast %broadcast_in_dim3A_404 : vector<1x128xf32> to vector<256x128xf32>
    %le3A_406 = arith.cmpf ole, %select_n3A_401, %le3A_405 : vector<256x128xf32>
    %jit3A_407 = arith.constant 256 : i32
    %broadcast_in_dim3A_408 = vector.broadcast %jit3A_407 : i32 to vector<256x128xi32>
    %select_n3A_409 = arith.select %le3A_406, %iota3A_289, %broadcast_in_dim3A_408 : vector<256x128xi1>, vector<256x128xi32>
    %reduce_min3A_410 = arith.constant dense<2147483647> : vector<128xi32>
    %reduce_min3A_411 = vector.multi_reduction <minsi>, %select_n3A_409, %reduce_min3A_410 [0] : vector<256x128xi32> to vector<128xi32>
    %broadcast_in_dim3A_412 = vector.shape_cast %reduce_min3A_411 : vector<128xi32> to vector<1x128xi32>
    %eq3A_413 = vector.broadcast %broadcast_in_dim3A_412 : vector<1x128xi32> to vector<256x128xi32>
    %eq3A_414 = arith.cmpi eq, %iota3A_289, %eq3A_413 : vector<256x128xi32>
    %jit3A_415 = arith.constant 3.000000e+38 : f32
    %broadcast_in_dim3A_416 = vector.broadcast %jit3A_415 : f32 to vector<256x128xf32>
    %select_n3A_417 = arith.select %eq3A_414, %broadcast_in_dim3A_416, %select_n3A_401 : vector<256x128xi1>, vector<256x128xf32>
    %reduce_min3A_418 = arith.constant dense<0x7F800000> : vector<128xf32>
    %reduce_min3A_419 = vector.multi_reduction <minimumf>, %select_n3A_417, %reduce_min3A_418 [0] : vector<256x128xf32> to vector<128xf32>
    %broadcast_in_dim3A_420 = vector.shape_cast %reduce_min3A_419 : vector<128xf32> to vector<1x128xf32>
    %le3A_421 = vector.broadcast %broadcast_in_dim3A_420 : vector<1x128xf32> to vector<256x128xf32>
    %le3A_422 = arith.cmpf ole, %select_n3A_417, %le3A_421 : vector<256x128xf32>
    %jit3A_423 = arith.constant 256 : i32
    %broadcast_in_dim3A_424 = vector.broadcast %jit3A_423 : i32 to vector<256x128xi32>
    %select_n3A_425 = arith.select %le3A_422, %iota3A_289, %broadcast_in_dim3A_424 : vector<256x128xi1>, vector<256x128xi32>
    %reduce_min3A_426 = arith.constant dense<2147483647> : vector<128xi32>
    %reduce_min3A_427 = vector.multi_reduction <minsi>, %select_n3A_425, %reduce_min3A_426 [0] : vector<256x128xi32> to vector<128xi32>
    %broadcast_in_dim3A_428 = vector.shape_cast %reduce_min3A_427 : vector<128xi32> to vector<1x128xi32>
    %eq3A_429 = vector.broadcast %broadcast_in_dim3A_428 : vector<1x128xi32> to vector<256x128xi32>
    %eq3A_430 = arith.cmpi eq, %iota3A_289, %eq3A_429 : vector<256x128xi32>
    %jit3A_431 = arith.constant 3.000000e+38 : f32
    %broadcast_in_dim3A_432 = vector.broadcast %jit3A_431 : f32 to vector<256x128xf32>
    %select_n3A_433 = arith.select %eq3A_430, %broadcast_in_dim3A_432, %select_n3A_417 : vector<256x128xi1>, vector<256x128xf32>
    %reduce_min3A_434 = arith.constant dense<0x7F800000> : vector<128xf32>
    %reduce_min3A_435 = vector.multi_reduction <minimumf>, %select_n3A_433, %reduce_min3A_434 [0] : vector<256x128xf32> to vector<128xf32>
    %broadcast_in_dim3A_436 = vector.shape_cast %reduce_min3A_435 : vector<128xf32> to vector<1x128xf32>
    %le3A_437 = vector.broadcast %broadcast_in_dim3A_436 : vector<1x128xf32> to vector<256x128xf32>
    %le3A_438 = arith.cmpf ole, %select_n3A_433, %le3A_437 : vector<256x128xf32>
    %jit3A_439 = arith.constant 256 : i32
    %broadcast_in_dim3A_440 = vector.broadcast %jit3A_439 : i32 to vector<256x128xi32>
    %select_n3A_441 = arith.select %le3A_438, %iota3A_289, %broadcast_in_dim3A_440 : vector<256x128xi1>, vector<256x128xi32>
    %reduce_min3A_442 = arith.constant dense<2147483647> : vector<128xi32>
    %reduce_min3A_443 = vector.multi_reduction <minsi>, %select_n3A_441, %reduce_min3A_442 [0] : vector<256x128xi32> to vector<128xi32>
    %broadcast_in_dim3A_444 = vector.shape_cast %reduce_min3A_443 : vector<128xi32> to vector<1x128xi32>
    %eq3A_445 = vector.broadcast %broadcast_in_dim3A_444 : vector<1x128xi32> to vector<256x128xi32>
    %eq3A_446 = arith.cmpi eq, %iota3A_289, %eq3A_445 : vector<256x128xi32>
    %jit3A_447 = arith.constant 3.000000e+38 : f32
    %broadcast_in_dim3A_448 = vector.broadcast %jit3A_447 : f32 to vector<256x128xf32>
    %select_n3A_449 = arith.select %eq3A_446, %broadcast_in_dim3A_448, %select_n3A_433 : vector<256x128xi1>, vector<256x128xf32>
    %reduce_min3A_450 = arith.constant dense<0x7F800000> : vector<128xf32>
    %reduce_min3A_451 = vector.multi_reduction <minimumf>, %select_n3A_449, %reduce_min3A_450 [0] : vector<256x128xf32> to vector<128xf32>
    %broadcast_in_dim3A_452 = vector.shape_cast %reduce_min3A_451 : vector<128xf32> to vector<1x128xf32>
    %le3A_453 = vector.broadcast %broadcast_in_dim3A_452 : vector<1x128xf32> to vector<256x128xf32>
    %le3A_454 = arith.cmpf ole, %select_n3A_449, %le3A_453 : vector<256x128xf32>
    %jit3A_455 = arith.constant 256 : i32
    %broadcast_in_dim3A_456 = vector.broadcast %jit3A_455 : i32 to vector<256x128xi32>
    %select_n3A_457 = arith.select %le3A_454, %iota3A_289, %broadcast_in_dim3A_456 : vector<256x128xi1>, vector<256x128xi32>
    %reduce_min3A_458 = arith.constant dense<2147483647> : vector<128xi32>
    %reduce_min3A_459 = vector.multi_reduction <minsi>, %select_n3A_457, %reduce_min3A_458 [0] : vector<256x128xi32> to vector<128xi32>
    %broadcast_in_dim3A_460 = vector.shape_cast %reduce_min3A_459 : vector<128xi32> to vector<1x128xi32>
    %eq3A_461 = vector.broadcast %broadcast_in_dim3A_460 : vector<1x128xi32> to vector<256x128xi32>
    %eq3A_462 = arith.cmpi eq, %iota3A_289, %eq3A_461 : vector<256x128xi32>
    %jit3A_463 = arith.constant 3.000000e+38 : f32
    %broadcast_in_dim3A_464 = vector.broadcast %jit3A_463 : f32 to vector<256x128xf32>
    %select_n3A_465 = arith.select %eq3A_462, %broadcast_in_dim3A_464, %select_n3A_449 : vector<256x128xi1>, vector<256x128xf32>
    %reduce_min3A_466 = arith.constant dense<0x7F800000> : vector<128xf32>
    %reduce_min3A_467 = vector.multi_reduction <minimumf>, %select_n3A_465, %reduce_min3A_466 [0] : vector<256x128xf32> to vector<128xf32>
    %broadcast_in_dim3A_468 = vector.shape_cast %reduce_min3A_467 : vector<128xf32> to vector<1x128xf32>
    %le3A_469 = vector.broadcast %broadcast_in_dim3A_468 : vector<1x128xf32> to vector<256x128xf32>
    %le3A_470 = arith.cmpf ole, %select_n3A_465, %le3A_469 : vector<256x128xf32>
    %jit3A_471 = arith.constant 256 : i32
    %broadcast_in_dim3A_472 = vector.broadcast %jit3A_471 : i32 to vector<256x128xi32>
    %select_n3A_473 = arith.select %le3A_470, %iota3A_289, %broadcast_in_dim3A_472 : vector<256x128xi1>, vector<256x128xi32>
    %reduce_min3A_474 = arith.constant dense<2147483647> : vector<128xi32>
    %reduce_min3A_475 = vector.multi_reduction <minsi>, %select_n3A_473, %reduce_min3A_474 [0] : vector<256x128xi32> to vector<128xi32>
    %broadcast_in_dim3A_476 = vector.shape_cast %reduce_min3A_475 : vector<128xi32> to vector<1x128xi32>
    %eq3A_477 = vector.broadcast %broadcast_in_dim3A_476 : vector<1x128xi32> to vector<256x128xi32>
    %eq3A_478 = arith.cmpi eq, %iota3A_289, %eq3A_477 : vector<256x128xi32>
    %jit3A_479 = arith.constant 3.000000e+38 : f32
    %broadcast_in_dim3A_480 = vector.broadcast %jit3A_479 : f32 to vector<256x128xf32>
    %select_n3A_481 = arith.select %eq3A_478, %broadcast_in_dim3A_480, %select_n3A_465 : vector<256x128xi1>, vector<256x128xf32>
    %reduce_min3A_482 = arith.constant dense<0x7F800000> : vector<128xf32>
    %reduce_min3A_483 = vector.multi_reduction <minimumf>, %select_n3A_481, %reduce_min3A_482 [0] : vector<256x128xf32> to vector<128xf32>
    %broadcast_in_dim3A_484 = vector.shape_cast %reduce_min3A_483 : vector<128xf32> to vector<1x128xf32>
    %le3A_485 = vector.broadcast %broadcast_in_dim3A_484 : vector<1x128xf32> to vector<256x128xf32>
    %le3A_486 = arith.cmpf ole, %select_n3A_481, %le3A_485 : vector<256x128xf32>
    %jit3A_487 = arith.constant 256 : i32
    %broadcast_in_dim3A_488 = vector.broadcast %jit3A_487 : i32 to vector<256x128xi32>
    %select_n3A_489 = arith.select %le3A_486, %iota3A_289, %broadcast_in_dim3A_488 : vector<256x128xi1>, vector<256x128xi32>
    %reduce_min3A_490 = arith.constant dense<2147483647> : vector<128xi32>
    %reduce_min3A_491 = vector.multi_reduction <minsi>, %select_n3A_489, %reduce_min3A_490 [0] : vector<256x128xi32> to vector<128xi32>
    %broadcast_in_dim3A_492 = vector.shape_cast %reduce_min3A_491 : vector<128xi32> to vector<1x128xi32>
    %eq3A_493 = vector.broadcast %broadcast_in_dim3A_492 : vector<1x128xi32> to vector<256x128xi32>
    %eq3A_494 = arith.cmpi eq, %iota3A_289, %eq3A_493 : vector<256x128xi32>
    %jit3A_495 = arith.constant 3.000000e+38 : f32
    %broadcast_in_dim3A_496 = vector.broadcast %jit3A_495 : f32 to vector<256x128xf32>
    %select_n3A_497 = arith.select %eq3A_494, %broadcast_in_dim3A_496, %select_n3A_481 : vector<256x128xi1>, vector<256x128xf32>
    %reduce_min3A_498 = arith.constant dense<0x7F800000> : vector<128xf32>
    %reduce_min3A_499 = vector.multi_reduction <minimumf>, %select_n3A_497, %reduce_min3A_498 [0] : vector<256x128xf32> to vector<128xf32>
    %broadcast_in_dim3A_500 = vector.shape_cast %reduce_min3A_499 : vector<128xf32> to vector<1x128xf32>
    %le3A_501 = vector.broadcast %broadcast_in_dim3A_500 : vector<1x128xf32> to vector<256x128xf32>
    %le3A_502 = arith.cmpf ole, %select_n3A_497, %le3A_501 : vector<256x128xf32>
    %jit3A_503 = arith.constant 256 : i32
    %broadcast_in_dim3A_504 = vector.broadcast %jit3A_503 : i32 to vector<256x128xi32>
    %select_n3A_505 = arith.select %le3A_502, %iota3A_289, %broadcast_in_dim3A_504 : vector<256x128xi1>, vector<256x128xi32>
    %reduce_min3A_506 = arith.constant dense<2147483647> : vector<128xi32>
    %reduce_min3A_507 = vector.multi_reduction <minsi>, %select_n3A_505, %reduce_min3A_506 [0] : vector<256x128xi32> to vector<128xi32>
    %broadcast_in_dim3A_508 = vector.shape_cast %reduce_min3A_507 : vector<128xi32> to vector<1x128xi32>
    %eq3A_509 = vector.broadcast %broadcast_in_dim3A_508 : vector<1x128xi32> to vector<256x128xi32>
    %eq3A_510 = arith.cmpi eq, %iota3A_289, %eq3A_509 : vector<256x128xi32>
    %jit3A_511 = arith.constant 3.000000e+38 : f32
    %broadcast_in_dim3A_512 = vector.broadcast %jit3A_511 : f32 to vector<256x128xf32>
    %select_n3A_513 = arith.select %eq3A_510, %broadcast_in_dim3A_512, %select_n3A_497 : vector<256x128xi1>, vector<256x128xf32>
    %reduce_min3A_514 = arith.constant dense<0x7F800000> : vector<128xf32>
    %reduce_min3A_515 = vector.multi_reduction <minimumf>, %select_n3A_513, %reduce_min3A_514 [0] : vector<256x128xf32> to vector<128xf32>
    %broadcast_in_dim3A_516 = vector.shape_cast %reduce_min3A_515 : vector<128xf32> to vector<1x128xf32>
    %le3A_517 = vector.broadcast %broadcast_in_dim3A_516 : vector<1x128xf32> to vector<256x128xf32>
    %le3A_518 = arith.cmpf ole, %select_n3A_513, %le3A_517 : vector<256x128xf32>
    %jit3A_519 = arith.constant 256 : i32
    %broadcast_in_dim3A_520 = vector.broadcast %jit3A_519 : i32 to vector<256x128xi32>
    %select_n3A_521 = arith.select %le3A_518, %iota3A_289, %broadcast_in_dim3A_520 : vector<256x128xi1>, vector<256x128xi32>
    %reduce_min3A_522 = arith.constant dense<2147483647> : vector<128xi32>
    %reduce_min3A_523 = vector.multi_reduction <minsi>, %select_n3A_521, %reduce_min3A_522 [0] : vector<256x128xi32> to vector<128xi32>
    %broadcast_in_dim3A_524 = vector.shape_cast %reduce_min3A_523 : vector<128xi32> to vector<1x128xi32>
    %eq3A_525 = vector.broadcast %broadcast_in_dim3A_524 : vector<1x128xi32> to vector<256x128xi32>
    %eq3A_526 = arith.cmpi eq, %iota3A_289, %eq3A_525 : vector<256x128xi32>
    %jit3A_527 = arith.constant 3.000000e+38 : f32
    %broadcast_in_dim3A_528 = vector.broadcast %jit3A_527 : f32 to vector<256x128xf32>
    %select_n3A_529 = arith.select %eq3A_526, %broadcast_in_dim3A_528, %select_n3A_513 : vector<256x128xi1>, vector<256x128xf32>
    %reduce_min3A_530 = arith.constant dense<0x7F800000> : vector<128xf32>
    %reduce_min3A_531 = vector.multi_reduction <minimumf>, %select_n3A_529, %reduce_min3A_530 [0] : vector<256x128xf32> to vector<128xf32>
    %broadcast_in_dim3A_532 = vector.shape_cast %reduce_min3A_531 : vector<128xf32> to vector<1x128xf32>
    %le3A_533 = vector.broadcast %broadcast_in_dim3A_532 : vector<1x128xf32> to vector<256x128xf32>
    %le3A_534 = arith.cmpf ole, %select_n3A_529, %le3A_533 : vector<256x128xf32>
    %jit3A_535 = arith.constant 256 : i32
    %broadcast_in_dim3A_536 = vector.broadcast %jit3A_535 : i32 to vector<256x128xi32>
    %select_n3A_537 = arith.select %le3A_534, %iota3A_289, %broadcast_in_dim3A_536 : vector<256x128xi1>, vector<256x128xi32>
    %reduce_min3A_538 = arith.constant dense<2147483647> : vector<128xi32>
    %reduce_min3A_539 = vector.multi_reduction <minsi>, %select_n3A_537, %reduce_min3A_538 [0] : vector<256x128xi32> to vector<128xi32>
    %broadcast_in_dim3A_540 = vector.shape_cast %reduce_min3A_539 : vector<128xi32> to vector<1x128xi32>
    %concatenate3A_541 = tpu.concatenate %broadcast_in_dim3A_300, %broadcast_in_dim3A_316, %broadcast_in_dim3A_332, %broadcast_in_dim3A_348, %broadcast_in_dim3A_364, %broadcast_in_dim3A_380, %broadcast_in_dim3A_396, %broadcast_in_dim3A_412, %broadcast_in_dim3A_428, %broadcast_in_dim3A_444, %broadcast_in_dim3A_460, %broadcast_in_dim3A_476, %broadcast_in_dim3A_492, %broadcast_in_dim3A_508, %broadcast_in_dim3A_524, %broadcast_in_dim3A_540 in 0 : vector<1x128xi32>, vector<1x128xi32>, vector<1x128xi32>, vector<1x128xi32>, vector<1x128xi32>, vector<1x128xi32>, vector<1x128xi32>, vector<1x128xi32>, vector<1x128xi32>, vector<1x128xi32>, vector<1x128xi32>, vector<1x128xi32>, vector<1x128xi32>, vector<1x128xi32>, vector<1x128xi32>, vector<1x128xi32> -> vector<16x128xi32>
    %mul3A_542 = arith.constant 256 : i32
    %mul3A_543 = arith.muli %arg0, %mul3A_542 : i32
    %add3A_544 = vector.broadcast %mul3A_543 : i32 to vector<16x128xi32>
    %add3A_545 = arith.addi %concatenate3A_541, %add3A_544 : vector<16x128xi32>
    %swap3A_546 = arith.constant 0 : index
    %swap3A_547 = arith.constant 0 : index
    %swap3A_548 = arith.constant 0 : index
    %swap3A_549 = vector.load %arg4[%swap3A_546, %swap3A_547, %swap3A_548] : memref<1x16x128xi32, #tpu.memory_space<vmem>>, vector<1x16x128xi32>
    %swap3A_550 = vector.shape_cast %swap3A_549 : vector<1x16x128xi32> to vector<16x128xi32>
    %swap3A_551 = vector.shape_cast %add3A_545 : vector<16x128xi32> to vector<1x16x128xi32>
    tpu.vector_store %arg4[%swap3A_546, %swap3A_547, %swap3A_548], %swap3A_551 {strides = array<i32>} : memref<1x16x128xi32, #tpu.memory_space<vmem>>, vector<1x16x128xi32>,
    return
  }
  func.func @transform_0(%arg0: i32) -> (i32, i32, i32) {
    %c0_i32 = arith.constant 0 : i32
    %c0_i32_0 = arith.constant 0 : i32
    %c0_i32_1 = arith.constant 0 : i32
    return %arg0, %c0_i32, %c0_i32_0 : i32, i32, i32
  }
  func.func @transform_1(%arg0: i32) -> (i32, i32, i32) {
    %c0_i32 = arith.constant 0 : i32
    %c0_i32_0 = arith.constant 0 : i32
    %c0_i32_1 = arith.constant 0 : i32
    return %arg0, %c0_i32, %c0_i32_0 : i32, i32, i32
  }
  func.func @transform_2(%arg0: i32) -> (i32, i32, i32) {
    %c0_i32 = arith.constant 0 : i32
    %c0_i32_0 = arith.constant 0 : i32
    %c0_i32_1 = arith.constant 0 : i32
    return %arg0, %c0_i32, %c0_i32_0 : i32, i32, i32
  }
  func.func @transform_3(%arg0: i32) -> (i32, i32, i32) {
    %c0_i32 = arith.constant 0 : i32
    %c0_i32_0 = arith.constant 0 : i32
    %c0_i32_1 = arith.constant 0 : i32
    return %arg0, %c0_i32, %c0_i32_0 : i32, i32, i32
  }
}

module attributes {stable_mosaic.version = 14 : i64} {
  func.func @_conv_body(%arg0: i32, %arg1: memref<1x8192x128xf32, #tpu.memory_space<vmem>>, %arg2: memref<1x1024x128xf32, #tpu.memory_space<vmem>>, %arg3: memref<128x128xf32, #tpu.memory_space<vmem>>, %arg4: memref<1x512x128xf32, #tpu.memory_space<vmem>>) attributes {dimension_semantics = [#tpu.dimension_semantics<arbitrary>], iteration_bounds = array<i64: 16>, scalar_prefetch = 0 : i64, scratch_operands = 0 : i64, tpu.core_type = #tpu.core_type<tc>, window_params = [{transform_indices = @transform_0, window_bounds = array<i64: 1, 8192, 128>}, {transform_indices = @transform_1, window_bounds = array<i64: 1, 1024, 128>}, {pipeline_mode = #tpu.pipeline_mode<synchronous>, transform_indices = @transform_2, window_bounds = array<i64: 128, 128>}, {transform_indices = @transform_3, window_bounds = array<i64: 1, 512, 128>}]} {
    %get3A = arith.constant 0 : index
    %get3A_0 = arith.constant 0 : index
    %get3A_1 = arith.constant 0 : index
    %get3A_2 = vector.load %arg1[%get3A, %get3A_0, %get3A_1] : memref<1x8192x128xf32, #tpu.memory_space<vmem>>, vector<1x8192x128xf32>
    %get3A_3 = vector.shape_cast %get3A_2 : vector<1x8192x128xf32> to vector<8192x128xf32>
    %reshape3A = vector.shape_cast %get3A_3 : vector<8192x128xf32> to vector<16x512x128xf32>
    %slice3A = vector.extract_strided_slice %reshape3A {offsets = [0, 0, 0], sizes = [16, 512, 64], strides = [1, 1, 1]} : vector<16x512x128xf32> to vector<16x512x64xf32>
    %get3A_4 = arith.constant 0 : index
    %get3A_5 = arith.constant 0 : index
    %get3A_6 = arith.constant 0 : index
    %get3A_7 = vector.load %arg2[%get3A_4, %get3A_5, %get3A_6] : memref<1x1024x128xf32, #tpu.memory_space<vmem>>, vector<1x1024x128xf32>
    %get3A_8 = vector.shape_cast %get3A_7 : vector<1x1024x128xf32> to vector<1024x128xf32>
    %slice3A_9 = vector.extract_strided_slice %get3A_8 {offsets = [0, 0], sizes = [512, 64], strides = [1, 1]} : vector<1024x128xf32> to vector<512x64xf32>
    %broadcast_in_dim3A = vector.shape_cast %slice3A_9 : vector<512x64xf32> to vector<1x512x64xf32>
    %sub3A = vector.broadcast %broadcast_in_dim3A : vector<1x512x64xf32> to vector<16x512x64xf32>
    %sub3A_10 = arith.subf %slice3A, %sub3A : vector<16x512x64xf32>
    %concatenate3A = tpu.concatenate %slice3A, %sub3A_10 in 2 : vector<16x512x64xf32>, vector<16x512x64xf32> -> vector<16x512x128xf32>
    %reshape3A_11 = vector.shape_cast %concatenate3A : vector<16x512x128xf32> to vector<8192x128xf32>
    %get3A_12 = arith.constant 0 : index
    %get3A_13 = arith.constant 0 : index
    %get3A_14 = vector.load %arg3[%get3A_12, %get3A_13] : memref<128x128xf32, #tpu.memory_space<vmem>>, vector<128x128xf32>
    %dot_general3A = arith.constant dense<0.000000e+00> : vector<8192x128xf32>
    %dot_general3A_15 = tpu.matmul %reshape3A_11, %get3A_14, %dot_general3A {dimension_numbers = #tpu.dot_dimension_numbers<[1], [0], [0], [1], [0, 0, 1, 1], [], []>, transpose_lhs_hint = false} : vector<8192x128xf32>, vector<128x128xf32>, vector<8192x128xf32> -> vector<8192x128xf32>
    %reshape3A_16 = vector.shape_cast %dot_general3A_15 : vector<8192x128xf32> to vector<16x512x128xf32>
    %reduce_max3A = arith.constant dense<0xFF800000> : vector<512x128xf32>
    %reduce_max3A_17 = vector.multi_reduction <maximumf>, %reshape3A_16, %reduce_max3A [0] : vector<16x512x128xf32> to vector<512x128xf32>
    %integer_pow3A = arith.mulf %reduce_max3A_17, %reduce_max3A_17 : vector<512x128xf32>
    %integer_pow3A_18 = arith.mulf %reduce_max3A_17, %integer_pow3A : vector<512x128xf32>
    %mul3A = arith.constant 4.471500e-02 : f32
    %mul3A_19 = vector.broadcast %mul3A : f32 to vector<512x128xf32>
    %mul3A_20 = arith.mulf %mul3A_19, %integer_pow3A_18 : vector<512x128xf32>
    %add3A = arith.addf %reduce_max3A_17, %mul3A_20 : vector<512x128xf32>
    %mul3A_21 = arith.constant 0.797884583 : f32
    %mul3A_22 = vector.broadcast %mul3A_21 : f32 to vector<512x128xf32>
    %mul3A_23 = arith.mulf %mul3A_22, %add3A : vector<512x128xf32>
    %tanh3A = math.tanh %mul3A_23 : vector<512x128xf32>
    %add3A_24 = arith.constant 1.000000e+00 : f32
    %add3A_25 = vector.broadcast %add3A_24 : f32 to vector<512x128xf32>
    %add3A_26 = arith.addf %add3A_25, %tanh3A : vector<512x128xf32>
    %mul3A_27 = arith.constant 5.000000e-01 : f32
    %mul3A_28 = vector.broadcast %mul3A_27 : f32 to vector<512x128xf32>
    %mul3A_29 = arith.mulf %mul3A_28, %add3A_26 : vector<512x128xf32>
    %mul3A_30 = arith.mulf %reduce_max3A_17, %mul3A_29 : vector<512x128xf32>
    %swap3A = arith.constant 0 : index
    %swap3A_31 = arith.constant 0 : index
    %swap3A_32 = arith.constant 0 : index
    %swap3A_33 = vector.load %arg4[%swap3A, %swap3A_31, %swap3A_32] : memref<1x512x128xf32, #tpu.memory_space<vmem>>, vector<1x512x128xf32>
    %swap3A_34 = vector.shape_cast %swap3A_33 : vector<1x512x128xf32> to vector<512x128xf32>
    %swap3A_35 = vector.shape_cast %mul3A_30 : vector<512x128xf32> to vector<1x512x128xf32>
    tpu.vector_store %arg4[%swap3A, %swap3A_31, %swap3A_32], %swap3A_35 {strides = array<i32>} : memref<1x512x128xf32, #tpu.memory_space<vmem>>, vector<1x512x128xf32>,
    return
  }
  func.func @transform_0(%arg0: i32) -> (i32, i32, i32) {
    %c0_i32 = arith.constant 0 : i32
    %c0_i32_0 = arith.constant 0 : i32
    %c0_i32_1 = arith.constant 0 : i32
    return %arg0, %c0_i32, %c0_i32_0 : i32, i32, i32
  }
  func.func @transform_1(%arg0: i32) -> (i32, i32, i32) {
    %c0_i32 = arith.constant 0 : i32
    %c0_i32_0 = arith.constant 0 : i32
    %c0_i32_1 = arith.constant 0 : i32
    return %arg0, %c0_i32, %c0_i32_0 : i32, i32, i32
  }
  func.func @transform_2(%arg0: i32) -> (i32, i32) {
    %c0_i32 = arith.constant 0 : i32
    %c0_i32_0 = arith.constant 0 : i32
    %c0_i32_1 = arith.constant 0 : i32
    return %c0_i32, %c0_i32_0 : i32, i32
  }
  func.func @transform_3(%arg0: i32) -> (i32, i32, i32) {
    %c0_i32 = arith.constant 0 : i32
    %c0_i32_0 = arith.constant 0 : i32
    %c0_i32_1 = arith.constant 0 : i32
    return %arg0, %c0_i32, %c0_i32_0 : i32, i32, i32
  }
}

module attributes {stable_mosaic.version = 14 : i64} {
  func.func @_conv_body(%arg0: i32, %arg1: memref<1x4096x128xf32, #tpu.memory_space<vmem>>, %arg2: memref<1x512x128xf32, #tpu.memory_space<vmem>>, %arg3: memref<256x256xf32, #tpu.memory_space<vmem>>, %arg4: memref<1x256x256xf32, #tpu.memory_space<vmem>>) attributes {dimension_semantics = [#tpu.dimension_semantics<arbitrary>], iteration_bounds = array<i64: 16>, scalar_prefetch = 0 : i64, scratch_operands = 0 : i64, tpu.core_type = #tpu.core_type<tc>, window_params = [{transform_indices = @transform_0, window_bounds = array<i64: 1, 4096, 128>}, {transform_indices = @transform_1, window_bounds = array<i64: 1, 512, 128>}, {pipeline_mode = #tpu.pipeline_mode<synchronous>, transform_indices = @transform_2, window_bounds = array<i64: 256, 256>}, {transform_indices = @transform_3, window_bounds = array<i64: 1, 256, 256>}]} {
    %get3A = arith.constant 0 : index
    %get3A_0 = arith.constant 0 : index
    %get3A_1 = arith.constant 0 : index
    %get3A_2 = vector.load %arg1[%get3A, %get3A_0, %get3A_1] : memref<1x4096x128xf32, #tpu.memory_space<vmem>>, vector<1x4096x128xf32>
    %get3A_3 = vector.shape_cast %get3A_2 : vector<1x4096x128xf32> to vector<4096x128xf32>
    %reshape3A = vector.shape_cast %get3A_3 : vector<4096x128xf32> to vector<16x256x128xf32>
    %get3A_4 = arith.constant 0 : index
    %get3A_5 = arith.constant 0 : index
    %get3A_6 = arith.constant 0 : index
    %get3A_7 = vector.load %arg2[%get3A_4, %get3A_5, %get3A_6] : memref<1x512x128xf32, #tpu.memory_space<vmem>>, vector<1x512x128xf32>
    %get3A_8 = vector.shape_cast %get3A_7 : vector<1x512x128xf32> to vector<512x128xf32>
    %slice3A = vector.extract_strided_slice %get3A_8 {offsets = [0, 0], sizes = [256, 128], strides = [1, 1]} : vector<512x128xf32> to vector<256x128xf32>
    %broadcast_in_dim3A = vector.shape_cast %slice3A : vector<256x128xf32> to vector<1x256x128xf32>
    %sub3A = vector.broadcast %broadcast_in_dim3A : vector<1x256x128xf32> to vector<16x256x128xf32>
    %sub3A_9 = arith.subf %reshape3A, %sub3A : vector<16x256x128xf32>
    %concatenate3A = tpu.concatenate %reshape3A, %sub3A_9 in 2 : vector<16x256x128xf32>, vector<16x256x128xf32> -> vector<16x256x256xf32>
    %reshape3A_10 = vector.shape_cast %concatenate3A : vector<16x256x256xf32> to vector<4096x256xf32>
    %get3A_11 = arith.constant 0 : index
    %get3A_12 = arith.constant 0 : index
    %get3A_13 = vector.load %arg3[%get3A_11, %get3A_12] : memref<256x256xf32, #tpu.memory_space<vmem>>, vector<256x256xf32>
    %dot_general3A = arith.constant dense<0.000000e+00> : vector<4096x256xf32>
    %dot_general3A_14 = tpu.matmul %reshape3A_10, %get3A_13, %dot_general3A {dimension_numbers = #tpu.dot_dimension_numbers<[1], [0], [0], [1], [0, 0, 1, 1], [], []>, transpose_lhs_hint = false} : vector<4096x256xf32>, vector<256x256xf32>, vector<4096x256xf32> -> vector<4096x256xf32>
    %reshape3A_15 = vector.shape_cast %dot_general3A_14 : vector<4096x256xf32> to vector<16x256x256xf32>
    %reduce_max3A = arith.constant dense<0xFF800000> : vector<256x256xf32>
    %reduce_max3A_16 = vector.multi_reduction <maximumf>, %reshape3A_15, %reduce_max3A [0] : vector<16x256x256xf32> to vector<256x256xf32>
    %integer_pow3A = arith.mulf %reduce_max3A_16, %reduce_max3A_16 : vector<256x256xf32>
    %integer_pow3A_17 = arith.mulf %reduce_max3A_16, %integer_pow3A : vector<256x256xf32>
    %mul3A = arith.constant 4.471500e-02 : f32
    %mul3A_18 = vector.broadcast %mul3A : f32 to vector<256x256xf32>
    %mul3A_19 = arith.mulf %mul3A_18, %integer_pow3A_17 : vector<256x256xf32>
    %add3A = arith.addf %reduce_max3A_16, %mul3A_19 : vector<256x256xf32>
    %mul3A_20 = arith.constant 0.797884583 : f32
    %mul3A_21 = vector.broadcast %mul3A_20 : f32 to vector<256x256xf32>
    %mul3A_22 = arith.mulf %mul3A_21, %add3A : vector<256x256xf32>
    %tanh3A = math.tanh %mul3A_22 : vector<256x256xf32>
    %add3A_23 = arith.constant 1.000000e+00 : f32
    %add3A_24 = vector.broadcast %add3A_23 : f32 to vector<256x256xf32>
    %add3A_25 = arith.addf %add3A_24, %tanh3A : vector<256x256xf32>
    %mul3A_26 = arith.constant 5.000000e-01 : f32
    %mul3A_27 = vector.broadcast %mul3A_26 : f32 to vector<256x256xf32>
    %mul3A_28 = arith.mulf %mul3A_27, %add3A_25 : vector<256x256xf32>
    %mul3A_29 = arith.mulf %reduce_max3A_16, %mul3A_28 : vector<256x256xf32>
    %swap3A = arith.constant 0 : index
    %swap3A_30 = arith.constant 0 : index
    %swap3A_31 = arith.constant 0 : index
    %swap3A_32 = vector.load %arg4[%swap3A, %swap3A_30, %swap3A_31] : memref<1x256x256xf32, #tpu.memory_space<vmem>>, vector<1x256x256xf32>
    %swap3A_33 = vector.shape_cast %swap3A_32 : vector<1x256x256xf32> to vector<256x256xf32>
    %swap3A_34 = vector.shape_cast %mul3A_29 : vector<256x256xf32> to vector<1x256x256xf32>
    tpu.vector_store %arg4[%swap3A, %swap3A_30, %swap3A_31], %swap3A_34 {strides = array<i32>} : memref<1x256x256xf32, #tpu.memory_space<vmem>>, vector<1x256x256xf32>,
    return
  }
  func.func @transform_0(%arg0: i32) -> (i32, i32, i32) {
    %c0_i32 = arith.constant 0 : i32
    %c0_i32_0 = arith.constant 0 : i32
    %c0_i32_1 = arith.constant 0 : i32
    return %arg0, %c0_i32, %c0_i32_0 : i32, i32, i32
  }
  func.func @transform_1(%arg0: i32) -> (i32, i32, i32) {
    %c0_i32 = arith.constant 0 : i32
    %c0_i32_0 = arith.constant 0 : i32
    %c0_i32_1 = arith.constant 0 : i32
    return %arg0, %c0_i32, %c0_i32_0 : i32, i32, i32
  }
  func.func @transform_2(%arg0: i32) -> (i32, i32) {
    %c0_i32 = arith.constant 0 : i32
    %c0_i32_0 = arith.constant 0 : i32
    %c0_i32_1 = arith.constant 0 : i32
    return %c0_i32, %c0_i32_0 : i32, i32
  }
  func.func @transform_3(%arg0: i32) -> (i32, i32, i32) {
    %c0_i32 = arith.constant 0 : i32
    %c0_i32_0 = arith.constant 0 : i32
    %c0_i32_1 = arith.constant 0 : i32
    return %arg0, %c0_i32, %c0_i32_0 : i32, i32, i32
  }
}

module attributes {stable_mosaic.version = 14 : i64} {
  func.func @_conv_tail_body(%arg0: i32, %arg1: memref<1x2048x256xf32, #tpu.memory_space<vmem>>, %arg2: memref<1x256x256xf32, #tpu.memory_space<vmem>>, %arg3: memref<512x512xf32, #tpu.memory_space<vmem>>, %arg4: memref<512x1024xf32, #tpu.memory_space<vmem>>, %arg5: memref<2048x512xf32, #tpu.memory_space<vmem>>, %arg6: memref<1x512xf32, #tpu.memory_space<vmem>>, %arg7: memref<1x512xf32, #tpu.memory_space<vmem>>, %arg8: memref<512x40xf32, #tpu.memory_space<vmem>>, %arg9: memref<1x40xf32, #tpu.memory_space<vmem>>, %arg10: memref<1x1x40xf32, #tpu.memory_space<vmem>>) attributes {dimension_semantics = [#tpu.dimension_semantics<arbitrary>], iteration_bounds = array<i64: 16>, scalar_prefetch = 0 : i64, scratch_operands = 0 : i64, tpu.core_type = #tpu.core_type<tc>, window_params = [{transform_indices = @transform_0, window_bounds = array<i64: 1, 2048, 256>}, {transform_indices = @transform_1, window_bounds = array<i64: 1, 256, 256>}, {pipeline_mode = #tpu.pipeline_mode<synchronous>, transform_indices = @transform_2, window_bounds = array<i64: 512, 512>}, {pipeline_mode = #tpu.pipeline_mode<synchronous>, transform_indices = @transform_3, window_bounds = array<i64: 512, 1024>}, {pipeline_mode = #tpu.pipeline_mode<synchronous>, transform_indices = @transform_4, window_bounds = array<i64: 2048, 512>}, {pipeline_mode = #tpu.pipeline_mode<synchronous>, transform_indices = @transform_5, window_bounds = array<i64: 1, 512>}, {pipeline_mode = #tpu.pipeline_mode<synchronous>, transform_indices = @transform_6, window_bounds = array<i64: 1, 512>}, {pipeline_mode = #tpu.pipeline_mode<synchronous>, transform_indices = @transform_7, window_bounds = array<i64: 512, 40>}, {pipeline_mode = #tpu.pipeline_mode<synchronous>, transform_indices = @transform_8, window_bounds = array<i64: 1, 40>}, {transform_indices = @transform_9, window_bounds = array<i64: 1, 1, 40>}]} {
    %get3A = arith.constant 0 : index
    %get3A_0 = arith.constant 0 : index
    %get3A_1 = arith.constant 0 : index
    %get3A_2 = vector.load %arg1[%get3A, %get3A_0, %get3A_1] : memref<1x2048x256xf32, #tpu.memory_space<vmem>>, vector<1x2048x256xf32>
    %get3A_3 = vector.shape_cast %get3A_2 : vector<1x2048x256xf32> to vector<2048x256xf32>
    %reshape3A = vector.shape_cast %get3A_3 : vector<2048x256xf32> to vector<16x128x256xf32>
    %get3A_4 = arith.constant 0 : index
    %get3A_5 = arith.constant 0 : index
    %get3A_6 = arith.constant 0 : index
    %get3A_7 = vector.load %arg2[%get3A_4, %get3A_5, %get3A_6] : memref<1x256x256xf32, #tpu.memory_space<vmem>>, vector<1x256x256xf32>
    %get3A_8 = vector.shape_cast %get3A_7 : vector<1x256x256xf32> to vector<256x256xf32>
    %slice3A = vector.extract_strided_slice %get3A_8 {offsets = [0, 0], sizes = [128, 256], strides = [1, 1]} : vector<256x256xf32> to vector<128x256xf32>
    %broadcast_in_dim3A = vector.shape_cast %slice3A : vector<128x256xf32> to vector<1x128x256xf32>
    %sub3A = vector.broadcast %broadcast_in_dim3A : vector<1x128x256xf32> to vector<16x128x256xf32>
    %sub3A_9 = arith.subf %reshape3A, %sub3A : vector<16x128x256xf32>
    %concatenate3A = tpu.concatenate %reshape3A, %sub3A_9 in 2 : vector<16x128x256xf32>, vector<16x128x256xf32> -> vector<16x128x512xf32>
    %reshape3A_10 = vector.shape_cast %concatenate3A : vector<16x128x512xf32> to vector<2048x512xf32>
    %get3A_11 = arith.constant 0 : index
    %get3A_12 = arith.constant 0 : index
    %get3A_13 = vector.load %arg3[%get3A_11, %get3A_12] : memref<512x512xf32, #tpu.memory_space<vmem>>, vector<512x512xf32>
    %dot_general3A = arith.constant dense<0.000000e+00> : vector<2048x512xf32>
    %dot_general3A_14 = tpu.matmul %reshape3A_10, %get3A_13, %dot_general3A {dimension_numbers = #tpu.dot_dimension_numbers<[1], [0], [0], [1], [0, 0, 1, 1], [], []>, transpose_lhs_hint = false} : vector<2048x512xf32>, vector<512x512xf32>, vector<2048x512xf32> -> vector<2048x512xf32>
    %reshape3A_15 = vector.shape_cast %dot_general3A_14 : vector<2048x512xf32> to vector<16x128x512xf32>
    %reduce_max3A = arith.constant dense<0xFF800000> : vector<128x512xf32>
    %reduce_max3A_16 = vector.multi_reduction <maximumf>, %reshape3A_15, %reduce_max3A [0] : vector<16x128x512xf32> to vector<128x512xf32>
    %integer_pow3A = arith.mulf %reduce_max3A_16, %reduce_max3A_16 : vector<128x512xf32>
    %integer_pow3A_17 = arith.mulf %reduce_max3A_16, %integer_pow3A : vector<128x512xf32>
    %mul3A = arith.constant 4.471500e-02 : f32
    %mul3A_18 = vector.broadcast %mul3A : f32 to vector<128x512xf32>
    %mul3A_19 = arith.mulf %mul3A_18, %integer_pow3A_17 : vector<128x512xf32>
    %add3A = arith.addf %reduce_max3A_16, %mul3A_19 : vector<128x512xf32>
    %mul3A_20 = arith.constant 0.797884583 : f32
    %mul3A_21 = vector.broadcast %mul3A_20 : f32 to vector<128x512xf32>
    %mul3A_22 = arith.mulf %mul3A_21, %add3A : vector<128x512xf32>
    %tanh3A = math.tanh %mul3A_22 : vector<128x512xf32>
    %add3A_23 = arith.constant 1.000000e+00 : f32
    %add3A_24 = vector.broadcast %add3A_23 : f32 to vector<128x512xf32>
    %add3A_25 = arith.addf %add3A_24, %tanh3A : vector<128x512xf32>
    %mul3A_26 = arith.constant 5.000000e-01 : f32
    %mul3A_27 = vector.broadcast %mul3A_26 : f32 to vector<128x512xf32>
    %mul3A_28 = arith.mulf %mul3A_27, %add3A_25 : vector<128x512xf32>
    %mul3A_29 = arith.mulf %reduce_max3A_16, %mul3A_28 : vector<128x512xf32>
    %get3A_30 = arith.constant 0 : index
    %get3A_31 = arith.constant 0 : index
    %get3A_32 = vector.load %arg4[%get3A_30, %get3A_31] : memref<512x1024xf32, #tpu.memory_space<vmem>>, vector<512x1024xf32>
    %dot_general3A_33 = arith.constant dense<0.000000e+00> : vector<128x1024xf32>
    %dot_general3A_34 = tpu.matmul %mul3A_29, %get3A_32, %dot_general3A_33 {dimension_numbers = #tpu.dot_dimension_numbers<[1], [0], [0], [1], [0, 0, 1, 1], [], []>, transpose_lhs_hint = false} : vector<128x512xf32>, vector<512x1024xf32>, vector<128x1024xf32> -> vector<128x1024xf32>
    %integer_pow3A_35 = arith.mulf %dot_general3A_34, %dot_general3A_34 : vector<128x1024xf32>
    %integer_pow3A_36 = arith.mulf %dot_general3A_34, %integer_pow3A_35 : vector<128x1024xf32>
    %mul3A_37 = arith.constant 4.471500e-02 : f32
    %mul3A_38 = vector.broadcast %mul3A_37 : f32 to vector<128x1024xf32>
    %mul3A_39 = arith.mulf %mul3A_38, %integer_pow3A_36 : vector<128x1024xf32>
    %add3A_40 = arith.addf %dot_general3A_34, %mul3A_39 : vector<128x1024xf32>
    %mul3A_41 = arith.constant 0.797884583 : f32
    %mul3A_42 = vector.broadcast %mul3A_41 : f32 to vector<128x1024xf32>
    %mul3A_43 = arith.mulf %mul3A_42, %add3A_40 : vector<128x1024xf32>
    %tanh3A_44 = math.tanh %mul3A_43 : vector<128x1024xf32>
    %add3A_45 = arith.constant 1.000000e+00 : f32
    %add3A_46 = vector.broadcast %add3A_45 : f32 to vector<128x1024xf32>
    %add3A_47 = arith.addf %add3A_46, %tanh3A_44 : vector<128x1024xf32>
    %mul3A_48 = arith.constant 5.000000e-01 : f32
    %mul3A_49 = vector.broadcast %mul3A_48 : f32 to vector<128x1024xf32>
    %mul3A_50 = arith.mulf %mul3A_49, %add3A_47 : vector<128x1024xf32>
    %mul3A_51 = arith.mulf %dot_general3A_34, %mul3A_50 : vector<128x1024xf32>
    %reduce_max3A_52 = arith.constant dense<0xFF800000> : vector<1024xf32>
    %reduce_max3A_53 = vector.multi_reduction <maximumf>, %mul3A_51, %reduce_max3A_52 [0] : vector<128x1024xf32> to vector<1024xf32>
    %broadcast_in_dim3A_54 = vector.shape_cast %reduce_max3A_53 : vector<1024xf32> to vector<1x1024xf32>
    %reduce_sum3A = arith.constant dense<0.000000e+00> : vector<1024xf32>
    %reduce_sum3A_55 = vector.multi_reduction <add>, %mul3A_51, %reduce_sum3A [0] : vector<128x1024xf32> to vector<1024xf32>
    %broadcast_in_dim3A_56 = vector.shape_cast %reduce_sum3A_55 : vector<1024xf32> to vector<1x1024xf32>
    %div3A = arith.constant 1.280000e+02 : f32
    %div3A_57 = vector.broadcast %div3A : f32 to vector<1x1024xf32>
    %div3A_58 = arith.divf %broadcast_in_dim3A_56, %div3A_57 : vector<1x1024xf32>
    %concatenate3A_59 = tpu.concatenate %broadcast_in_dim3A_54, %div3A_58 in 1 : vector<1x1024xf32>, vector<1x1024xf32> -> vector<1x2048xf32>
    %get3A_60 = arith.constant 0 : index
    %get3A_61 = arith.constant 0 : index
    %get3A_62 = vector.load %arg5[%get3A_60, %get3A_61] : memref<2048x512xf32, #tpu.memory_space<vmem>>, vector<2048x512xf32>
    %dot_general3A_63 = arith.constant dense<0.000000e+00> : vector<1x512xf32>
    %dot_general3A_64 = tpu.matmul %concatenate3A_59, %get3A_62, %dot_general3A_63 {dimension_numbers = #tpu.dot_dimension_numbers<[1], [0], [0], [1], [0, 0, 1, 1], [], []>, transpose_lhs_hint = false} : vector<1x2048xf32>, vector<2048x512xf32>, vector<1x512xf32> -> vector<1x512xf32>
    %get3A_65 = arith.constant 0 : index
    %get3A_66 = arith.constant 0 : index
    %get3A_67 = vector.load %arg6[%get3A_65, %get3A_66] : memref<1x512xf32, #tpu.memory_space<vmem>>, vector<1x512xf32>
    %mul3A_68 = arith.mulf %dot_general3A_64, %get3A_67 : vector<1x512xf32>
    %get3A_69 = arith.constant 0 : index
    %get3A_70 = arith.constant 0 : index
    %get3A_71 = vector.load %arg7[%get3A_69, %get3A_70] : memref<1x512xf32, #tpu.memory_space<vmem>>, vector<1x512xf32>
    %add3A_72 = arith.addf %mul3A_68, %get3A_71 : vector<1x512xf32>
    %integer_pow3A_73 = arith.mulf %add3A_72, %add3A_72 : vector<1x512xf32>
    %integer_pow3A_74 = arith.mulf %add3A_72, %integer_pow3A_73 : vector<1x512xf32>
    %mul3A_75 = arith.constant 4.471500e-02 : f32
    %mul3A_76 = vector.broadcast %mul3A_75 : f32 to vector<1x512xf32>
    %mul3A_77 = arith.mulf %mul3A_76, %integer_pow3A_74 : vector<1x512xf32>
    %add3A_78 = arith.addf %add3A_72, %mul3A_77 : vector<1x512xf32>
    %mul3A_79 = arith.constant 0.797884583 : f32
    %mul3A_80 = vector.broadcast %mul3A_79 : f32 to vector<1x512xf32>
    %mul3A_81 = arith.mulf %mul3A_80, %add3A_78 : vector<1x512xf32>
    %tanh3A_82 = math.tanh %mul3A_81 : vector<1x512xf32>
    %add3A_83 = arith.constant 1.000000e+00 : f32
    %add3A_84 = vector.broadcast %add3A_83 : f32 to vector<1x512xf32>
    %add3A_85 = arith.addf %add3A_84, %tanh3A_82 : vector<1x512xf32>
    %mul3A_86 = arith.constant 5.000000e-01 : f32
    %mul3A_87 = vector.broadcast %mul3A_86 : f32 to vector<1x512xf32>
    %mul3A_88 = arith.mulf %mul3A_87, %add3A_85 : vector<1x512xf32>
    %mul3A_89 = arith.mulf %add3A_72, %mul3A_88 : vector<1x512xf32>
    %get3A_90 = arith.constant 0 : index
    %get3A_91 = arith.constant 0 : index
    %get3A_92 = vector.load %arg8[%get3A_90, %get3A_91] : memref<512x40xf32, #tpu.memory_space<vmem>>, vector<512x40xf32>
    %dot_general3A_93 = arith.constant dense<0.000000e+00> : vector<1x40xf32>
    %dot_general3A_94 = tpu.matmul %mul3A_89, %get3A_92, %dot_general3A_93 {dimension_numbers = #tpu.dot_dimension_numbers<[1], [0], [0], [1], [0, 0, 1, 1], [], []>, transpose_lhs_hint = false} : vector<1x512xf32>, vector<512x40xf32>, vector<1x40xf32> -> vector<1x40xf32>
    %get3A_95 = arith.constant 0 : index
    %get3A_96 = arith.constant 0 : index
    %get3A_97 = vector.load %arg9[%get3A_95, %get3A_96] : memref<1x40xf32, #tpu.memory_space<vmem>>, vector<1x40xf32>
    %add3A_98 = arith.addf %dot_general3A_94, %get3A_97 : vector<1x40xf32>
    %swap3A = arith.constant 0 : index
    %swap3A_99 = arith.constant 0 : index
    %swap3A_100 = arith.constant 0 : index
    %swap3A_101 = vector.load %arg10[%swap3A, %swap3A_99, %swap3A_100] : memref<1x1x40xf32, #tpu.memory_space<vmem>>, vector<1x1x40xf32>
    %swap3A_102 = vector.shape_cast %swap3A_101 : vector<1x1x40xf32> to vector<1x40xf32>
    %swap3A_103 = vector.shape_cast %add3A_98 : vector<1x40xf32> to vector<1x1x40xf32>
    tpu.vector_store %arg10[%swap3A, %swap3A_99, %swap3A_100], %swap3A_103 {strides = array<i32>} : memref<1x1x40xf32, #tpu.memory_space<vmem>>, vector<1x1x40xf32>,
    return
  }
  func.func @transform_0(%arg0: i32) -> (i32, i32, i32) {
    %c0_i32 = arith.constant 0 : i32
    %c0_i32_0 = arith.constant 0 : i32
    %c0_i32_1 = arith.constant 0 : i32
    return %arg0, %c0_i32, %c0_i32_0 : i32, i32, i32
  }
  func.func @transform_1(%arg0: i32) -> (i32, i32, i32) {
    %c0_i32 = arith.constant 0 : i32
    %c0_i32_0 = arith.constant 0 : i32
    %c0_i32_1 = arith.constant 0 : i32
    return %arg0, %c0_i32, %c0_i32_0 : i32, i32, i32
  }
  func.func @transform_2(%arg0: i32) -> (i32, i32) {
    %c0_i32 = arith.constant 0 : i32
    %c0_i32_0 = arith.constant 0 : i32
    %c0_i32_1 = arith.constant 0 : i32
    return %c0_i32, %c0_i32_0 : i32, i32
  }
  func.func @transform_3(%arg0: i32) -> (i32, i32) {
    %c0_i32 = arith.constant 0 : i32
    %c0_i32_0 = arith.constant 0 : i32
    %c0_i32_1 = arith.constant 0 : i32
    return %c0_i32, %c0_i32_0 : i32, i32
  }
  func.func @transform_4(%arg0: i32) -> (i32, i32) {
    %c0_i32 = arith.constant 0 : i32
    %c0_i32_0 = arith.constant 0 : i32
    %c0_i32_1 = arith.constant 0 : i32
    return %c0_i32, %c0_i32_0 : i32, i32
  }
  func.func @transform_5(%arg0: i32) -> (i32, i32) {
    %c0_i32 = arith.constant 0 : i32
    %c0_i32_0 = arith.constant 0 : i32
    %c0_i32_1 = arith.constant 0 : i32
    return %c0_i32, %c0_i32_0 : i32, i32
  }
  func.func @transform_6(%arg0: i32) -> (i32, i32) {
    %c0_i32 = arith.constant 0 : i32
    %c0_i32_0 = arith.constant 0 : i32
    %c0_i32_1 = arith.constant 0 : i32
    return %c0_i32, %c0_i32_0 : i32, i32
  }
  func.func @transform_7(%arg0: i32) -> (i32, i32) {
    %c0_i32 = arith.constant 0 : i32
    %c0_i32_0 = arith.constant 0 : i32
    %c0_i32_1 = arith.constant 0 : i32
    return %c0_i32, %c0_i32_0 : i32, i32
  }
  func.func @transform_8(%arg0: i32) -> (i32, i32) {
    %c0_i32 = arith.constant 0 : i32
    %c0_i32_0 = arith.constant 0 : i32
    %c0_i32_1 = arith.constant 0 : i32
    return %c0_i32, %c0_i32_0 : i32, i32
  }
  func.func @transform_9(%arg0: i32) -> (i32, i32, i32) {
    %c0_i32 = arith.constant 0 : i32
    %c0_i32_0 = arith.constant 0 : i32
    %c0_i32_1 = arith.constant 0 : i32
    return %arg0, %c0_i32, %c0_i32_0 : i32, i32, i32
  }
}

</mosaic_0001>

<sc_bundles>
// kernel: kernel.12.cloned.1.call-start
scs
__scs_entry_jumppad:
0x0: {  	(pc) =	sbr.rel $0x88, $3  }
0x1: {  	(tag) =	ssettag $0x0;
	lr =	simm.s32 $0x1  }
0x2: {  	[smem:$0x3F95] =	sst lr;
	_ =	strace $0xD0000000  }
0x3: {  	_ = 	snop  }
0x4: {  	_ = 	snop  }
0x5: {  	_ = 	snop  }
0x6: {  	_ = 	snop  }
0x7: {  	_ = 	snop  }
__scs_overlays_trampoline_lowered:
0x8: {  	[smem:$0x3FA4] =	sst s0  }
0x9: {  	[smem:$0x3FA5] =	sst s1  }
0xa: {  	[smem:$0x3FA6] =	sst s2  }
0xb: {  	[smem:$0x3FA7] =	sst s3  }
0xc: {  	[smem:$0x3FA8] =	sst s4  }
0xd: {  	[smem:$0x3FA9] =	sst s5  }
0xe: {  	[smem:$0x3FAA] =	sst s6  }
0xf: {  	[smem:$0x3FAB] =	sst s7  }
0x10: {  	[smem:$0x3FAC] =	sst s8  }
0x11: {  	[smem:$0x3FAD] =	sst s9;
	s0 =	simm.s32 @!p0 $0x0  }
0x12: {  	s1 =	sld [smem:$0x3F93];
	s0 =	simm.s32 @p0 $0x1  }
0x13: {  	[smem:$0x3FAE] =	sst s0;
	s0 =	simm.s32 @!p1 $0x0  }
0x14: {  	s2 =	sld [smem:$0x3F92];
	s0 =	simm.s32 @p1 $0x1  }
0x15: {  	[smem:$0x3FAF] =	sst s0;
	s0 =	simm.s32 @!p2 $0x0  }
0x16: {  	s3 =	sld [smem:$0x3FDB];
	s0 =	simm.s32 @p2 $0x1  }
0x17: {  	s4 =	simm.s32 $0x1BF5;
	[smem:$0x3FB1] =	sst s0  }
0x18: {  	s0 =	sld [smem:$0x3F94];
	_ =	swait.ge [sflag:s4], $0x0  }
0x19: {  	s7 =	sld [smem:$0x3F95]  }
0x1a: {  	s8 =	sadd.s32 $0xFFFFE003, lr  }
0x1b: {  	s9 =	sadd.s32 $0xFFFFFEF7, lr;
	s5 =	simm.s32 $0xFFFFFFFF;
	p2 =	slt.u32 s8, $0xFFFFF086  }
0x1c: {  	p1 =	slt.u32 s9, $0xF7A;
	s5 =	simm.s32 @!p2 $0x0  }
0x1d: {  	s5 =	simm.s32 @p1 $0x1;
	p0 =	seq.s32 s7, s2  }
0x1e: {  	s7 =	smul.u32 @!p0 $0xF7A, s2;
	p2 =	seq.s32 @!p0 s5, $0x0  }
0x1f: {  	s9 =	smul.u32 $0xF7A, s1;
	s8 =	simm.s32 @!p0 $0x1BF5;
	p2 =	por !p2, p0  }
0x20: {  	[sflag:s8] =	ssyncset.s32 @!p0 $0xFFFFF086;
	s6 =	sadd.s32 @!p0 s3, s7;
	s7 =	simm.s32 @!p0 $0x108  }
0x21: {  	s3 =	sadd.s32 s3, s9;
	s6 =	sadd.s32 @!p0 $0x88, s6;
	s7 =	simm.s32 @p2 $0x1082  }
0x22: {  	[simem:s7], [sflag:s8] =	dma.local @!p0 [hbm:s6], $0xF7A  }
0x23: {  	s9 =	sor.u32 $0xD0000000, s2;
	s6 =	simm.s32 $0x108;
	_ =	swait.ge @!p0 [sflag:s8], $0x0  }
0x24: {  	s3 =	sadd.s32 $0x88, s3;
	s6 =	simm.s32 @!p1 $0x1082;
	[sflag:s4] =	ssyncset.s32 $0xFFFFF086  }
0x25: {  	[simem:s6], [sflag:s4] =	dma.local [hbm:s3], $0xF7A  }
0x26: {  	[smem:$0x3F95] =	sst s1;
	(tag) =	ssettag s2;
	_ =	strace s9  }
0x27: {  	s1 =	sld [smem:$0x3FA5]  }
0x28: {  	s2 =	sld [smem:$0x3FA6]  }
0x29: {  	s4 =	sld [smem:$0x3FA8]  }
0x2a: {  	p0 =	seq.s32 s5, $0x0;
	s5 =	sld [smem:$0x3FA9]  }
0x2b: {  	s6 =	sld [smem:$0x3FAA]  }
0x2c: {  	s7 =	sld [smem:$0x3FAB]  }
0x2d: {  	s3 =	simm.s32 $0x108;
	s8 =	sld [smem:$0x3FAC]  }
0x2e: {  	s3 =	simm.s32 @!p0 $0x1082;
	s9 =	sld [smem:$0x3FAD]  }
0x2f: {  	lr =	sadd.s32 s0, s3;
	s0 =	sld [smem:$0x3FA4]  }
0x30: {  	s3 =	sld [smem:$0x3FA7]  }
0x31: {  	[smem:$0x3FB0] =	sst s10  }
0x32: {  	s10 =	sld [smem:$0x3FAE];
	_ =	sdelay $0x3  }
0x33: {  	p0 =	seq.s32 s10, $0x1;
	s10 =	sld [smem:$0x3FB0];
	_ =	sdelay $0x3  }
0x34: {  	[smem:$0x3FB0] =	sst s10  }
0x35: {  	s10 =	sld [smem:$0x3FAF];
	_ =	sdelay $0x3  }
0x36: {  	p1 =	seq.s32 s10, $0x1;
	s10 =	sld [smem:$0x3FB0];
	_ =	sdelay $0x3  }
0x37: {  	[smem:$0x3FB0] =	sst s10  }
0x38: {  	s10 =	sld [smem:$0x3FB1]  }
0x39: {  	_ = 	snop;
	(pc) =	sbr.ind lr, $3  }
0x3a: {  	_ = 	snop  }
0x3b: {  	_ = 	snop  }
0x3c: {  	p2 =	seq.s32 s10, $0x1;
	s10 =	sld [smem:$0x3FB0]  }
0x3d: {  	_ =	shalt  }
0x3e: {  	_ =	shalt  }
0x3f: {  	_ =	shalt  }
0x40: {  	_ =	shalt  }
0x41: {  	_ =	shalt  }
0x42: {  	_ =	shalt  }
0x43: {  	_ =	shalt  }
0x44: {  	_ =	shalt  }
0x45: {  	_ =	shalt  }
0x46: {  	_ =	shalt  }
0x47: {  	_ =	shalt  }
0x48: {  	_ =	shalt  }
0x49: {  	_ =	shalt  }
0x4a: {  	_ =	shalt  }
0x4b: {  	_ =	shalt  }
0x4c: {  	_ =	shalt  }
0x4d: {  	_ =	shalt  }
0x4e: {  	_ =	shalt  }
0x4f: {  	_ =	shalt  }
0x50: {  	_ =	shalt  }
0x51: {  	_ =	shalt  }
0x52: {  	_ =	shalt  }
0x53: {  	_ =	shalt  }
0x54: {  	_ =	shalt  }
0x55: {  	_ =	shalt  }
0x56: {  	_ =	shalt  }
0x57: {  	_ =	shalt  }
0x58: {  	_ =	shalt  }
0x59: {  	_ =	shalt  }
0x5a: {  	_ =	shalt  }
0x5b: {  	_ =	shalt  }
0x5c: {  	_ =	shalt  }
0x5d: {  	_ =	shalt  }
0x5e: {  	_ =	shalt  }
0x5f: {  	_ =	shalt  }
0x60: {  	_ =	shalt  }
0x61: {  	_ =	shalt  }
0x62: {  	_ =	shalt  }
0x63: {  	_ =	shalt  }
0x64: {  	_ =	shalt  }
0x65: {  	_ =	shalt  }
0x66: {  	_ =	shalt  }
0x67: {  	_ =	shalt  }
0x68: {  	_ =	shalt  }
0x69: {  	_ =	shalt  }
0x6a: {  	_ =	shalt  }
0x6b: {  	_ =	shalt  }
0x6c: {  	_ =	shalt  }
0x6d: {  	_ =	shalt  }
0x6e: {  	_ =	shalt  }
0x6f: {  	_ =	shalt  }
0x70: {  	_ =	shalt  }
0x71: {  	_ =	shalt  }
0x72: {  	_ =	shalt  }
0x73: {  	_ =	shalt  }
0x74: {  	_ =	shalt  }
0x75: {  	_ =	shalt  }
0x76: {  	_ =	shalt  }
0x77: {  	_ =	shalt  }
0x78: {  	_ =	shalt  }
0x79: {  	_ =	shalt  }
0x7a: {  	_ =	shalt  }
0x7b: {  	_ =	shalt  }
0x7c: {  	_ =	shalt  }
0x7d: {  	_ =	shalt  }
0x7e: {  	_ =	shalt  }
0x7f: {  	_ =	shalt  }
0x80: {  	_ =	shalt  }
0x81: {  	_ =	shalt  }
0x82: {  	_ =	shalt  }
0x83: {  	_ =	shalt  }
0x84: {  	_ =	shalt  }
0x85: {  	_ =	shalt  }
0x86: {  	_ =	shalt  }
0x87: {  	_ =	shalt  }
.Lfunc_end0:
.L_simem_size_0:
called_computation_lowered:
.L_overlay_start_0:
0x88: {  	s2 =	sld [smem:$0x3FD9]  }
0x89: {  	s3 =	sld [smem:$0x3FFE];
	_ =	sdelay $0x1  }
0x8a: {  	s1 =	srdreg.scid  }
0x8b: {  	s0 =	sand.u32 $0x1, s1  }
0x8c: {  	s16 =	sshll.u32 s0, $0xA;
	s2 =	sadd.s32 s3, s2  }
0x8d: {  	s2 =	sadd.s32 s2, s16  }
0x8e: {  	[smem:$0x3FBC] =	sst s2  }
0x8f: {  	_ = 	snop  }
0x90: {  	(tm) =	ssettm $0x1  }
0x91: {  	s17 =	sld [smem:$0x3FFB];
	_ =	sdelay $0x3  }
0x92: {  	_ =	strace s17  }
0x93: {  	s2 =	sld [smem:$0x3FFC];
	_ =	sdelay $0x3  }
0x94: {  	_ =	strace s2  }
0x95: {  	s2 =	sld [smem:$0x3FFD];
	_ =	sdelay $0x3  }
0x96: {  	_ =	strace s2  }
0x97: {  	_ =	strace $0x8FFFFFFF  }
0x98: {  	s18 =	sld [smem:$0x3FDB];
	_ =	sdelay $0x1  }
0x99: {  	s19 =	simm.s32 $_scs_section_size  }
0x9a: {  	s4 =	simm.s32 $_size__tile_overlayer_lowered;
	s5 =	simm.s32 $_tile_overlayer_lowered  }
0x9b: {  	s22 =	simm.s32 $0x1BFF;
	s21 =	sshll.u32 s5, $0x1;
	s2 =	sadd.s32 s19, s18  }
0x9c: {  	s6 =	simm.s32 $0x0;
	s20 =	sshll.u32 s4, $0x1;
	s4 =	sadd.s32 s21, s2  }
0x9d: {  	[timem:s6], [sflag:s22] =	dma.local [hbm:s4], s20  }
0x9e: {  	_ =	swait.ge [sflag:s22], s20  }
0x9f: {  	s3 =	ssub.s32 $0x0, s20;
	[sflag:s22] =	ssyncset.done $0x0  }
0xa0: {  	[sflag:s22] =	ssyncadd.s32 s3;
	_ =	sdelay $0x1  }
0xa1: {  	s23 =	simm.s32 $0x1B8B  }
0xa2: {  	_ =	swait.ge [sflag:s23], $0x1  }
0xa3: {  	[sflag:s23] =	ssyncset.done $0x0  }
0xa4: {  	s25 =	simm.s32 $0x1B8E;
	s24 =	sld [smem:$0x3FFE];
	[sflag:s23] =	ssyncadd.s32 $0xFFFFFFFF  }
0xa5: {  	s26 =	simm.s32 $execute0_lowered;
	[smem:$0x3FD2] =	sst s25  }
0xa6: {  	s4 =	sshll.u32 s26, $0x1;
	_ =	strace $0x80000046;
	[dreg:$0x1] =	wrdreg $0xFFFFFFFF  }
0xa7: {  	s28 =	simm.s32 $_size_execute0_lowered;
	s2 =	sadd.s32 s2, s4;
	[dreg:$0x0] =	wrdreg $0x0  }
0xa8: {  	s4 =	sshll.u32 s28, $0x1;
	[dreg:$0x2] =	wrdreg s2  }
0xa9: {  	[dreg:$0x3] =	wrdreg s4  }
0xaa: {  	[dreg:$0x4] =	wrdreg $0xC0  }
0xab: {  	_ =	task [dreg:s6], $0x5FFFF  }
0xac: {  	[dreg:$0x1] =	wrdreg $0xFFFFFFFF  }
0xad: {  	[dreg:$0x0] =	wrdreg $0x60  }
0xae: {  	[dreg:$0x2] =	wrdreg s24  }
0xaf: {  	[dreg:$0x3] =	wrdreg $0x9  }
0xb0: {  	_ =	task.clear_ibuf [dreg:s6], $0x4FFFF;
	_ =	strace $0x90000046  }
0xb1: {  	s29 =	simm.s32 $0x9;
	_ =	strace $0x80000048  }
0xb2: {  	_ =	swait.ge [sflag:s29], $0x1  }
0xb3: {  	[sflag:s29] =	ssyncadd.s32 $0xFFFFFFFF  }
0xb4: {  	_ =	strace $0x90000048  }
0xb5: {  	_ =	sfence  }
0xb6: {  	s30 =	sld [smem:$0x0];
	_ =	sdelay $0x2  }
0xb7: {  	s31 =	sshll.u32 s1, $0xD;
	s1 =	sshrl.u32 s1, $0x2  }
0xb8: {  	s3 =	sand.u32 $0x4000, s31;
	s1 =	sadd.s32 s1, s30  }
0xb9: {  	s0 =	sor.u32 s3, s0;
	s1 =	sshll.u32 s1, $0x11  }
0xba: {  	s0 =	sor.u32 s1, s0  }
0xbb: {  	s0 =	sadd.s32 $0x8F2B, s0  }
0xbc: {  	[sflag:s0] =	ssyncadd.remote.s32 $0x1  }
0xbd: {  	_ =	sfence.sel $0xFFFF  }
0xbe: {  	[dreg:$0x0] =	wrdreg $0xFFFFFFFF;
	(pc) =	sbr.abs _section_cstart, $3  }
0xbf: {  	[dreg:$0x1] =	wrdreg $0xFFFFFFFF  }
0xc0: {  	_ =	task.clear_ibuf [dreg:s6], $0x2FFFF;
	_ =	strace $0x9FFFFFFF  }
0xc1: {  	(tm) =	ssettm $0x7FFFFFFF  }
tec
execute0_lowered:
.L_overlay_start_1:
0x0: {  	(tag) =	ssettag $0x1  }
0x1: {  	s1 =	srdreg.scid;
	s0 =	stileid.u32  }
0x2: {  	s5 =	rddreg [dreg:$0x0];
	s2 =	simm.s32 $0x0;
	s6 =	simm.s32 $0x1  }
0x3: {  	s12 =	simm.s32 $0x2000;
	s4 =	sand.u32 $0x1, s1;
	s30 =	sshll.u32 s0, $0x1  }
0x4: {  	s13 =	simm.s32 $0x80;
	s14 =	simm.s32 $0x6000;
	s3 =	sor.u32 s4, s30  }
0x5: {  	s15 =	simm.s32 $0x2;
	p1 =	seq.s32 s4, $0x1;
	p0 =	seq.s32 s3, $0x0  }
0x6: {  	s16 =	simm.s32 $0x1F80;
	s1 =	rddreg [dreg:$0x1];
	p0 =	por !p0, !p1  }
0x7: {  	s17 =	simm.s32 $0x0;
	[smem:$0x7FF] =	sst s2;
	p0 =	por !p0, !p0  }
0x8: {  	s10 =	sadd.s32 $0x96800, s5;
	_ =	strace $0x80000047;
	s6 =	simm.s32 @!p0 $0x0  }
0x9: {  	s8 =	ssub.s32 $0x2, s4;
	s4 =	sshll.u32 s4, $0x14;
	s6 =	ssub.s32 s0, s6  }
0xa: {  	s7 =	sshll.u32 s3, $0xA;
	s3 =	sadd.s32 $0x46800, s5;
	s6 =	sshll.u32 s6, $0x15  }
0xb: {  	s31 =	sshrl.u32 s8, $0x1;
	s7 =	sadd.s32 s7, s5;
	s9 =	sor.u32 s6, s4  }
0xc: {  	s8 =	ssub.s32 s8, s31;
	s5 =	sadd.s32 $0x8E800, s7;
	s6 =	sshrl.u32 s9, $0x3  }
0xd: {  	s7 =	smax.u32 s8, $0x1;
	s9 =	sor.u32 $0x4000, s9;
	s6 =	sadd.s32 s6, s10  }
0xe: {  	s4 =	simm.s32 $0x1;
	s11 =	sshrl.u32 s9, $0x3;
	s8 =	sadd.s32 $0x1F000, s6  }
0xf: {  	s9 =	sadd.s32 $0x1F800, s6;
	s10 =	sadd.s32 s11, s10;
	s11 =	simm.s32 $0x3  }
.LBB2_1:
0x10: {  	[tilespmem:s2], [sflag:$0x3] =	stream.linear.gather [hbm4b:s5+s2], $0x2000, $0x38;
	[tilespmem:$0xA000] =	vst v63  }
0x11: {  	_ =	swait.ge [sflag:s11], $0x2000  }
0x12: {  	[sflag:s11] =	ssyncset.done $0x0  }
0x13: {  	[sflag:s11] =	ssyncadd.s32 $0xFFFFE000  }
0x14: {  	[tilespmem:s12], [sflag:$0x1] =	stream.indirect.gather [hbm4b:s3+s13], $0x80, s2, s13, $0xb8;
	[tilespmem:$0xA000] =	vst v63  }
0x15: {  	_ = 	snop  }
0x16: {  	[tilespmem:s14], [sflag:$0x2] =	stream.indirect.gather [hbm4b:s3+s13], $0x80, s13, s13, $0xb8;
	[tilespmem:$0xA000] =	vst v63  }
0x17: {  	_ =	swait.ge [sflag:s4], $0x4000  }
0x18: {  	[sflag:s4] =	ssyncset.done $0x0  }
0x19: {  	s18 =	sadd.s32 $0x0, s6;
	[sflag:s4] =	ssyncadd.s32 $0xFFFFC000  }
0x1a: {  	[hbm4b:s18+s2] =	stream.linear.scatter [tilespmem:s12], [sflag:$0x3], $0x4000, $0x38;
	[tilespmem:$0xA000] =	vst v63  }
0x1b: {  	_ =	swait.ge [sflag:s11], $0x4000  }
0x1c: {  	[sflag:s11] =	ssyncset.done $0x0  }
0x1d: {  	s30 =	simm.s32 $0x100;
	[sflag:s11] =	ssyncadd.s32 $0xFFFFC000  }
0x1e: {  	[tilespmem:s12], [sflag:$0x1] =	stream.indirect.gather [hbm4b:s3+s13], $0x80, s30, s13, $0xb8;
	[tilespmem:$0xA000] =	vst v63  }
0x1f: {  	_ =	swait.ge [sflag:s15], $0x4000  }
0x20: {  	[sflag:s15] =	ssyncset.done $0x0  }
0x21: {  	s31 =	sadd.s32 $0x0, s10;
	[sflag:s15] =	ssyncadd.s32 $0xFFFFC000  }
0x22: {  	[hbm4b:s31+s2] =	stream.linear.scatter [tilespmem:s14], [sflag:$0x3], $0x4000, $0x38;
	[tilespmem:$0xA000] =	vst v63  }
0x23: {  	_ =	swait.ge [sflag:s11], $0x4000  }
0x24: {  	s19 =	simm.s32 $0x80;
	s18 =	simm.s32 $0x1000;
	[sflag:s11] =	ssyncset.done $0x0  }
.LBB2_2:
0x25: {  	p0 =	sne.s32 s18, $0x1E000;
	[sflag:s11] =	ssyncadd.s32 $0xFFFFC000;
	s19 =	sadd.s32 $0x100, s19  }
0x26: {  	[tilespmem:s14], [sflag:$0x2] =	stream.indirect.gather [hbm4b:s3+s13], $0x80, s19, s13, $0xb8;
	[tilespmem:$0xA000] =	vst v63  }
0x27: {  	s20 =	smov.u32 s18;
	s18 =	sadd.s32 $0x1000, s18;
	_ =	swait.ge [sflag:s4], $0x4000  }
0x28: {  	[sflag:s4] =	ssyncset.done $0x0  }
0x29: {  	s21 =	sadd.s32 s20, s6;
	[sflag:s4] =	ssyncadd.s32 $0xFFFFC000  }
0x2a: {  	[hbm4b:s21+s2] =	stream.linear.scatter [tilespmem:s12], [sflag:$0x3], $0x4000, $0x38;
	[tilespmem:$0xA000] =	vst v63  }
0x2b: {  	_ =	swait.ge [sflag:s11], $0x4000  }
0x2c: {  	[sflag:s11] =	ssyncset.done $0x0  }
0x2d: {  	s21 =	sadd.s32 $0x80, s19;
	[sflag:s11] =	ssyncadd.s32 $0xFFFFC000  }
0x2e: {  	[tilespmem:s12], [sflag:$0x1] =	stream.indirect.gather [hbm4b:s3+s13], $0x80, s21, s13, $0xb8;
	[tilespmem:$0xA000] =	vst v63  }
0x2f: {  	_ =	swait.ge [sflag:s15], $0x4000  }
.Ltmp0:
0x30: {  	[sflag:s15] =	ssyncset.done $0x0;
	(pc) =	sbr.rel @p0 .LBB2_2-.Ltmp0, $4  }
0x31: {  	s20 =	sadd.s32 s20, s10;
	[sflag:s15] =	ssyncadd.s32 $0xFFFFC000  }
0x32: {  	[hbm4b:s20+s2] =	stream.linear.scatter [tilespmem:s14], [sflag:$0x3], $0x4000, $0x38;
	[tilespmem:$0xA000] =	vst v63  }
0x33: {  	_ =	swait.ge [sflag:s11], $0x4000  }
0x34: {  	[sflag:s11] =	ssyncset.done $0x0  }
0x35: {  	[sflag:s11] =	ssyncadd.s32 $0xFFFFC000  }
0x36: {  	[tilespmem:s14], [sflag:$0x2] =	stream.indirect.gather [hbm4b:s3+s13], $0x80, s16, s13, $0xb8;
	[tilespmem:$0xA000] =	vst v63  }
0x37: {  	_ =	swait.ge [sflag:s4], $0x4000  }
0x38: {  	[sflag:s4] =	ssyncset.done $0x0  }
0x39: {  	[sflag:s4] =	ssyncadd.s32 $0xFFFFC000  }
0x3a: {  	[hbm4b:s8+s2] =	stream.linear.scatter [tilespmem:s12], [sflag:$0x3], $0x4000, $0x38;
	[tilespmem:$0xA000] =	vst v63  }
0x3b: {  	_ =	swait.ge [sflag:s11], $0x4000  }
0x3c: {  	[sflag:s11] =	ssyncset.done $0x0  }
0x3d: {  	[sflag:s11] =	ssyncadd.s32 $0xFFFFC000  }
0x3e: {  	s17 =	sadd.s32 $0x1, s17;
	_ =	swait.ge [sflag:s15], $0x4000  }
0x3f: {  	p0 =	sne.s32 s17, s7;
	[sflag:s15] =	ssyncset.done $0x0  }
.Ltmp1:
0x40: {  	[sflag:s15] =	ssyncadd.s32 $0xFFFFC000;
	(pc) =	sbr.rel @p0 .LBB2_1-.Ltmp1, $4  }
0x41: {  	[hbm4b:s9+s2] =	stream.linear.scatter [tilespmem:s14], [sflag:$0x3], $0x4000, $0x38;
	[tilespmem:$0xA000] =	vst v63  }
0x42: {  	_ =	swait.ge [sflag:s11], $0x4000  }
0x43: {  	[sflag:s11] =	ssyncset.done $0x0  }
0x44: {  	[sflag:s11] =	ssyncadd.s32 $0xFFFFC000  }
0x45: {  	_ =	sfence.sel $0x180000  }
0x46: {  	[bflag:$0x0] =	sbarrier.arrive $0xFFFF  }
0x47: {  	p0 =	sne.s32 s0, $0x0;
	_ =	strace $0x90000047  }
0x48: {  	s0 =	sadd.s32 @!p0 $0x100000, s1;
	[bflag:$0x2] =	sbarrier.arrive $0xFFFF  }
0x49: {  	[sflag:s0] =	ssyncadd.tile.s32 @!p0 $0x1;
	_ =	shalt  }
.Lfunc_end2:
_tile_overlayer_lowered:
.L_overlay_start_2:
0x4a: {  	(tag) =	ssettag $0x2  }
0x4b: {  	s0 =	rddreg [dreg:$0x0];
	s2 =	stileid.u32  }
0x4c: {  	s1 =	rddreg [dreg:$0x1];
	p0 =	sne.s32 s2, $0x0  }
0x4d: {  	s3 =	rddreg [dreg:$0x2];
	[bflag:$0x3] =	sbarrier.arrive $0xFFFF;
	s2 =	simm.s32 @!p0 $0x1C03  }
0x4e: {  	[timem:s3], [sflag:s2] =	dma.local @!p0 [hbm:s0], s1  }
0x4f: {  	s0 =	simm.s32 @!p0 $0x3  }
0x50: {  	_ =	swait.ge @!p0 [sflag:s0], s1  }
0x51: {  	s1 =	ssub.s32 @!p0 $0x0, s1;
	[sflag:s0] =	ssyncset.done @!p0 $0x0  }
0x52: {  	[sflag:s0] =	ssyncadd.s32 @!p0 s1  }
0x53: {  	[bflag:$0x3] =	sbarrier.arrive $0xFFFF  }
0x54: {  	_ =	shalt  }

// kernel: kernel.15.cloned.1.call-start
scs
__scs_entry_jumppad:
0x0: {  	(pc) =	sbr.rel $0x88, $3  }
0x1: {  	(tag) =	ssettag $0x0;
	lr =	simm.s32 $0x1  }
0x2: {  	[smem:$0x3F95] =	sst lr;
	_ =	strace $0xD0000000  }
0x3: {  	_ = 	snop  }
0x4: {  	_ = 	snop  }
0x5: {  	_ = 	snop  }
0x6: {  	_ = 	snop  }
0x7: {  	_ = 	snop  }
__scs_overlays_trampoline_lowered:
0x8: {  	[smem:$0x3FA4] =	sst s0  }
0x9: {  	[smem:$0x3FA5] =	sst s1  }
0xa: {  	[smem:$0x3FA6] =	sst s2  }
0xb: {  	[smem:$0x3FA7] =	sst s3  }
0xc: {  	[smem:$0x3FA8] =	sst s4  }
0xd: {  	[smem:$0x3FA9] =	sst s5  }
0xe: {  	[smem:$0x3FAA] =	sst s6  }
0xf: {  	[smem:$0x3FAB] =	sst s7  }
0x10: {  	[smem:$0x3FAC] =	sst s8  }
0x11: {  	[smem:$0x3FAD] =	sst s9;
	s0 =	simm.s32 @!p0 $0x0  }
0x12: {  	s1 =	sld [smem:$0x3F93];
	s0 =	simm.s32 @p0 $0x1  }
0x13: {  	[smem:$0x3FAE] =	sst s0;
	s0 =	simm.s32 @!p1 $0x0  }
0x14: {  	s2 =	sld [smem:$0x3F92];
	s0 =	simm.s32 @p1 $0x1  }
0x15: {  	[smem:$0x3FAF] =	sst s0;
	s0 =	simm.s32 @!p2 $0x0  }
0x16: {  	s3 =	sld [smem:$0x3FDB];
	s0 =	simm.s32 @p2 $0x1  }
0x17: {  	s4 =	simm.s32 $0x1BF5;
	[smem:$0x3FB1] =	sst s0  }
0x18: {  	s0 =	sld [smem:$0x3F94];
	_ =	swait.ge [sflag:s4], $0x0  }
0x19: {  	s7 =	sld [smem:$0x3F95]  }
0x1a: {  	s8 =	sadd.s32 $0xFFFFE003, lr  }
0x1b: {  	s9 =	sadd.s32 $0xFFFFFEF7, lr;
	s5 =	simm.s32 $0xFFFFFFFF;
	p2 =	slt.u32 s8, $0xFFFFF086  }
0x1c: {  	p1 =	slt.u32 s9, $0xF7A;
	s5 =	simm.s32 @!p2 $0x0  }
0x1d: {  	s5 =	simm.s32 @p1 $0x1;
	p0 =	seq.s32 s7, s2  }
0x1e: {  	s7 =	smul.u32 @!p0 $0xF7A, s2;
	p2 =	seq.s32 @!p0 s5, $0x0  }
0x1f: {  	s9 =	smul.u32 $0xF7A, s1;
	s8 =	simm.s32 @!p0 $0x1BF5;
	p2 =	por !p2, p0  }
0x20: {  	[sflag:s8] =	ssyncset.s32 @!p0 $0xFFFFF086;
	s6 =	sadd.s32 @!p0 s3, s7;
	s7 =	simm.s32 @!p0 $0x108  }
0x21: {  	s3 =	sadd.s32 s3, s9;
	s6 =	sadd.s32 @!p0 $0x88, s6;
	s7 =	simm.s32 @p2 $0x1082  }
0x22: {  	[simem:s7], [sflag:s8] =	dma.local @!p0 [hbm:s6], $0xF7A  }
0x23: {  	s9 =	sor.u32 $0xD0000000, s2;
	s6 =	simm.s32 $0x108;
	_ =	swait.ge @!p0 [sflag:s8], $0x0  }
0x24: {  	s3 =	sadd.s32 $0x88, s3;
	s6 =	simm.s32 @!p1 $0x1082;
	[sflag:s4] =	ssyncset.s32 $0xFFFFF086  }
0x25: {  	[simem:s6], [sflag:s4] =	dma.local [hbm:s3], $0xF7A  }
0x26: {  	[smem:$0x3F95] =	sst s1;
	(tag) =	ssettag s2;
	_ =	strace s9  }
0x27: {  	s1 =	sld [smem:$0x3FA5]  }
0x28: {  	s2 =	sld [smem:$0x3FA6]  }
0x29: {  	s4 =	sld [smem:$0x3FA8]  }
0x2a: {  	p0 =	seq.s32 s5, $0x0;
	s5 =	sld [smem:$0x3FA9]  }
0x2b: {  	s6 =	sld [smem:$0x3FAA]  }
0x2c: {  	s7 =	sld [smem:$0x3FAB]  }
0x2d: {  	s3 =	simm.s32 $0x108;
	s8 =	sld [smem:$0x3FAC]  }
0x2e: {  	s3 =	simm.s32 @!p0 $0x1082;
	s9 =	sld [smem:$0x3FAD]  }
0x2f: {  	lr =	sadd.s32 s0, s3;
	s0 =	sld [smem:$0x3FA4]  }
0x30: {  	s3 =	sld [smem:$0x3FA7]  }
0x31: {  	[smem:$0x3FB0] =	sst s10  }
0x32: {  	s10 =	sld [smem:$0x3FAE];
	_ =	sdelay $0x3  }
0x33: {  	p0 =	seq.s32 s10, $0x1;
	s10 =	sld [smem:$0x3FB0];
	_ =	sdelay $0x3  }
0x34: {  	[smem:$0x3FB0] =	sst s10  }
0x35: {  	s10 =	sld [smem:$0x3FAF];
	_ =	sdelay $0x3  }
0x36: {  	p1 =	seq.s32 s10, $0x1;
	s10 =	sld [smem:$0x3FB0];
	_ =	sdelay $0x3  }
0x37: {  	[smem:$0x3FB0] =	sst s10  }
0x38: {  	s10 =	sld [smem:$0x3FB1]  }
0x39: {  	_ = 	snop;
	(pc) =	sbr.ind lr, $3  }
0x3a: {  	_ = 	snop  }
0x3b: {  	_ = 	snop  }
0x3c: {  	p2 =	seq.s32 s10, $0x1;
	s10 =	sld [smem:$0x3FB0]  }
0x3d: {  	_ =	shalt  }
0x3e: {  	_ =	shalt  }
0x3f: {  	_ =	shalt  }
0x40: {  	_ =	shalt  }
0x41: {  	_ =	shalt  }
0x42: {  	_ =	shalt  }
0x43: {  	_ =	shalt  }
0x44: {  	_ =	shalt  }
0x45: {  	_ =	shalt  }
0x46: {  	_ =	shalt  }
0x47: {  	_ =	shalt  }
0x48: {  	_ =	shalt  }
0x49: {  	_ =	shalt  }
0x4a: {  	_ =	shalt  }
0x4b: {  	_ =	shalt  }
0x4c: {  	_ =	shalt  }
0x4d: {  	_ =	shalt  }
0x4e: {  	_ =	shalt  }
0x4f: {  	_ =	shalt  }
0x50: {  	_ =	shalt  }
0x51: {  	_ =	shalt  }
0x52: {  	_ =	shalt  }
0x53: {  	_ =	shalt  }
0x54: {  	_ =	shalt  }
0x55: {  	_ =	shalt  }
0x56: {  	_ =	shalt  }
0x57: {  	_ =	shalt  }
0x58: {  	_ =	shalt  }
0x59: {  	_ =	shalt  }
0x5a: {  	_ =	shalt  }
0x5b: {  	_ =	shalt  }
0x5c: {  	_ =	shalt  }
0x5d: {  	_ =	shalt  }
0x5e: {  	_ =	shalt  }
0x5f: {  	_ =	shalt  }
0x60: {  	_ =	shalt  }
0x61: {  	_ =	shalt  }
0x62: {  	_ =	shalt  }
0x63: {  	_ =	shalt  }
0x64: {  	_ =	shalt  }
0x65: {  	_ =	shalt  }
0x66: {  	_ =	shalt  }
0x67: {  	_ =	shalt  }
0x68: {  	_ =	shalt  }
0x69: {  	_ =	shalt  }
0x6a: {  	_ =	shalt  }
0x6b: {  	_ =	shalt  }
0x6c: {  	_ =	shalt  }
0x6d: {  	_ =	shalt  }
0x6e: {  	_ =	shalt  }
0x6f: {  	_ =	shalt  }
0x70: {  	_ =	shalt  }
0x71: {  	_ =	shalt  }
0x72: {  	_ =	shalt  }
0x73: {  	_ =	shalt  }
0x74: {  	_ =	shalt  }
0x75: {  	_ =	shalt  }
0x76: {  	_ =	shalt  }
0x77: {  	_ =	shalt  }
0x78: {  	_ =	shalt  }
0x79: {  	_ =	shalt  }
0x7a: {  	_ =	shalt  }
0x7b: {  	_ =	shalt  }
0x7c: {  	_ =	shalt  }
0x7d: {  	_ =	shalt  }
0x7e: {  	_ =	shalt  }
0x7f: {  	_ =	shalt  }
0x80: {  	_ =	shalt  }
0x81: {  	_ =	shalt  }
0x82: {  	_ =	shalt  }
0x83: {  	_ =	shalt  }
0x84: {  	_ =	shalt  }
0x85: {  	_ =	shalt  }
0x86: {  	_ =	shalt  }
0x87: {  	_ =	shalt  }
.Lfunc_end0:
.L_simem_size_0:
called_computation.1_lowered:
.L_overlay_start_0:
0x88: {  	s2 =	sld [smem:$0x3FD9]  }
0x89: {  	s3 =	sld [smem:$0x3FFE];
	_ =	sdelay $0x1  }
0x8a: {  	s1 =	srdreg.scid  }
0x8b: {  	s0 =	sand.u32 $0x1, s1  }
0x8c: {  	s16 =	sshll.u32 s0, $0xA;
	s2 =	sadd.s32 s3, s2  }
0x8d: {  	s2 =	sadd.s32 s2, s16  }
0x8e: {  	[smem:$0x3FBC] =	sst s2  }
0x8f: {  	_ = 	snop  }
0x90: {  	(tm) =	ssettm $0x1  }
0x91: {  	s17 =	sld [smem:$0x3FFB];
	_ =	sdelay $0x3  }
0x92: {  	_ =	strace s17  }
0x93: {  	s2 =	sld [smem:$0x3FFC];
	_ =	sdelay $0x3  }
0x94: {  	_ =	strace s2  }
0x95: {  	s2 =	sld [smem:$0x3FFD];
	_ =	sdelay $0x3  }
0x96: {  	_ =	strace s2  }
0x97: {  	_ =	strace $0x8FFFFFFF  }
0x98: {  	s18 =	sld [smem:$0x3FDB];
	_ =	sdelay $0x1  }
0x99: {  	s19 =	simm.s32 $_scs_section_size  }
0x9a: {  	s4 =	simm.s32 $_size__tile_overlayer_lowered;
	s5 =	simm.s32 $_tile_overlayer_lowered  }
0x9b: {  	s22 =	simm.s32 $0x1BFF;
	s21 =	sshll.u32 s5, $0x1;
	s2 =	sadd.s32 s19, s18  }
0x9c: {  	s6 =	simm.s32 $0x0;
	s20 =	sshll.u32 s4, $0x1;
	s4 =	sadd.s32 s21, s2  }
0x9d: {  	[timem:s6], [sflag:s22] =	dma.local [hbm:s4], s20  }
0x9e: {  	_ =	swait.ge [sflag:s22], s20  }
0x9f: {  	s3 =	ssub.s32 $0x0, s20;
	[sflag:s22] =	ssyncset.done $0x0  }
0xa0: {  	[sflag:s22] =	ssyncadd.s32 s3;
	_ =	sdelay $0x1  }
0xa1: {  	s23 =	simm.s32 $0x1B8B  }
0xa2: {  	_ =	swait.ge [sflag:s23], $0x1  }
0xa3: {  	[sflag:s23] =	ssyncset.done $0x0  }
0xa4: {  	s25 =	simm.s32 $0x1B8E;
	s24 =	sld [smem:$0x3FFE];
	[sflag:s23] =	ssyncadd.s32 $0xFFFFFFFF  }
0xa5: {  	s26 =	simm.s32 $execute0_lowered;
	[smem:$0x3FD2] =	sst s25  }
0xa6: {  	s4 =	sshll.u32 s26, $0x1;
	_ =	strace $0x80000049;
	[dreg:$0x1] =	wrdreg $0xFFFFFFFF  }
0xa7: {  	s28 =	simm.s32 $_size_execute0_lowered;
	s2 =	sadd.s32 s2, s4;
	[dreg:$0x0] =	wrdreg $0x0  }
0xa8: {  	s4 =	sshll.u32 s28, $0x1;
	[dreg:$0x2] =	wrdreg s2  }
0xa9: {  	[dreg:$0x3] =	wrdreg s4  }
0xaa: {  	[dreg:$0x4] =	wrdreg $0xC0  }
0xab: {  	_ =	task [dreg:s6], $0x5FFFF  }
0xac: {  	[dreg:$0x1] =	wrdreg $0xFFFFFFFF  }
0xad: {  	[dreg:$0x0] =	wrdreg $0x60  }
0xae: {  	[dreg:$0x2] =	wrdreg s24  }
0xaf: {  	[dreg:$0x3] =	wrdreg $0x9  }
0xb0: {  	_ =	task.clear_ibuf [dreg:s6], $0x4FFFF;
	_ =	strace $0x90000049  }
0xb1: {  	s29 =	simm.s32 $0x9;
	_ =	strace $0x8000004B  }
0xb2: {  	_ =	swait.ge [sflag:s29], $0x1  }
0xb3: {  	[sflag:s29] =	ssyncadd.s32 $0xFFFFFFFF  }
0xb4: {  	_ =	strace $0x9000004B  }
0xb5: {  	_ =	sfence  }
0xb6: {  	s30 =	sld [smem:$0x0];
	_ =	sdelay $0x2  }
0xb7: {  	s31 =	sshll.u32 s1, $0xD;
	s1 =	sshrl.u32 s1, $0x2  }
0xb8: {  	s3 =	sand.u32 $0x4000, s31;
	s1 =	sadd.s32 s1, s30  }
0xb9: {  	s0 =	sor.u32 s3, s0;
	s1 =	sshll.u32 s1, $0x11  }
0xba: {  	s0 =	sor.u32 s1, s0  }
0xbb: {  	s0 =	sadd.s32 $0x8F2B, s0  }
0xbc: {  	[sflag:s0] =	ssyncadd.remote.s32 $0x1  }
0xbd: {  	_ =	sfence.sel $0xFFFF  }
0xbe: {  	[dreg:$0x0] =	wrdreg $0xFFFFFFFF;
	(pc) =	sbr.abs _section_cstart, $3  }
0xbf: {  	[dreg:$0x1] =	wrdreg $0xFFFFFFFF  }
0xc0: {  	_ =	task.clear_ibuf [dreg:s6], $0x2FFFF;
	_ =	strace $0x9FFFFFFF  }
0xc1: {  	(tm) =	ssettm $0x7FFFFFFF  }
tec
execute0_lowered:
.L_overlay_start_1:
0x0: {  	(tag) =	ssettag $0x1  }
0x1: {  	s1 =	srdreg.scid;
	s0 =	stileid.u32  }
0x2: {  	s5 =	rddreg [dreg:$0x0];
	s2 =	simm.s32 $0x0;
	s6 =	simm.s32 $0x1  }
0x3: {  	s12 =	simm.s32 $0x1000;
	s4 =	sand.u32 $0x1, s1;
	s30 =	sshll.u32 s0, $0x1  }
0x4: {  	s13 =	simm.s32 $0x80;
	s14 =	simm.s32 $0x5000;
	s3 =	sor.u32 s4, s30  }
0x5: {  	s15 =	simm.s32 $0x2;
	p1 =	seq.s32 s4, $0x1;
	p0 =	seq.s32 s3, $0x0  }
0x6: {  	s16 =	simm.s32 $0xF80;
	s1 =	rddreg [dreg:$0x1];
	p0 =	por !p0, !p1  }
0x7: {  	s17 =	simm.s32 $0x0;
	[smem:$0x7FF] =	sst s2;
	p0 =	por !p0, !p0  }
0x8: {  	s10 =	sadd.s32 $0x8A800, s5;
	_ =	strace $0x8000004A;
	s6 =	simm.s32 @!p0 $0x0  }
0x9: {  	s8 =	ssub.s32 $0x2, s4;
	s4 =	sshll.u32 s4, $0x13;
	s6 =	ssub.s32 s0, s6  }
0xa: {  	s7 =	sshll.u32 s3, $0x9;
	s3 =	sadd.s32 $0x46800, s5;
	s6 =	sshll.u32 s6, $0x14  }
0xb: {  	s31 =	sshrl.u32 s8, $0x1;
	s7 =	sadd.s32 s7, s5;
	s9 =	sor.u32 s6, s4  }
0xc: {  	s8 =	ssub.s32 s8, s31;
	s5 =	sadd.s32 $0x86800, s7;
	s6 =	sshrl.u32 s9, $0x3  }
0xd: {  	s7 =	smax.u32 s8, $0x1;
	s9 =	sor.u32 $0x4000, s9;
	s6 =	sadd.s32 s6, s10  }
0xe: {  	s4 =	simm.s32 $0x1;
	s11 =	sshrl.u32 s9, $0x3;
	s8 =	sadd.s32 $0xF000, s6  }
0xf: {  	s9 =	sadd.s32 $0xF800, s6;
	s10 =	sadd.s32 s11, s10;
	s11 =	simm.s32 $0x3  }
.LBB2_1:
0x10: {  	[tilespmem:s2], [sflag:$0x3] =	stream.linear.gather [hbm4b:s5+s2], $0x1000, $0x38;
	[tilespmem:$0x9000] =	vst v63  }
0x11: {  	_ =	swait.ge [sflag:s11], $0x1000  }
0x12: {  	[sflag:s11] =	ssyncset.done $0x0  }
0x13: {  	[sflag:s11] =	ssyncadd.s32 $0xFFFFF000  }
0x14: {  	[tilespmem:s12], [sflag:$0x1] =	stream.indirect.gather [hbm4b:s3+s13], $0x80, s2, s13, $0xb8;
	[tilespmem:$0x9000] =	vst v63  }
0x15: {  	_ = 	snop  }
0x16: {  	[tilespmem:s14], [sflag:$0x2] =	stream.indirect.gather [hbm4b:s3+s13], $0x80, s13, s13, $0xb8;
	[tilespmem:$0x9000] =	vst v63  }
0x17: {  	_ =	swait.ge [sflag:s4], $0x4000  }
0x18: {  	[sflag:s4] =	ssyncset.done $0x0  }
0x19: {  	s18 =	sadd.s32 $0x0, s6;
	[sflag:s4] =	ssyncadd.s32 $0xFFFFC000  }
0x1a: {  	[hbm4b:s18+s2] =	stream.linear.scatter [tilespmem:s12], [sflag:$0x3], $0x4000, $0x38;
	[tilespmem:$0x9000] =	vst v63  }
0x1b: {  	_ =	swait.ge [sflag:s11], $0x4000  }
0x1c: {  	[sflag:s11] =	ssyncset.done $0x0  }
0x1d: {  	s30 =	simm.s32 $0x100;
	[sflag:s11] =	ssyncadd.s32 $0xFFFFC000  }
0x1e: {  	[tilespmem:s12], [sflag:$0x1] =	stream.indirect.gather [hbm4b:s3+s13], $0x80, s30, s13, $0xb8;
	[tilespmem:$0x9000] =	vst v63  }
0x1f: {  	_ =	swait.ge [sflag:s15], $0x4000  }
0x20: {  	[sflag:s15] =	ssyncset.done $0x0  }
0x21: {  	s31 =	sadd.s32 $0x0, s10;
	[sflag:s15] =	ssyncadd.s32 $0xFFFFC000  }
0x22: {  	[hbm4b:s31+s2] =	stream.linear.scatter [tilespmem:s14], [sflag:$0x3], $0x4000, $0x38;
	[tilespmem:$0x9000] =	vst v63  }
0x23: {  	_ =	swait.ge [sflag:s11], $0x4000  }
0x24: {  	s19 =	simm.s32 $0x80;
	s18 =	simm.s32 $0x1000;
	[sflag:s11] =	ssyncset.done $0x0  }
.LBB2_2:
0x25: {  	p0 =	sne.s32 s18, $0xE000;
	[sflag:s11] =	ssyncadd.s32 $0xFFFFC000;
	s19 =	sadd.s32 $0x100, s19  }
0x26: {  	[tilespmem:s14], [sflag:$0x2] =	stream.indirect.gather [hbm4b:s3+s13], $0x80, s19, s13, $0xb8;
	[tilespmem:$0x9000] =	vst v63  }
0x27: {  	s20 =	smov.u32 s18;
	s18 =	sadd.s32 $0x1000, s18;
	_ =	swait.ge [sflag:s4], $0x4000  }
0x28: {  	[sflag:s4] =	ssyncset.done $0x0  }
0x29: {  	s21 =	sadd.s32 s20, s6;
	[sflag:s4] =	ssyncadd.s32 $0xFFFFC000  }
0x2a: {  	[hbm4b:s21+s2] =	stream.linear.scatter [tilespmem:s12], [sflag:$0x3], $0x4000, $0x38;
	[tilespmem:$0x9000] =	vst v63  }
0x2b: {  	_ =	swait.ge [sflag:s11], $0x4000  }
0x2c: {  	[sflag:s11] =	ssyncset.done $0x0  }
0x2d: {  	s21 =	sadd.s32 $0x80, s19;
	[sflag:s11] =	ssyncadd.s32 $0xFFFFC000  }
0x2e: {  	[tilespmem:s12], [sflag:$0x1] =	stream.indirect.gather [hbm4b:s3+s13], $0x80, s21, s13, $0xb8;
	[tilespmem:$0x9000] =	vst v63  }
0x2f: {  	_ =	swait.ge [sflag:s15], $0x4000  }
.Ltmp0:
0x30: {  	[sflag:s15] =	ssyncset.done $0x0;
	(pc) =	sbr.rel @p0 .LBB2_2-.Ltmp0, $4  }
0x31: {  	s20 =	sadd.s32 s20, s10;
	[sflag:s15] =	ssyncadd.s32 $0xFFFFC000  }
0x32: {  	[hbm4b:s20+s2] =	stream.linear.scatter [tilespmem:s14], [sflag:$0x3], $0x4000, $0x38;
	[tilespmem:$0x9000] =	vst v63  }
0x33: {  	_ =	swait.ge [sflag:s11], $0x4000  }
0x34: {  	[sflag:s11] =	ssyncset.done $0x0  }
0x35: {  	[sflag:s11] =	ssyncadd.s32 $0xFFFFC000  }
0x36: {  	[tilespmem:s14], [sflag:$0x2] =	stream.indirect.gather [hbm4b:s3+s13], $0x80, s16, s13, $0xb8;
	[tilespmem:$0x9000] =	vst v63  }
0x37: {  	_ =	swait.ge [sflag:s4], $0x4000  }
0x38: {  	[sflag:s4] =	ssyncset.done $0x0  }
0x39: {  	[sflag:s4] =	ssyncadd.s32 $0xFFFFC000  }
0x3a: {  	[hbm4b:s8+s2] =	stream.linear.scatter [tilespmem:s12], [sflag:$0x3], $0x4000, $0x38;
	[tilespmem:$0x9000] =	vst v63  }
0x3b: {  	_ =	swait.ge [sflag:s11], $0x4000  }
0x3c: {  	[sflag:s11] =	ssyncset.done $0x0  }
0x3d: {  	[sflag:s11] =	ssyncadd.s32 $0xFFFFC000  }
0x3e: {  	s17 =	sadd.s32 $0x1, s17;
	_ =	swait.ge [sflag:s15], $0x4000  }
0x3f: {  	p0 =	sne.s32 s17, s7;
	[sflag:s15] =	ssyncset.done $0x0  }
.Ltmp1:
0x40: {  	[sflag:s15] =	ssyncadd.s32 $0xFFFFC000;
	(pc) =	sbr.rel @p0 .LBB2_1-.Ltmp1, $4  }
0x41: {  	[hbm4b:s9+s2] =	stream.linear.scatter [tilespmem:s14], [sflag:$0x3], $0x4000, $0x38;
	[tilespmem:$0x9000] =	vst v63  }
0x42: {  	_ =	swait.ge [sflag:s11], $0x4000  }
0x43: {  	[sflag:s11] =	ssyncset.done $0x0  }
0x44: {  	[sflag:s11] =	ssyncadd.s32 $0xFFFFC000  }
0x45: {  	_ =	sfence.sel $0x180000  }
0x46: {  	[bflag:$0x0] =	sbarrier.arrive $0xFFFF  }
0x47: {  	p0 =	sne.s32 s0, $0x0;
	_ =	strace $0x9000004A  }
0x48: {  	s0 =	sadd.s32 @!p0 $0x100000, s1;
	[bflag:$0x2] =	sbarrier.arrive $0xFFFF  }
0x49: {  	[sflag:s0] =	ssyncadd.tile.s32 @!p0 $0x1;
	_ =	shalt  }
.Lfunc_end2:
_tile_overlayer_lowered:
.L_overlay_start_2:
0x4a: {  	(tag) =	ssettag $0x2  }
0x4b: {  	s0 =	rddreg [dreg:$0x0];
	s2 =	stileid.u32  }
0x4c: {  	s1 =	rddreg [dreg:$0x1];
	p0 =	sne.s32 s2, $0x0  }
0x4d: {  	s3 =	rddreg [dreg:$0x2];
	[bflag:$0x3] =	sbarrier.arrive $0xFFFF;
	s2 =	simm.s32 @!p0 $0x1C03  }
0x4e: {  	[timem:s3], [sflag:s2] =	dma.local @!p0 [hbm:s0], s1  }
0x4f: {  	s0 =	simm.s32 @!p0 $0x3  }
0x50: {  	_ =	swait.ge @!p0 [sflag:s0], s1  }
0x51: {  	s1 =	ssub.s32 @!p0 $0x0, s1;
	[sflag:s0] =	ssyncset.done @!p0 $0x0  }
0x52: {  	[sflag:s0] =	ssyncadd.s32 @!p0 s1  }
0x53: {  	[bflag:$0x3] =	sbarrier.arrive $0xFFFF  }
0x54: {  	_ =	shalt  }

// kernel: kernel.18.cloned.1.call-start
scs
__scs_entry_jumppad:
0x0: {  	(pc) =	sbr.rel $0x88, $3  }
0x1: {  	(tag) =	ssettag $0x0;
	lr =	simm.s32 $0x1  }
0x2: {  	[smem:$0x3F95] =	sst lr;
	_ =	strace $0xD0000000  }
0x3: {  	_ = 	snop  }
0x4: {  	_ = 	snop  }
0x5: {  	_ = 	snop  }
0x6: {  	_ = 	snop  }
0x7: {  	_ = 	snop  }
__scs_overlays_trampoline_lowered:
0x8: {  	[smem:$0x3FA4] =	sst s0  }
0x9: {  	[smem:$0x3FA5] =	sst s1  }
0xa: {  	[smem:$0x3FA6] =	sst s2  }
0xb: {  	[smem:$0x3FA7] =	sst s3  }
0xc: {  	[smem:$0x3FA8] =	sst s4  }
0xd: {  	[smem:$0x3FA9] =	sst s5  }
0xe: {  	[smem:$0x3FAA] =	sst s6  }
0xf: {  	[smem:$0x3FAB] =	sst s7  }
0x10: {  	[smem:$0x3FAC] =	sst s8  }
0x11: {  	[smem:$0x3FAD] =	sst s9;
	s0 =	simm.s32 @!p0 $0x0  }
0x12: {  	s1 =	sld [smem:$0x3F93];
	s0 =	simm.s32 @p0 $0x1  }
0x13: {  	[smem:$0x3FAE] =	sst s0;
	s0 =	simm.s32 @!p1 $0x0  }
0x14: {  	s2 =	sld [smem:$0x3F92];
	s0 =	simm.s32 @p1 $0x1  }
0x15: {  	[smem:$0x3FAF] =	sst s0;
	s0 =	simm.s32 @!p2 $0x0  }
0x16: {  	s3 =	sld [smem:$0x3FDB];
	s0 =	simm.s32 @p2 $0x1  }
0x17: {  	s4 =	simm.s32 $0x1BF5;
	[smem:$0x3FB1] =	sst s0  }
0x18: {  	s0 =	sld [smem:$0x3F94];
	_ =	swait.ge [sflag:s4], $0x0  }
0x19: {  	s7 =	sld [smem:$0x3F95]  }
0x1a: {  	s8 =	sadd.s32 $0xFFFFE003, lr  }
0x1b: {  	s9 =	sadd.s32 $0xFFFFFEF7, lr;
	s5 =	simm.s32 $0xFFFFFFFF;
	p2 =	slt.u32 s8, $0xFFFFF086  }
0x1c: {  	p1 =	slt.u32 s9, $0xF7A;
	s5 =	simm.s32 @!p2 $0x0  }
0x1d: {  	s5 =	simm.s32 @p1 $0x1;
	p0 =	seq.s32 s7, s2  }
0x1e: {  	s7 =	smul.u32 @!p0 $0xF7A, s2;
	p2 =	seq.s32 @!p0 s5, $0x0  }
0x1f: {  	s9 =	smul.u32 $0xF7A, s1;
	s8 =	simm.s32 @!p0 $0x1BF5;
	p2 =	por !p2, p0  }
0x20: {  	[sflag:s8] =	ssyncset.s32 @!p0 $0xFFFFF086;
	s6 =	sadd.s32 @!p0 s3, s7;
	s7 =	simm.s32 @!p0 $0x108  }
0x21: {  	s3 =	sadd.s32 s3, s9;
	s6 =	sadd.s32 @!p0 $0x88, s6;
	s7 =	simm.s32 @p2 $0x1082  }
0x22: {  	[simem:s7], [sflag:s8] =	dma.local @!p0 [hbm:s6], $0xF7A  }
0x23: {  	s9 =	sor.u32 $0xD0000000, s2;
	s6 =	simm.s32 $0x108;
	_ =	swait.ge @!p0 [sflag:s8], $0x0  }
0x24: {  	s3 =	sadd.s32 $0x88, s3;
	s6 =	simm.s32 @!p1 $0x1082;
	[sflag:s4] =	ssyncset.s32 $0xFFFFF086  }
0x25: {  	[simem:s6], [sflag:s4] =	dma.local [hbm:s3], $0xF7A  }
0x26: {  	[smem:$0x3F95] =	sst s1;
	(tag) =	ssettag s2;
	_ =	strace s9  }
0x27: {  	s1 =	sld [smem:$0x3FA5]  }
0x28: {  	s2 =	sld [smem:$0x3FA6]  }
0x29: {  	s4 =	sld [smem:$0x3FA8]  }
0x2a: {  	p0 =	seq.s32 s5, $0x0;
	s5 =	sld [smem:$0x3FA9]  }
0x2b: {  	s6 =	sld [smem:$0x3FAA]  }
0x2c: {  	s7 =	sld [smem:$0x3FAB]  }
0x2d: {  	s3 =	simm.s32 $0x108;
	s8 =	sld [smem:$0x3FAC]  }
0x2e: {  	s3 =	simm.s32 @!p0 $0x1082;
	s9 =	sld [smem:$0x3FAD]  }
0x2f: {  	lr =	sadd.s32 s0, s3;
	s0 =	sld [smem:$0x3FA4]  }
0x30: {  	s3 =	sld [smem:$0x3FA7]  }
0x31: {  	[smem:$0x3FB0] =	sst s10  }
0x32: {  	s10 =	sld [smem:$0x3FAE];
	_ =	sdelay $0x3  }
0x33: {  	p0 =	seq.s32 s10, $0x1;
	s10 =	sld [smem:$0x3FB0];
	_ =	sdelay $0x3  }
0x34: {  	[smem:$0x3FB0] =	sst s10  }
0x35: {  	s10 =	sld [smem:$0x3FAF];
	_ =	sdelay $0x3  }
0x36: {  	p1 =	seq.s32 s10, $0x1;
	s10 =	sld [smem:$0x3FB0];
	_ =	sdelay $0x3  }
0x37: {  	[smem:$0x3FB0] =	sst s10  }
0x38: {  	s10 =	sld [smem:$0x3FB1]  }
0x39: {  	_ = 	snop;
	(pc) =	sbr.ind lr, $3  }
0x3a: {  	_ = 	snop  }
0x3b: {  	_ = 	snop  }
0x3c: {  	p2 =	seq.s32 s10, $0x1;
	s10 =	sld [smem:$0x3FB0]  }
0x3d: {  	_ =	shalt  }
0x3e: {  	_ =	shalt  }
0x3f: {  	_ =	shalt  }
0x40: {  	_ =	shalt  }
0x41: {  	_ =	shalt  }
0x42: {  	_ =	shalt  }
0x43: {  	_ =	shalt  }
0x44: {  	_ =	shalt  }
0x45: {  	_ =	shalt  }
0x46: {  	_ =	shalt  }
0x47: {  	_ =	shalt  }
0x48: {  	_ =	shalt  }
0x49: {  	_ =	shalt  }
0x4a: {  	_ =	shalt  }
0x4b: {  	_ =	shalt  }
0x4c: {  	_ =	shalt  }
0x4d: {  	_ =	shalt  }
0x4e: {  	_ =	shalt  }
0x4f: {  	_ =	shalt  }
0x50: {  	_ =	shalt  }
0x51: {  	_ =	shalt  }
0x52: {  	_ =	shalt  }
0x53: {  	_ =	shalt  }
0x54: {  	_ =	shalt  }
0x55: {  	_ =	shalt  }
0x56: {  	_ =	shalt  }
0x57: {  	_ =	shalt  }
0x58: {  	_ =	shalt  }
0x59: {  	_ =	shalt  }
0x5a: {  	_ =	shalt  }
0x5b: {  	_ =	shalt  }
0x5c: {  	_ =	shalt  }
0x5d: {  	_ =	shalt  }
0x5e: {  	_ =	shalt  }
0x5f: {  	_ =	shalt  }
0x60: {  	_ =	shalt  }
0x61: {  	_ =	shalt  }
0x62: {  	_ =	shalt  }
0x63: {  	_ =	shalt  }
0x64: {  	_ =	shalt  }
0x65: {  	_ =	shalt  }
0x66: {  	_ =	shalt  }
0x67: {  	_ =	shalt  }
0x68: {  	_ =	shalt  }
0x69: {  	_ =	shalt  }
0x6a: {  	_ =	shalt  }
0x6b: {  	_ =	shalt  }
0x6c: {  	_ =	shalt  }
0x6d: {  	_ =	shalt  }
0x6e: {  	_ =	shalt  }
0x6f: {  	_ =	shalt  }
0x70: {  	_ =	shalt  }
0x71: {  	_ =	shalt  }
0x72: {  	_ =	shalt  }
0x73: {  	_ =	shalt  }
0x74: {  	_ =	shalt  }
0x75: {  	_ =	shalt  }
0x76: {  	_ =	shalt  }
0x77: {  	_ =	shalt  }
0x78: {  	_ =	shalt  }
0x79: {  	_ =	shalt  }
0x7a: {  	_ =	shalt  }
0x7b: {  	_ =	shalt  }
0x7c: {  	_ =	shalt  }
0x7d: {  	_ =	shalt  }
0x7e: {  	_ =	shalt  }
0x7f: {  	_ =	shalt  }
0x80: {  	_ =	shalt  }
0x81: {  	_ =	shalt  }
0x82: {  	_ =	shalt  }
0x83: {  	_ =	shalt  }
0x84: {  	_ =	shalt  }
0x85: {  	_ =	shalt  }
0x86: {  	_ =	shalt  }
0x87: {  	_ =	shalt  }
.Lfunc_end0:
.L_simem_size_0:
called_computation.2_lowered:
.L_overlay_start_0:
0x88: {  	s2 =	sld [smem:$0x3FD9]  }
0x89: {  	s3 =	sld [smem:$0x3FFE];
	_ =	sdelay $0x1  }
0x8a: {  	s1 =	srdreg.scid  }
0x8b: {  	s0 =	sand.u32 $0x1, s1  }
0x8c: {  	s16 =	sshll.u32 s0, $0xA;
	s2 =	sadd.s32 s3, s2  }
0x8d: {  	s2 =	sadd.s32 s2, s16  }
0x8e: {  	[smem:$0x3FBC] =	sst s2  }
0x8f: {  	_ = 	snop  }
0x90: {  	(tm) =	ssettm $0x1  }
0x91: {  	s17 =	sld [smem:$0x3FFB];
	_ =	sdelay $0x3  }
0x92: {  	_ =	strace s17  }
0x93: {  	s2 =	sld [smem:$0x3FFC];
	_ =	sdelay $0x3  }
0x94: {  	_ =	strace s2  }
0x95: {  	s2 =	sld [smem:$0x3FFD];
	_ =	sdelay $0x3  }
0x96: {  	_ =	strace s2  }
0x97: {  	_ =	strace $0x8FFFFFFF  }
0x98: {  	s18 =	sld [smem:$0x3FDB];
	_ =	sdelay $0x1  }
0x99: {  	s19 =	simm.s32 $_scs_section_size  }
0x9a: {  	s4 =	simm.s32 $_size__tile_overlayer_lowered;
	s5 =	simm.s32 $_tile_overlayer_lowered  }
0x9b: {  	s22 =	simm.s32 $0x1BFF;
	s21 =	sshll.u32 s5, $0x1;
	s2 =	sadd.s32 s19, s18  }
0x9c: {  	s6 =	simm.s32 $0x0;
	s20 =	sshll.u32 s4, $0x1;
	s4 =	sadd.s32 s21, s2  }
0x9d: {  	[timem:s6], [sflag:s22] =	dma.local [hbm:s4], s20  }
0x9e: {  	_ =	swait.ge [sflag:s22], s20  }
0x9f: {  	s3 =	ssub.s32 $0x0, s20;
	[sflag:s22] =	ssyncset.done $0x0  }
0xa0: {  	[sflag:s22] =	ssyncadd.s32 s3;
	_ =	sdelay $0x1  }
0xa1: {  	s23 =	simm.s32 $0x1B8B  }
0xa2: {  	_ =	swait.ge [sflag:s23], $0x1  }
0xa3: {  	[sflag:s23] =	ssyncset.done $0x0  }
0xa4: {  	s25 =	simm.s32 $0x1B8E;
	s24 =	sld [smem:$0x3FFE];
	[sflag:s23] =	ssyncadd.s32 $0xFFFFFFFF  }
0xa5: {  	s26 =	simm.s32 $execute0_lowered;
	[smem:$0x3FD2] =	sst s25  }
0xa6: {  	s4 =	sshll.u32 s26, $0x1;
	_ =	strace $0x8000004C;
	[dreg:$0x1] =	wrdreg $0xFFFFFFFF  }
0xa7: {  	s28 =	simm.s32 $_size_execute0_lowered;
	s2 =	sadd.s32 s2, s4;
	[dreg:$0x0] =	wrdreg $0x0  }
0xa8: {  	s4 =	sshll.u32 s28, $0x1;
	[dreg:$0x2] =	wrdreg s2  }
0xa9: {  	[dreg:$0x3] =	wrdreg s4  }
0xaa: {  	[dreg:$0x4] =	wrdreg $0xC0  }
0xab: {  	_ =	task [dreg:s6], $0x5FFFF  }
0xac: {  	[dreg:$0x1] =	wrdreg $0xFFFFFFFF  }
0xad: {  	[dreg:$0x0] =	wrdreg $0x60  }
0xae: {  	[dreg:$0x2] =	wrdreg s24  }
0xaf: {  	[dreg:$0x3] =	wrdreg $0x9  }
0xb0: {  	_ =	task.clear_ibuf [dreg:s6], $0x4FFFF;
	_ =	strace $0x9000004C  }
0xb1: {  	s29 =	simm.s32 $0x9;
	_ =	strace $0x8000004E  }
0xb2: {  	_ =	swait.ge [sflag:s29], $0x1  }
0xb3: {  	[sflag:s29] =	ssyncadd.s32 $0xFFFFFFFF  }
0xb4: {  	_ =	strace $0x9000004E  }
0xb5: {  	_ =	sfence  }
0xb6: {  	s30 =	sld [smem:$0x0];
	_ =	sdelay $0x2  }
0xb7: {  	s31 =	sshll.u32 s1, $0xD;
	s1 =	sshrl.u32 s1, $0x2  }
0xb8: {  	s3 =	sand.u32 $0x4000, s31;
	s1 =	sadd.s32 s1, s30  }
0xb9: {  	s0 =	sor.u32 s3, s0;
	s1 =	sshll.u32 s1, $0x11  }
0xba: {  	s0 =	sor.u32 s1, s0  }
0xbb: {  	s0 =	sadd.s32 $0x8F2B, s0  }
0xbc: {  	[sflag:s0] =	ssyncadd.remote.s32 $0x1  }
0xbd: {  	_ =	sfence.sel $0xFFFF  }
0xbe: {  	[dreg:$0x0] =	wrdreg $0xFFFFFFFF;
	(pc) =	sbr.abs _section_cstart, $3  }
0xbf: {  	[dreg:$0x1] =	wrdreg $0xFFFFFFFF  }
0xc0: {  	_ =	task.clear_ibuf [dreg:s6], $0x2FFFF;
	_ =	strace $0x9FFFFFFF  }
0xc1: {  	(tm) =	ssettm $0x7FFFFFFF  }
tec
execute0_lowered:
.L_overlay_start_1:
0x0: {  	(tag) =	ssettag $0x1  }
0x1: {  	s1 =	srdreg.scid;
	s0 =	stileid.u32  }
0x2: {  	s1 =	sand.u32 $0x1, s1;
	s2 =	sshll.u32 s0, $0x1  }
0x3: {  	s3 =	sor.u32 s1, s2  }
0x4: {  	p1 =	seq.s32 s1, $0x1;
	p0 =	seq.s32 s3, $0x0  }
0x5: {  	p0 =	por !p0, !p1  }
0x6: {  	s2 =	simm.s32 $0x1;
	p0 =	por !p0, !p0  }
0x7: {  	s2 =	simm.s32 @!p0 $0x0  }
0x8: {  	s4 =	rddreg [dreg:$0x0];
	s2 =	ssub.s32 s0, s2  }
0x9: {  	s5 =	sshll.u32 s1, $0x12;
	s3 =	sshll.u32 s3, $0x8;
	s6 =	sshll.u32 s2, $0x13  }
0xa: {  	s3 =	sadd.s32 s3, s4;
	s2 =	simm.s32 $0x0;
	s5 =	sor.u32 s6, s5  }
0xb: {  	s3 =	sadd.s32 $0x5800, s3;
	[smem:$0x7FF] =	sst s2;
	s5 =	sshrl.u32 s5, $0x3  }
0xc: {  	_ =	strace $0x8000004D;
	[dreg:$0x2] =	wrdreg s3;
	s30 =	sadd.s32 s5, s4  }
0xd: {  	s25 =	rddreg [dreg:$0x2];
	s17 =	sadd.s32 $0x2E800, s30  }
0xe: {  	[tilespmem:s2], [sflag:$0x3] =	stream.linear.gather [hbm4b:s25+s2], $0x800, $0x38;
	[tilespmem:$0x8800] =	vst v63  }
0xf: {  	s18 =	sadd.s32 $0x2F000, s30;
	[dreg:$0x3] =	wrdreg s17  }
0x10: {  	s19 =	sadd.s32 $0x27800, s30;
	[dreg:$0x4] =	wrdreg s18  }
0x11: {  	s20 =	sadd.s32 $0x28000, s30;
	[dreg:$0x5] =	wrdreg s19  }
0x12: {  	s21 =	sadd.s32 $0x28800, s30;
	[dreg:$0x6] =	wrdreg s20  }
0x13: {  	s22 =	sadd.s32 $0x29000, s30;
	[dreg:$0x7] =	wrdreg s21  }
0x14: {  	s23 =	sadd.s32 $0x29800, s30;
	[dreg:$0x8] =	wrdreg s22  }
0x15: {  	s24 =	sadd.s32 $0x2A000, s30;
	[dreg:$0x9] =	wrdreg s23  }
0x16: {  	s26 =	sadd.s32 $0x2A800, s30;
	[dreg:$0xa] =	wrdreg s24  }
0x17: {  	s3 =	simm.s32 $0x3;
	[dreg:$0xb] =	wrdreg s26  }
0x18: {  	_ =	swait.ge [sflag:s3], $0x800  }
0x19: {  	s6 =	simm.s32 $0x800;
	[sflag:s3] =	ssyncset.done $0x0  }
0x1a: {  	s4 =	sadd.s32 $0x7800, s4;
	s5 =	simm.s32 $0x80;
	[sflag:s3] =	ssyncadd.s32 $0xFFFFF800  }
0x1b: {  	[tilespmem:s6], [sflag:$0x1] =	stream.indirect.gather [hbm4b:s4+s5], $0x80, s2, s5, $0xb8;
	[tilespmem:$0x8800] =	vst v63  }
0x1c: {  	s7 =	simm.s32 $0x1;
	s8 =	simm.s32 $0x4800  }
0x1d: {  	[tilespmem:s8], [sflag:$0x2] =	stream.indirect.gather [hbm4b:s4+s5], $0x80, s5, s5, $0xb8;
	[tilespmem:$0x8800] =	vst v63  }
0x1e: {  	_ =	swait.ge [sflag:s7], $0x4000  }
0x1f: {  	[sflag:s7] =	ssyncset.done $0x0  }
0x20: {  	s9 =	rddreg [dreg:$0x5];
	[sflag:s7] =	ssyncadd.s32 $0xFFFFC000  }
0x21: {  	[hbm4b:s9+s2] =	stream.linear.scatter [tilespmem:s6], [sflag:$0x3], $0x4000, $0x38;
	[tilespmem:$0x8800] =	vst v63  }
0x22: {  	_ =	swait.ge [sflag:s3], $0x4000  }
0x23: {  	[sflag:s3] =	ssyncset.done $0x0  }
0x24: {  	s10 =	simm.s32 $0x2;
	s9 =	simm.s32 $0x100;
	[sflag:s3] =	ssyncadd.s32 $0xFFFFC000  }
0x25: {  	[tilespmem:s6], [sflag:$0x1] =	stream.indirect.gather [hbm4b:s4+s5], $0x80, s9, s5, $0xb8;
	[tilespmem:$0x8800] =	vst v63  }
0x26: {  	_ =	swait.ge [sflag:s10], $0x4000  }
0x27: {  	[sflag:s10] =	ssyncset.done $0x0  }
0x28: {  	s11 =	rddreg [dreg:$0x6];
	[sflag:s10] =	ssyncadd.s32 $0xFFFFC000  }
0x29: {  	[hbm4b:s11+s2] =	stream.linear.scatter [tilespmem:s8], [sflag:$0x3], $0x4000, $0x38;
	[tilespmem:$0x8800] =	vst v63  }
0x2a: {  	_ =	swait.ge [sflag:s3], $0x4000  }
0x2b: {  	[sflag:s3] =	ssyncset.done $0x0  }
0x2c: {  	s11 =	simm.s32 $0x180;
	[sflag:s3] =	ssyncadd.s32 $0xFFFFC000  }
0x2d: {  	[tilespmem:s8], [sflag:$0x2] =	stream.indirect.gather [hbm4b:s4+s5], $0x80, s11, s5, $0xb8;
	[tilespmem:$0x8800] =	vst v63  }
0x2e: {  	_ =	swait.ge [sflag:s7], $0x4000  }
0x2f: {  	[sflag:s7] =	ssyncset.done $0x0  }
0x30: {  	s12 =	rddreg [dreg:$0x7];
	[sflag:s7] =	ssyncadd.s32 $0xFFFFC000  }
0x31: {  	[hbm4b:s12+s2] =	stream.linear.scatter [tilespmem:s6], [sflag:$0x3], $0x4000, $0x38;
	[tilespmem:$0x8800] =	vst v63  }
0x32: {  	_ =	swait.ge [sflag:s3], $0x4000  }
0x33: {  	[sflag:s3] =	ssyncset.done $0x0  }
0x34: {  	s12 =	simm.s32 $0x200;
	[sflag:s3] =	ssyncadd.s32 $0xFFFFC000  }
0x35: {  	[tilespmem:s6], [sflag:$0x1] =	stream.indirect.gather [hbm4b:s4+s5], $0x80, s12, s5, $0xb8;
	[tilespmem:$0x8800] =	vst v63  }
0x36: {  	_ =	swait.ge [sflag:s10], $0x4000  }
0x37: {  	[sflag:s10] =	ssyncset.done $0x0  }
0x38: {  	s13 =	rddreg [dreg:$0x8];
	[sflag:s10] =	ssyncadd.s32 $0xFFFFC000  }
0x39: {  	[hbm4b:s13+s2] =	stream.linear.scatter [tilespmem:s8], [sflag:$0x3], $0x4000, $0x38;
	[tilespmem:$0x8800] =	vst v63  }
0x3a: {  	_ =	swait.ge [sflag:s3], $0x4000  }
0x3b: {  	[sflag:s3] =	ssyncset.done $0x0  }
0x3c: {  	s13 =	simm.s32 $0x280;
	[sflag:s3] =	ssyncadd.s32 $0xFFFFC000  }
0x3d: {  	[tilespmem:s8], [sflag:$0x2] =	stream.indirect.gather [hbm4b:s4+s5], $0x80, s13, s5, $0xb8;
	[tilespmem:$0x8800] =	vst v63  }
0x3e: {  	_ =	swait.ge [sflag:s7], $0x4000  }
0x3f: {  	[sflag:s7] =	ssyncset.done $0x0  }
0x40: {  	s14 =	rddreg [dreg:$0x9];
	[sflag:s7] =	ssyncadd.s32 $0xFFFFC000  }
0x41: {  	[hbm4b:s14+s2] =	stream.linear.scatter [tilespmem:s6], [sflag:$0x3], $0x4000, $0x38;
	[tilespmem:$0x8800] =	vst v63  }
0x42: {  	_ =	swait.ge [sflag:s3], $0x4000  }
0x43: {  	[sflag:s3] =	ssyncset.done $0x0  }
0x44: {  	s14 =	simm.s32 $0x300;
	[sflag:s3] =	ssyncadd.s32 $0xFFFFC000  }
0x45: {  	[tilespmem:s6], [sflag:$0x1] =	stream.indirect.gather [hbm4b:s4+s5], $0x80, s14, s5, $0xb8;
	[tilespmem:$0x8800] =	vst v63  }
0x46: {  	_ =	swait.ge [sflag:s10], $0x4000  }
0x47: {  	[sflag:s10] =	ssyncset.done $0x0  }
0x48: {  	s15 =	rddreg [dreg:$0xa];
	[sflag:s10] =	ssyncadd.s32 $0xFFFFC000  }
0x49: {  	[hbm4b:s15+s2] =	stream.linear.scatter [tilespmem:s8], [sflag:$0x3], $0x4000, $0x38;
	[tilespmem:$0x8800] =	vst v63  }
0x4a: {  	_ =	swait.ge [sflag:s3], $0x4000  }
0x4b: {  	[sflag:s3] =	ssyncset.done $0x0  }
0x4c: {  	s15 =	simm.s32 $0x380;
	[sflag:s3] =	ssyncadd.s32 $0xFFFFC000  }
0x4d: {  	[tilespmem:s8], [sflag:$0x2] =	stream.indirect.gather [hbm4b:s4+s5], $0x80, s15, s5, $0xb8;
	[tilespmem:$0x8800] =	vst v63  }
0x4e: {  	_ =	swait.ge [sflag:s7], $0x4000  }
0x4f: {  	[sflag:s7] =	ssyncset.done $0x0  }
0x50: {  	s16 =	rddreg [dreg:$0xb];
	[sflag:s7] =	ssyncadd.s32 $0xFFFFC000  }
0x51: {  	[hbm4b:s16+s2] =	stream.linear.scatter [tilespmem:s6], [sflag:$0x3], $0x4000, $0x38;
	[tilespmem:$0x8800] =	vst v63  }
0x52: {  	_ =	swait.ge [sflag:s3], $0x4000  }
0x53: {  	[sflag:s3] =	ssyncset.done $0x0  }
0x54: {  	s16 =	simm.s32 $0x400;
	[sflag:s3] =	ssyncadd.s32 $0xFFFFC000  }
0x55: {  	[tilespmem:s6], [sflag:$0x1] =	stream.indirect.gather [hbm4b:s4+s5], $0x80, s16, s5, $0xb8;
	[tilespmem:$0x8800] =	vst v63  }
0x56: {  	_ =	swait.ge [sflag:s10], $0x4000  }
0x57: {  	[sflag:s10] =	ssyncset.done $0x0  }
0x58: {  	s17 =	sadd.s32 $0x2B000, s30;
	[sflag:s10] =	ssyncadd.s32 $0xFFFFC000  }
0x59: {  	[hbm4b:s17+s2] =	stream.linear.scatter [tilespmem:s8], [sflag:$0x3], $0x4000, $0x38;
	[tilespmem:$0x8800] =	vst v63  }
0x5a: {  	_ =	swait.ge [sflag:s3], $0x4000  }
0x5b: {  	[sflag:s3] =	ssyncset.done $0x0  }
0x5c: {  	s18 =	simm.s32 $0x480;
	[sflag:s3] =	ssyncadd.s32 $0xFFFFC000  }
0x5d: {  	[tilespmem:s8], [sflag:$0x2] =	stream.indirect.gather [hbm4b:s4+s5], $0x80, s18, s5, $0xb8;
	[tilespmem:$0x8800] =	vst v63  }
0x5e: {  	_ =	swait.ge [sflag:s7], $0x4000  }
0x5f: {  	[sflag:s7] =	ssyncset.done $0x0  }
0x60: {  	s19 =	sadd.s32 $0x2B800, s30;
	[sflag:s7] =	ssyncadd.s32 $0xFFFFC000  }
0x61: {  	[hbm4b:s19+s2] =	stream.linear.scatter [tilespmem:s6], [sflag:$0x3], $0x4000, $0x38;
	[tilespmem:$0x8800] =	vst v63  }
0x62: {  	_ =	swait.ge [sflag:s3], $0x4000  }
0x63: {  	[sflag:s3] =	ssyncset.done $0x0  }
0x64: {  	s20 =	simm.s32 $0x500;
	[sflag:s3] =	ssyncadd.s32 $0xFFFFC000  }
0x65: {  	[tilespmem:s6], [sflag:$0x1] =	stream.indirect.gather [hbm4b:s4+s5], $0x80, s20, s5, $0xb8;
	[tilespmem:$0x8800] =	vst v63  }
0x66: {  	_ =	swait.ge [sflag:s10], $0x4000  }
0x67: {  	[sflag:s10] =	ssyncset.done $0x0  }
0x68: {  	s21 =	sadd.s32 $0x2C000, s30;
	[sflag:s10] =	ssyncadd.s32 $0xFFFFC000  }
0x69: {  	[hbm4b:s21+s2] =	stream.linear.scatter [tilespmem:s8], [sflag:$0x3], $0x4000, $0x38;
	[tilespmem:$0x8800] =	vst v63  }
0x6a: {  	_ =	swait.ge [sflag:s3], $0x4000  }
0x6b: {  	[sflag:s3] =	ssyncset.done $0x0  }
0x6c: {  	s22 =	simm.s32 $0x580;
	[sflag:s3] =	ssyncadd.s32 $0xFFFFC000  }
0x6d: {  	[tilespmem:s8], [sflag:$0x2] =	stream.indirect.gather [hbm4b:s4+s5], $0x80, s22, s5, $0xb8;
	[tilespmem:$0x8800] =	vst v63  }
0x6e: {  	_ =	swait.ge [sflag:s7], $0x4000  }
0x6f: {  	[sflag:s7] =	ssyncset.done $0x0  }
0x70: {  	s23 =	sadd.s32 $0x2C800, s30;
	[sflag:s7] =	ssyncadd.s32 $0xFFFFC000  }
0x71: {  	[hbm4b:s23+s2] =	stream.linear.scatter [tilespmem:s6], [sflag:$0x3], $0x4000, $0x38;
	[tilespmem:$0x8800] =	vst v63  }
0x72: {  	_ =	swait.ge [sflag:s3], $0x4000  }
0x73: {  	[sflag:s3] =	ssyncset.done $0x0  }
0x74: {  	s24 =	simm.s32 $0x600;
	[sflag:s3] =	ssyncadd.s32 $0xFFFFC000  }
0x75: {  	[tilespmem:s6], [sflag:$0x1] =	stream.indirect.gather [hbm4b:s4+s5], $0x80, s24, s5, $0xb8;
	[tilespmem:$0x8800] =	vst v63  }
0x76: {  	_ =	swait.ge [sflag:s10], $0x4000  }
0x77: {  	[sflag:s10] =	ssyncset.done $0x0  }
0x78: {  	s25 =	sadd.s32 $0x2D000, s30;
	[sflag:s10] =	ssyncadd.s32 $0xFFFFC000  }
0x79: {  	[hbm4b:s25+s2] =	stream.linear.scatter [tilespmem:s8], [sflag:$0x3], $0x4000, $0x38;
	[tilespmem:$0x8800] =	vst v63  }
0x7a: {  	_ =	swait.ge [sflag:s3], $0x4000  }
0x7b: {  	[sflag:s3] =	ssyncset.done $0x0  }
0x7c: {  	s26 =	simm.s32 $0x680;
	[sflag:s3] =	ssyncadd.s32 $0xFFFFC000  }
0x7d: {  	[tilespmem:s8], [sflag:$0x2] =	stream.indirect.gather [hbm4b:s4+s5], $0x80, s26, s5, $0xb8;
	[tilespmem:$0x8800] =	vst v63  }
0x7e: {  	_ =	swait.ge [sflag:s7], $0x4000  }
0x7f: {  	[sflag:s7] =	ssyncset.done $0x0  }
0x80: {  	s28 =	sadd.s32 $0x2D800, s30;
	[sflag:s7] =	ssyncadd.s32 $0xFFFFC000  }
0x81: {  	[hbm4b:s28+s2] =	stream.linear.scatter [tilespmem:s6], [sflag:$0x3], $0x4000, $0x38;
	[tilespmem:$0x8800] =	vst v63  }
0x82: {  	_ =	swait.ge [sflag:s3], $0x4000  }
0x83: {  	[sflag:s3] =	ssyncset.done $0x0  }
0x84: {  	s29 =	simm.s32 $0x700;
	[sflag:s3] =	ssyncadd.s32 $0xFFFFC000  }
0x85: {  	[tilespmem:s6], [sflag:$0x1] =	stream.indirect.gather [hbm4b:s4+s5], $0x80, s29, s5, $0xb8;
	[tilespmem:$0x8800] =	vst v63  }
0x86: {  	_ =	swait.ge [sflag:s10], $0x4000  }
0x87: {  	[sflag:s10] =	ssyncset.done $0x0  }
0x88: {  	s30 =	sadd.s32 $0x2E000, s30;
	[sflag:s10] =	ssyncadd.s32 $0xFFFFC000  }
0x89: {  	[hbm4b:s30+s2] =	stream.linear.scatter [tilespmem:s8], [sflag:$0x3], $0x4000, $0x38;
	[tilespmem:$0x8800] =	vst v63  }
0x8a: {  	_ =	swait.ge [sflag:s3], $0x4000  }
0x8b: {  	[sflag:s3] =	ssyncset.done $0x0  }
0x8c: {  	s31 =	simm.s32 $0x780;
	[sflag:s3] =	ssyncadd.s32 $0xFFFFC000  }
0x8d: {  	[tilespmem:s8], [sflag:$0x2] =	stream.indirect.gather [hbm4b:s4+s5], $0x80, s31, s5, $0xb8;
	[tilespmem:$0x8800] =	vst v63  }
0x8e: {  	_ =	swait.ge [sflag:s7], $0x4000  }
0x8f: {  	[sflag:s7] =	ssyncset.done $0x0  }
0x90: {  	s0 =	rddreg [dreg:$0x3];
	[sflag:s7] =	ssyncadd.s32 $0xFFFFC000  }
0x91: {  	[hbm4b:s0+s2] =	stream.linear.scatter [tilespmem:s6], [sflag:$0x3], $0x4000, $0x38;
	[tilespmem:$0x8800] =	vst v63  }
0x92: {  	_ =	swait.ge [sflag:s3], $0x4000  }
0x93: {  	[sflag:s3] =	ssyncset.done $0x0  }
0x94: {  	[sflag:s3] =	ssyncadd.s32 $0xFFFFC000  }
0x95: {  	_ =	swait.ge [sflag:s10], $0x4000  }
0x96: {  	s0 =	ssub.s32 $0x2, s1;
	s1 =	rddreg [dreg:$0x4]  }
0x97: {  	[dreg:$0xc] =	wrdreg s1;
	s1 =	sshrl.u32 s0, $0x1  }
0x98: {  	s0 =	ssub.s32 s0, s1  }
0x99: {  	s0 =	smax.u32 s0, $0x1  }
0x9a: {  	p0 =	sne.s32 s0, $0x1  }
.Ltmp0:
0x9b: {  	_ = 	snop;
	(pc) =	sbr.rel @!p0 .LBB2_2-.Ltmp0, $4  }
0x9c: {  	[sflag:s10] =	ssyncset.done $0x0  }
0x9d: {  	[sflag:s10] =	ssyncadd.s32 $0xFFFFC000;
	s1 =	rddreg [dreg:$0xc]  }
0x9e: {  	[hbm4b:s1+s2] =	stream.linear.scatter [tilespmem:s8], [sflag:$0x3], $0x4000, $0x38;
	[tilespmem:$0x8800] =	vst v63  }
0x9f: {  	s1 =	sadd.s32 $0xFFFFFFFF, s0;
	_ =	swait.ge [sflag:s3], $0x4000  }
.LBB2_1:
0xa0: {  	[sflag:s3] =	ssyncset.done $0x0  }
0xa1: {  	s0 =	rddreg [dreg:$0x2];
	[sflag:s3] =	ssyncadd.s32 $0xFFFFC000  }
0xa2: {  	[tilespmem:s2], [sflag:$0x3] =	stream.linear.gather [hbm4b:s0+s2], $0x800, $0x38;
	[tilespmem:$0x8800] =	vst v63  }
0xa3: {  	_ =	swait.ge [sflag:s3], $0x800  }
0xa4: {  	[sflag:s3] =	ssyncset.done $0x0  }
0xa5: {  	[sflag:s3] =	ssyncadd.s32 $0xFFFFF800  }
0xa6: {  	[tilespmem:s6], [sflag:$0x1] =	stream.indirect.gather [hbm4b:s4+s5], $0x80, s2, s5, $0xb8;
	[tilespmem:$0x8800] =	vst v63  }
0xa7: {  	_ = 	snop  }
0xa8: {  	[tilespmem:s8], [sflag:$0x2] =	stream.indirect.gather [hbm4b:s4+s5], $0x80, s5, s5, $0xb8;
	[tilespmem:$0x8800] =	vst v63  }
0xa9: {  	_ =	swait.ge [sflag:s7], $0x4000  }
0xaa: {  	[sflag:s7] =	ssyncset.done $0x0  }
0xab: {  	s0 =	rddreg [dreg:$0x5];
	[sflag:s7] =	ssyncadd.s32 $0xFFFFC000  }
0xac: {  	[hbm4b:s0+s2] =	stream.linear.scatter [tilespmem:s6], [sflag:$0x3], $0x4000, $0x38;
	[tilespmem:$0x8800] =	vst v63  }
0xad: {  	_ =	swait.ge [sflag:s3], $0x4000  }
0xae: {  	[sflag:s3] =	ssyncset.done $0x0  }
0xaf: {  	[sflag:s3] =	ssyncadd.s32 $0xFFFFC000  }
0xb0: {  	[tilespmem:s6], [sflag:$0x1] =	stream.indirect.gather [hbm4b:s4+s5], $0x80, s9, s5, $0xb8;
	[tilespmem:$0x8800] =	vst v63  }
0xb1: {  	_ =	swait.ge [sflag:s10], $0x4000  }
0xb2: {  	[sflag:s10] =	ssyncset.done $0x0  }
0xb3: {  	s0 =	rddreg [dreg:$0x6];
	[sflag:s10] =	ssyncadd.s32 $0xFFFFC000  }
0xb4: {  	[hbm4b:s0+s2] =	stream.linear.scatter [tilespmem:s8], [sflag:$0x3], $0x4000, $0x38;
	[tilespmem:$0x8800] =	vst v63  }
0xb5: {  	_ =	swait.ge [sflag:s3], $0x4000  }
0xb6: {  	[sflag:s3] =	ssyncset.done $0x0  }
0xb7: {  	[sflag:s3] =	ssyncadd.s32 $0xFFFFC000  }
0xb8: {  	[tilespmem:s8], [sflag:$0x2] =	stream.indirect.gather [hbm4b:s4+s5], $0x80, s11, s5, $0xb8;
	[tilespmem:$0x8800] =	vst v63  }
0xb9: {  	_ =	swait.ge [sflag:s7], $0x4000  }
0xba: {  	[sflag:s7] =	ssyncset.done $0x0  }
0xbb: {  	s0 =	rddreg [dreg:$0x7];
	[sflag:s7] =	ssyncadd.s32 $0xFFFFC000  }
0xbc: {  	[hbm4b:s0+s2] =	stream.linear.scatter [tilespmem:s6], [sflag:$0x3], $0x4000, $0x38;
	[tilespmem:$0x8800] =	vst v63  }
0xbd: {  	_ =	swait.ge [sflag:s3], $0x4000  }
0xbe: {  	[sflag:s3] =	ssyncset.done $0x0  }
0xbf: {  	[sflag:s3] =	ssyncadd.s32 $0xFFFFC000  }
0xc0: {  	[tilespmem:s6], [sflag:$0x1] =	stream.indirect.gather [hbm4b:s4+s5], $0x80, s12, s5, $0xb8;
	[tilespmem:$0x8800] =	vst v63  }
0xc1: {  	_ =	swait.ge [sflag:s10], $0x4000  }
0xc2: {  	[sflag:s10] =	ssyncset.done $0x0  }
0xc3: {  	s0 =	rddreg [dreg:$0x8];
	[sflag:s10] =	ssyncadd.s32 $0xFFFFC000  }
0xc4: {  	[hbm4b:s0+s2] =	stream.linear.scatter [tilespmem:s8], [sflag:$0x3], $0x4000, $0x38;
	[tilespmem:$0x8800] =	vst v63  }
0xc5: {  	_ =	swait.ge [sflag:s3], $0x4000  }
0xc6: {  	[sflag:s3] =	ssyncset.done $0x0  }
0xc7: {  	[sflag:s3] =	ssyncadd.s32 $0xFFFFC000  }
0xc8: {  	[tilespmem:s8], [sflag:$0x2] =	stream.indirect.gather [hbm4b:s4+s5], $0x80, s13, s5, $0xb8;
	[tilespmem:$0x8800] =	vst v63  }
0xc9: {  	_ =	swait.ge [sflag:s7], $0x4000  }
0xca: {  	[sflag:s7] =	ssyncset.done $0x0  }
0xcb: {  	s0 =	rddreg [dreg:$0x9];
	[sflag:s7] =	ssyncadd.s32 $0xFFFFC000  }
0xcc: {  	[hbm4b:s0+s2] =	stream.linear.scatter [tilespmem:s6], [sflag:$0x3], $0x4000, $0x38;
	[tilespmem:$0x8800] =	vst v63  }
0xcd: {  	_ =	swait.ge [sflag:s3], $0x4000  }
0xce: {  	[sflag:s3] =	ssyncset.done $0x0  }
0xcf: {  	[sflag:s3] =	ssyncadd.s32 $0xFFFFC000  }
0xd0: {  	[tilespmem:s6], [sflag:$0x1] =	stream.indirect.gather [hbm4b:s4+s5], $0x80, s14, s5, $0xb8;
	[tilespmem:$0x8800] =	vst v63  }
0xd1: {  	_ =	swait.ge [sflag:s10], $0x4000  }
0xd2: {  	[sflag:s10] =	ssyncset.done $0x0  }
0xd3: {  	s0 =	rddreg [dreg:$0xa];
	[sflag:s10] =	ssyncadd.s32 $0xFFFFC000  }
0xd4: {  	[hbm4b:s0+s2] =	stream.linear.scatter [tilespmem:s8], [sflag:$0x3], $0x4000, $0x38;
	[tilespmem:$0x8800] =	vst v63  }
0xd5: {  	_ =	swait.ge [sflag:s3], $0x4000  }
0xd6: {  	[sflag:s3] =	ssyncset.done $0x0  }
0xd7: {  	[sflag:s3] =	ssyncadd.s32 $0xFFFFC000  }
0xd8: {  	[tilespmem:s8], [sflag:$0x2] =	stream.indirect.gather [hbm4b:s4+s5], $0x80, s15, s5, $0xb8;
	[tilespmem:$0x8800] =	vst v63  }
0xd9: {  	_ =	swait.ge [sflag:s7], $0x4000  }
0xda: {  	[sflag:s7] =	ssyncset.done $0x0  }
0xdb: {  	s0 =	rddreg [dreg:$0xb];
	[sflag:s7] =	ssyncadd.s32 $0xFFFFC000  }
0xdc: {  	[hbm4b:s0+s2] =	stream.linear.scatter [tilespmem:s6], [sflag:$0x3], $0x4000, $0x38;
	[tilespmem:$0x8800] =	vst v63  }
0xdd: {  	_ =	swait.ge [sflag:s3], $0x4000  }
0xde: {  	[sflag:s3] =	ssyncset.done $0x0  }
0xdf: {  	[sflag:s3] =	ssyncadd.s32 $0xFFFFC000  }
0xe0: {  	[tilespmem:s6], [sflag:$0x1] =	stream.indirect.gather [hbm4b:s4+s5], $0x80, s16, s5, $0xb8;
	[tilespmem:$0x8800] =	vst v63  }
0xe1: {  	_ =	swait.ge [sflag:s10], $0x4000  }
0xe2: {  	[sflag:s10] =	ssyncset.done $0x0  }
0xe3: {  	[sflag:s10] =	ssyncadd.s32 $0xFFFFC000  }
0xe4: {  	[hbm4b:s17+s2] =	stream.linear.scatter [tilespmem:s8], [sflag:$0x3], $0x4000, $0x38;
	[tilespmem:$0x8800] =	vst v63  }
0xe5: {  	_ =	swait.ge [sflag:s3], $0x4000  }
0xe6: {  	[sflag:s3] =	ssyncset.done $0x0  }
0xe7: {  	[sflag:s3] =	ssyncadd.s32 $0xFFFFC000  }
0xe8: {  	[tilespmem:s8], [sflag:$0x2] =	stream.indirect.gather [hbm4b:s4+s5], $0x80, s18, s5, $0xb8;
	[tilespmem:$0x8800] =	vst v63  }
0xe9: {  	_ =	swait.ge [sflag:s7], $0x4000  }
0xea: {  	[sflag:s7] =	ssyncset.done $0x0  }
0xeb: {  	[sflag:s7] =	ssyncadd.s32 $0xFFFFC000  }
0xec: {  	[hbm4b:s19+s2] =	stream.linear.scatter [tilespmem:s6], [sflag:$0x3], $0x4000, $0x38;
	[tilespmem:$0x8800] =	vst v63  }
0xed: {  	_ =	swait.ge [sflag:s3], $0x4000  }
0xee: {  	[sflag:s3] =	ssyncset.done $0x0  }
0xef: {  	[sflag:s3] =	ssyncadd.s32 $0xFFFFC000  }
0xf0: {  	[tilespmem:s6], [sflag:$0x1] =	stream.indirect.gather [hbm4b:s4+s5], $0x80, s20, s5, $0xb8;
	[tilespmem:$0x8800] =	vst v63  }
0xf1: {  	_ =	swait.ge [sflag:s10], $0x4000  }
0xf2: {  	[sflag:s10] =	ssyncset.done $0x0  }
0xf3: {  	[sflag:s10] =	ssyncadd.s32 $0xFFFFC000  }
0xf4: {  	[hbm4b:s21+s2] =	stream.linear.scatter [tilespmem:s8], [sflag:$0x3], $0x4000, $0x38;
	[tilespmem:$0x8800] =	vst v63  }
0xf5: {  	_ =	swait.ge [sflag:s3], $0x4000  }
0xf6: {  	[sflag:s3] =	ssyncset.done $0x0  }
0xf7: {  	[sflag:s3] =	ssyncadd.s32 $0xFFFFC000  }
0xf8: {  	[tilespmem:s8], [sflag:$0x2] =	stream.indirect.gather [hbm4b:s4+s5], $0x80, s22, s5, $0xb8;
	[tilespmem:$0x8800] =	vst v63  }
0xf9: {  	_ =	swait.ge [sflag:s7], $0x4000  }
0xfa: {  	[sflag:s7] =	ssyncset.done $0x0  }
0xfb: {  	[sflag:s7] =	ssyncadd.s32 $0xFFFFC000  }
0xfc: {  	[hbm4b:s23+s2] =	stream.linear.scatter [tilespmem:s6], [sflag:$0x3], $0x4000, $0x38;
	[tilespmem:$0x8800] =	vst v63  }
0xfd: {  	_ =	swait.ge [sflag:s3], $0x4000  }
0xfe: {  	[sflag:s3] =	ssyncset.done $0x0  }
0xff: {  	[sflag:s3] =	ssyncadd.s32 $0xFFFFC000  }
0x100: {  	[tilespmem:s6], [sflag:$0x1] =	stream.indirect.gather [hbm4b:s4+s5], $0x80, s24, s5, $0xb8;
	[tilespmem:$0x8800] =	vst v63  }
0x101: {  	_ =	swait.ge [sflag:s10], $0x4000  }
0x102: {  	[sflag:s10] =	ssyncset.done $0x0  }
0x103: {  	[sflag:s10] =	ssyncadd.s32 $0xFFFFC000  }
0x104: {  	[hbm4b:s25+s2] =	stream.linear.scatter [tilespmem:s8], [sflag:$0x3], $0x4000, $0x38;
	[tilespmem:$0x8800] =	vst v63  }
0x105: {  	_ =	swait.ge [sflag:s3], $0x4000  }
0x106: {  	[sflag:s3] =	ssyncset.done $0x0  }
0x107: {  	[sflag:s3] =	ssyncadd.s32 $0xFFFFC000  }
0x108: {  	[tilespmem:s8], [sflag:$0x2] =	stream.indirect.gather [hbm4b:s4+s5], $0x80, s26, s5, $0xb8;
	[tilespmem:$0x8800] =	vst v63  }
0x109: {  	_ =	swait.ge [sflag:s7], $0x4000  }
0x10a: {  	[sflag:s7] =	ssyncset.done $0x0  }
0x10b: {  	[sflag:s7] =	ssyncadd.s32 $0xFFFFC000  }
0x10c: {  	[hbm4b:s28+s2] =	stream.linear.scatter [tilespmem:s6], [sflag:$0x3], $0x4000, $0x38;
	[tilespmem:$0x8800] =	vst v63  }
0x10d: {  	_ =	swait.ge [sflag:s3], $0x4000  }
0x10e: {  	[sflag:s3] =	ssyncset.done $0x0  }
0x10f: {  	[sflag:s3] =	ssyncadd.s32 $0xFFFFC000  }
0x110: {  	[tilespmem:s6], [sflag:$0x1] =	stream.indirect.gather [hbm4b:s4+s5], $0x80, s29, s5, $0xb8;
	[tilespmem:$0x8800] =	vst v63  }
0x111: {  	_ =	swait.ge [sflag:s10], $0x4000  }
0x112: {  	[sflag:s10] =	ssyncset.done $0x0  }
0x113: {  	[sflag:s10] =	ssyncadd.s32 $0xFFFFC000  }
0x114: {  	[hbm4b:s30+s2] =	stream.linear.scatter [tilespmem:s8], [sflag:$0x3], $0x4000, $0x38;
	[tilespmem:$0x8800] =	vst v63  }
0x115: {  	_ =	swait.ge [sflag:s3], $0x4000  }
0x116: {  	[sflag:s3] =	ssyncset.done $0x0  }
0x117: {  	[sflag:s3] =	ssyncadd.s32 $0xFFFFC000  }
0x118: {  	[tilespmem:s8], [sflag:$0x2] =	stream.indirect.gather [hbm4b:s4+s5], $0x80, s31, s5, $0xb8;
	[tilespmem:$0x8800] =	vst v63  }
0x119: {  	_ =	swait.ge [sflag:s7], $0x4000  }
0x11a: {  	[sflag:s7] =	ssyncset.done $0x0  }
0x11b: {  	s0 =	rddreg [dreg:$0x3];
	[sflag:s7] =	ssyncadd.s32 $0xFFFFC000  }
0x11c: {  	[hbm4b:s0+s2] =	stream.linear.scatter [tilespmem:s6], [sflag:$0x3], $0x4000, $0x38;
	[tilespmem:$0x8800] =	vst v63  }
0x11d: {  	_ =	swait.ge [sflag:s3], $0x4000  }
0x11e: {  	[sflag:s3] =	ssyncset.done $0x0  }
0x11f: {  	p0 =	sne.s32 s1, $0x1;
	[sflag:s3] =	ssyncadd.s32 $0xFFFFC000  }
.Ltmp1:
0x120: {  	_ =	swait.ge [sflag:s10], $0x4000;
	(pc) =	sbr.rel @p0 .LBB2_1-.Ltmp1, $4  }
0x121: {  	[sflag:s10] =	ssyncset.done $0x0  }
0x122: {  	s0 =	rddreg [dreg:$0x4];
	[sflag:s10] =	ssyncadd.s32 $0xFFFFC000  }
0x123: {  	[hbm4b:s0+s2] =	stream.linear.scatter [tilespmem:s8], [sflag:$0x3], $0x4000, $0x38;
	[tilespmem:$0x8800] =	vst v63  }
0x124: {  	s1 =	sadd.s32 $0xFFFFFFFF, s1;
	_ =	swait.ge [sflag:s3], $0x4000  }
.LBB2_2:
0x125: {  	[sflag:s3] =	ssyncset.done $0x0  }
0x126: {  	[sflag:s3] =	ssyncadd.s32 $0xFFFFC000  }
0x127: {  	_ =	sfence.sel $0x180000  }
0x128: {  	[bflag:$0x0] =	sbarrier.arrive $0xFFFF  }
0x129: {  	_ =	strace $0x9000004D  }
0x12a: {  	s0 =	stileid.u32;
	[bflag:$0x2] =	sbarrier.arrive $0xFFFF  }
0x12b: {  	p0 =	sne.s32 s0, $0x0;
	s0 =	rddreg [dreg:$0x1]  }
0x12c: {  	s0 =	sadd.s32 @!p0 $0x100000, s0  }
0x12d: {  	[sflag:s0] =	ssyncadd.tile.s32 @!p0 $0x1;
	_ =	shalt  }
.Lfunc_end2:
_tile_overlayer_lowered:
.L_overlay_start_2:
0x12e: {  	(tag) =	ssettag $0x2  }
0x12f: {  	s0 =	rddreg [dreg:$0x0];
	s2 =	stileid.u32  }
0x130: {  	s1 =	rddreg [dreg:$0x1];
	p0 =	sne.s32 s2, $0x0  }
0x131: {  	s3 =	rddreg [dreg:$0x2];
	[bflag:$0x3] =	sbarrier.arrive $0xFFFF;
	s2 =	simm.s32 @!p0 $0x1C03  }
0x132: {  	[timem:s3], [sflag:s2] =	dma.local @!p0 [hbm:s0], s1  }
0x133: {  	s0 =	simm.s32 @!p0 $0x3  }
0x134: {  	_ =	swait.ge @!p0 [sflag:s0], s1  }
0x135: {  	s1 =	ssub.s32 @!p0 $0x0, s1;
	[sflag:s0] =	ssyncset.done @!p0 $0x0  }
0x136: {  	[sflag:s0] =	ssyncadd.s32 @!p0 s1  }
0x137: {  	[bflag:$0x3] =	sbarrier.arrive $0xFFFF  }
0x138: {  	_ =	shalt  }

// kernel: kernel.21.cloned.1.call-start
scs
__scs_entry_jumppad:
0x0: {  	(pc) =	sbr.rel $0x88, $3  }
0x1: {  	(tag) =	ssettag $0x0;
	lr =	simm.s32 $0x1  }
0x2: {  	[smem:$0x3F95] =	sst lr;
	_ =	strace $0xD0000000  }
0x3: {  	_ = 	snop  }
0x4: {  	_ = 	snop  }
0x5: {  	_ = 	snop  }
0x6: {  	_ = 	snop  }
0x7: {  	_ = 	snop  }
__scs_overlays_trampoline_lowered:
0x8: {  	[smem:$0x3FA4] =	sst s0  }
0x9: {  	[smem:$0x3FA5] =	sst s1  }
0xa: {  	[smem:$0x3FA6] =	sst s2  }
0xb: {  	[smem:$0x3FA7] =	sst s3  }
0xc: {  	[smem:$0x3FA8] =	sst s4  }
0xd: {  	[smem:$0x3FA9] =	sst s5  }
0xe: {  	[smem:$0x3FAA] =	sst s6  }
0xf: {  	[smem:$0x3FAB] =	sst s7  }
0x10: {  	[smem:$0x3FAC] =	sst s8  }
0x11: {  	[smem:$0x3FAD] =	sst s9;
	s0 =	simm.s32 @!p0 $0x0  }
0x12: {  	s1 =	sld [smem:$0x3F93];
	s0 =	simm.s32 @p0 $0x1  }
0x13: {  	[smem:$0x3FAE] =	sst s0;
	s0 =	simm.s32 @!p1 $0x0  }
0x14: {  	s2 =	sld [smem:$0x3F92];
	s0 =	simm.s32 @p1 $0x1  }
0x15: {  	[smem:$0x3FAF] =	sst s0;
	s0 =	simm.s32 @!p2 $0x0  }
0x16: {  	s3 =	sld [smem:$0x3FDB];
	s0 =	simm.s32 @p2 $0x1  }
0x17: {  	s4 =	simm.s32 $0x1BF5;
	[smem:$0x3FB1] =	sst s0  }
0x18: {  	s0 =	sld [smem:$0x3F94];
	_ =	swait.ge [sflag:s4], $0x0  }
0x19: {  	s7 =	sld [smem:$0x3F95]  }
0x1a: {  	s8 =	sadd.s32 $0xFFFFE003, lr  }
0x1b: {  	s9 =	sadd.s32 $0xFFFFFEF7, lr;
	s5 =	simm.s32 $0xFFFFFFFF;
	p2 =	slt.u32 s8, $0xFFFFF086  }
0x1c: {  	p1 =	slt.u32 s9, $0xF7A;
	s5 =	simm.s32 @!p2 $0x0  }
0x1d: {  	s5 =	simm.s32 @p1 $0x1;
	p0 =	seq.s32 s7, s2  }
0x1e: {  	s7 =	smul.u32 @!p0 $0xF7A, s2;
	p2 =	seq.s32 @!p0 s5, $0x0  }
0x1f: {  	s9 =	smul.u32 $0xF7A, s1;
	s8 =	simm.s32 @!p0 $0x1BF5;
	p2 =	por !p2, p0  }
0x20: {  	[sflag:s8] =	ssyncset.s32 @!p0 $0xFFFFF086;
	s6 =	sadd.s32 @!p0 s3, s7;
	s7 =	simm.s32 @!p0 $0x108  }
0x21: {  	s3 =	sadd.s32 s3, s9;
	s6 =	sadd.s32 @!p0 $0x88, s6;
	s7 =	simm.s32 @p2 $0x1082  }
0x22: {  	[simem:s7], [sflag:s8] =	dma.local @!p0 [hbm:s6], $0xF7A  }
0x23: {  	s9 =	sor.u32 $0xD0000000, s2;
	s6 =	simm.s32 $0x108;
	_ =	swait.ge @!p0 [sflag:s8], $0x0  }
0x24: {  	s3 =	sadd.s32 $0x88, s3;
	s6 =	simm.s32 @!p1 $0x1082;
	[sflag:s4] =	ssyncset.s32 $0xFFFFF086  }
0x25: {  	[simem:s6], [sflag:s4] =	dma.local [hbm:s3], $0xF7A  }
0x26: {  	[smem:$0x3F95] =	sst s1;
	(tag) =	ssettag s2;
	_ =	strace s9  }
0x27: {  	s1 =	sld [smem:$0x3FA5]  }
0x28: {  	s2 =	sld [smem:$0x3FA6]  }
0x29: {  	s4 =	sld [smem:$0x3FA8]  }
0x2a: {  	p0 =	seq.s32 s5, $0x0;
	s5 =	sld [smem:$0x3FA9]  }
0x2b: {  	s6 =	sld [smem:$0x3FAA]  }
0x2c: {  	s7 =	sld [smem:$0x3FAB]  }
0x2d: {  	s3 =	simm.s32 $0x108;
	s8 =	sld [smem:$0x3FAC]  }
0x2e: {  	s3 =	simm.s32 @!p0 $0x1082;
	s9 =	sld [smem:$0x3FAD]  }
0x2f: {  	lr =	sadd.s32 s0, s3;
	s0 =	sld [smem:$0x3FA4]  }
0x30: {  	s3 =	sld [smem:$0x3FA7]  }
0x31: {  	[smem:$0x3FB0] =	sst s10  }
0x32: {  	s10 =	sld [smem:$0x3FAE];
	_ =	sdelay $0x3  }
0x33: {  	p0 =	seq.s32 s10, $0x1;
	s10 =	sld [smem:$0x3FB0];
	_ =	sdelay $0x3  }
0x34: {  	[smem:$0x3FB0] =	sst s10  }
0x35: {  	s10 =	sld [smem:$0x3FAF];
	_ =	sdelay $0x3  }
0x36: {  	p1 =	seq.s32 s10, $0x1;
	s10 =	sld [smem:$0x3FB0];
	_ =	sdelay $0x3  }
0x37: {  	[smem:$0x3FB0] =	sst s10  }
0x38: {  	s10 =	sld [smem:$0x3FB1]  }
0x39: {  	_ = 	snop;
	(pc) =	sbr.ind lr, $3  }
0x3a: {  	_ = 	snop  }
0x3b: {  	_ = 	snop  }
0x3c: {  	p2 =	seq.s32 s10, $0x1;
	s10 =	sld [smem:$0x3FB0]  }
0x3d: {  	_ =	shalt  }
0x3e: {  	_ =	shalt  }
0x3f: {  	_ =	shalt  }
0x40: {  	_ =	shalt  }
0x41: {  	_ =	shalt  }
0x42: {  	_ =	shalt  }
0x43: {  	_ =	shalt  }
0x44: {  	_ =	shalt  }
0x45: {  	_ =	shalt  }
0x46: {  	_ =	shalt  }
0x47: {  	_ =	shalt  }
0x48: {  	_ =	shalt  }
0x49: {  	_ =	shalt  }
0x4a: {  	_ =	shalt  }
0x4b: {  	_ =	shalt  }
0x4c: {  	_ =	shalt  }
0x4d: {  	_ =	shalt  }
0x4e: {  	_ =	shalt  }
0x4f: {  	_ =	shalt  }
0x50: {  	_ =	shalt  }
0x51: {  	_ =	shalt  }
0x52: {  	_ =	shalt  }
0x53: {  	_ =	shalt  }
0x54: {  	_ =	shalt  }
0x55: {  	_ =	shalt  }
0x56: {  	_ =	shalt  }
0x57: {  	_ =	shalt  }
0x58: {  	_ =	shalt  }
0x59: {  	_ =	shalt  }
0x5a: {  	_ =	shalt  }
0x5b: {  	_ =	shalt  }
0x5c: {  	_ =	shalt  }
0x5d: {  	_ =	shalt  }
0x5e: {  	_ =	shalt  }
0x5f: {  	_ =	shalt  }
0x60: {  	_ =	shalt  }
0x61: {  	_ =	shalt  }
0x62: {  	_ =	shalt  }
0x63: {  	_ =	shalt  }
0x64: {  	_ =	shalt  }
0x65: {  	_ =	shalt  }
0x66: {  	_ =	shalt  }
0x67: {  	_ =	shalt  }
0x68: {  	_ =	shalt  }
0x69: {  	_ =	shalt  }
0x6a: {  	_ =	shalt  }
0x6b: {  	_ =	shalt  }
0x6c: {  	_ =	shalt  }
0x6d: {  	_ =	shalt  }
0x6e: {  	_ =	shalt  }
0x6f: {  	_ =	shalt  }
0x70: {  	_ =	shalt  }
0x71: {  	_ =	shalt  }
0x72: {  	_ =	shalt  }
0x73: {  	_ =	shalt  }
0x74: {  	_ =	shalt  }
0x75: {  	_ =	shalt  }
0x76: {  	_ =	shalt  }
0x77: {  	_ =	shalt  }
0x78: {  	_ =	shalt  }
0x79: {  	_ =	shalt  }
0x7a: {  	_ =	shalt  }
0x7b: {  	_ =	shalt  }
0x7c: {  	_ =	shalt  }
0x7d: {  	_ =	shalt  }
0x7e: {  	_ =	shalt  }
0x7f: {  	_ =	shalt  }
0x80: {  	_ =	shalt  }
0x81: {  	_ =	shalt  }
0x82: {  	_ =	shalt  }
0x83: {  	_ =	shalt  }
0x84: {  	_ =	shalt  }
0x85: {  	_ =	shalt  }
0x86: {  	_ =	shalt  }
0x87: {  	_ =	shalt  }
.Lfunc_end0:
.L_simem_size_0:
called_computation.3_lowered:
.L_overlay_start_0:
0x88: {  	s2 =	sld [smem:$0x3FD9]  }
0x89: {  	s3 =	sld [smem:$0x3FFE];
	_ =	sdelay $0x1  }
0x8a: {  	s1 =	srdreg.scid  }
0x8b: {  	s0 =	sand.u32 $0x1, s1  }
0x8c: {  	s16 =	sshll.u32 s0, $0xA;
	s2 =	sadd.s32 s3, s2  }
0x8d: {  	s2 =	sadd.s32 s2, s16  }
0x8e: {  	[smem:$0x3FBC] =	sst s2  }
0x8f: {  	_ = 	snop  }
0x90: {  	(tm) =	ssettm $0x1  }
0x91: {  	s17 =	sld [smem:$0x3FFB];
	_ =	sdelay $0x3  }
0x92: {  	_ =	strace s17  }
0x93: {  	s2 =	sld [smem:$0x3FFC];
	_ =	sdelay $0x3  }
0x94: {  	_ =	strace s2  }
0x95: {  	s2 =	sld [smem:$0x3FFD];
	_ =	sdelay $0x3  }
0x96: {  	_ =	strace s2  }
0x97: {  	_ =	strace $0x8FFFFFFF  }
0x98: {  	s18 =	sld [smem:$0x3FDB];
	_ =	sdelay $0x1  }
0x99: {  	s19 =	simm.s32 $_scs_section_size  }
0x9a: {  	s4 =	simm.s32 $_size__tile_overlayer_lowered;
	s5 =	simm.s32 $_tile_overlayer_lowered  }
0x9b: {  	s22 =	simm.s32 $0x1BFF;
	s21 =	sshll.u32 s5, $0x1;
	s2 =	sadd.s32 s19, s18  }
0x9c: {  	s6 =	simm.s32 $0x0;
	s20 =	sshll.u32 s4, $0x1;
	s4 =	sadd.s32 s21, s2  }
0x9d: {  	[timem:s6], [sflag:s22] =	dma.local [hbm:s4], s20  }
0x9e: {  	_ =	swait.ge [sflag:s22], s20  }
0x9f: {  	s3 =	ssub.s32 $0x0, s20;
	[sflag:s22] =	ssyncset.done $0x0  }
0xa0: {  	[sflag:s22] =	ssyncadd.s32 s3;
	_ =	sdelay $0x1  }
0xa1: {  	s23 =	simm.s32 $0x1B8B  }
0xa2: {  	_ =	swait.ge [sflag:s23], $0x1  }
0xa3: {  	[sflag:s23] =	ssyncset.done $0x0  }
0xa4: {  	s25 =	simm.s32 $0x1B8E;
	s24 =	sld [smem:$0x3FFE];
	[sflag:s23] =	ssyncadd.s32 $0xFFFFFFFF  }
0xa5: {  	s26 =	simm.s32 $execute0_lowered;
	[smem:$0x3FD2] =	sst s25  }
0xa6: {  	s4 =	sshll.u32 s26, $0x1;
	_ =	strace $0x8000004F;
	[dreg:$0x1] =	wrdreg $0xFFFFFFFF  }
0xa7: {  	s28 =	simm.s32 $_size_execute0_lowered;
	s2 =	sadd.s32 s2, s4;
	[dreg:$0x0] =	wrdreg $0x0  }
0xa8: {  	s4 =	sshll.u32 s28, $0x1;
	[dreg:$0x2] =	wrdreg s2  }
0xa9: {  	[dreg:$0x3] =	wrdreg s4  }
0xaa: {  	[dreg:$0x4] =	wrdreg $0xC0  }
0xab: {  	_ =	task [dreg:s6], $0x5FFFF  }
0xac: {  	[dreg:$0x1] =	wrdreg $0xFFFFFFFF  }
0xad: {  	[dreg:$0x0] =	wrdreg $0x60  }
0xae: {  	[dreg:$0x2] =	wrdreg s24  }
0xaf: {  	[dreg:$0x3] =	wrdreg $0x9  }
0xb0: {  	_ =	task.clear_ibuf [dreg:s6], $0x4FFFF;
	_ =	strace $0x9000004F  }
0xb1: {  	s29 =	simm.s32 $0x9;
	_ =	strace $0x80000051  }
0xb2: {  	_ =	swait.ge [sflag:s29], $0x1  }
0xb3: {  	[sflag:s29] =	ssyncadd.s32 $0xFFFFFFFF  }
0xb4: {  	_ =	strace $0x90000051  }
0xb5: {  	_ =	sfence  }
0xb6: {  	s30 =	sld [smem:$0x0];
	_ =	sdelay $0x2  }
0xb7: {  	s31 =	sshll.u32 s1, $0xD;
	s1 =	sshrl.u32 s1, $0x2  }
0xb8: {  	s3 =	sand.u32 $0x4000, s31;
	s1 =	sadd.s32 s1, s30  }
0xb9: {  	s0 =	sor.u32 s3, s0;
	s1 =	sshll.u32 s1, $0x11  }
0xba: {  	s0 =	sor.u32 s1, s0  }
0xbb: {  	s0 =	sadd.s32 $0x8F2B, s0  }
0xbc: {  	[sflag:s0] =	ssyncadd.remote.s32 $0x1  }
0xbd: {  	_ =	sfence.sel $0xFFFF  }
0xbe: {  	[dreg:$0x0] =	wrdreg $0xFFFFFFFF;
	(pc) =	sbr.abs _section_cstart, $3  }
0xbf: {  	[dreg:$0x1] =	wrdreg $0xFFFFFFFF  }
0xc0: {  	_ =	task.clear_ibuf [dreg:s6], $0x2FFFF;
	_ =	strace $0x9FFFFFFF  }
0xc1: {  	(tm) =	ssettm $0x7FFFFFFF  }
tec
execute0_lowered:
.L_overlay_start_1:
0x0: {  	(tag) =	ssettag $0x1  }
0x1: {  	s0 =	srdreg.scid  }
0x2: {  	s6 =	stileid.u32;
	s4 =	rddreg [dreg:$0x0];
	s2 =	simm.s32 $0x0  }
0x3: {  	s5 =	simm.s32 $0x1;
	s9 =	simm.s32 $0x3;
	s10 =	simm.s32 $0x400  }
0x4: {  	s22 =	simm.s32 $0x6400;
	s28 =	simm.s32 $0x8C00;
	s29 =	simm.s32 $0x9400  }
0x5: {  	s30 =	simm.s32 $0x9C00;
	s31 =	simm.s32 $0xA400;
	s11 =	simm.s32 $0xCC00  }
0x6: {  	s12 =	simm.s32 $0xD400;
	s13 =	simm.s32 $0xDC00;
	s14 =	simm.s32 $0xE400  }
0x7: {  	s15 =	simm.s32 $0xEC00;
	s16 =	simm.s32 $0xF400;
	s17 =	simm.s32 $0xFC00  }
0x8: {  	s18 =	simm.s32 $0x2;
	s20 =	simm.s32 $0x0;
	s0 =	sand.u32 $0x1, s0  }
0x9: {  	s1 =	sshll.u32 s6, $0x1;
	[smem:$0x7FF] =	sst s2;
	s3 =	sadd.s32 $0x5800, s4  }
0xa: {  	s24 =	sadd.s32 $0x25800, s4;
	s1 =	sor.u32 s0, s1;
	p1 =	seq.s32 s0, $0x1  }
0xb: {  	_ =	strace $0x80000050;
	s23 =	ssub.s32 $0x2, s0;
	p0 =	seq.s32 s1, $0x0  }
0xc: {  	s0 =	sshll.u32 s0, $0x12;
	s1 =	sshll.u32 s1, $0x7;
	p0 =	por !p0, !p1  }
0xd: {  	s7 =	sshrl.u32 s23, $0x1;
	s1 =	sadd.s32 s1, s4;
	p0 =	por !p0, !p0  }
0xe: {  	s4 =	simm.s32 $0x1;
	s1 =	sadd.s32 $0x4800, s1;
	s5 =	simm.s32 @!p0 $0x0  }
0xf: {  	[dreg:$0x2] =	wrdreg s1;
	s1 =	simm.s32 $0xAC00;
	s5 =	ssub.s32 s6, s5  }
0x10: {  	s6 =	ssub.s32 s23, s7;
	s23 =	simm.s32 $0x6C00;
	s5 =	sshll.u32 s5, $0x13  }
.Ltmp0:
0x11: {  	s6 =	smax.u32 s6, $0x1;
	s0 =	sor.u32 s0, s5;
	(pc) =	sbr.rel .LBB2_1-.Ltmp0, $4  }
0x12: {  	[dreg:$0x3] =	wrdreg s6;
	s5 =	simm.s32 $0xBC00;
	s25 =	sor.u32 $0x8000, s0  }
0x13: {  	v2 =	vlaneseq.u32;
	s6 =	simm.s32 $0xC400;
	s0 =	sshrl.u32 s0, $0x3;
	s26 =	sshrl.u32 s25, $0x3  }
0x14: {  	vm0 =	vmmov $0xffff;
	v1 =	vshrl.u32 v2, $0x3;
	s8 =	sadd.s32 s0, s24;
	s25 =	simm.s32 $0x7C00;
	s0 =	simm.s32 $0xB400  }
0x15: {  	v0 =	vand.u32 $0x7, v2;
	v2 =	vor.u32 $0x8, v2;
	v1 =	vmul.u32 $0x8, v1;
	s7 =	sadd.s32 s26, s24;
	s24 =	simm.s32 $0x7400;
	s26 =	simm.s32 $0x8400  }
.LBB2_5:
0x16: {  	s20 =	rddreg [dreg:$0x4]  }
0x17: {  	s19 =	rddreg [dreg:$0x3];
	s20 =	sadd.s32 $0x1, s20  }
0x18: {  	p0 =	sne.s32 s20, s19  }
.Ltmp1:
0x19: {  	_ = 	snop;
	(pc) =	sbr.rel @!p0 .LBB2_6-.Ltmp1, $1  }
0x1a: {  	_ =	sdelay $0x3  }
.LBB2_1:
0x1b: {  	[dreg:$0x4] =	wrdreg s20  }
0x1c: {  	s19 =	rddreg [dreg:$0x2]  }
0x1d: {  	[tilespmem:s2], [sflag:$0x3] =	stream.linear.gather [hbm4b:s19+s2], $0x400, $0x38;
	[tilespmem:$0x10400] =	vst v63  }
0x1e: {  	_ =	swait.ge [sflag:s9], $0x400  }
0x1f: {  	[sflag:s9] =	ssyncset.done $0x0  }
0x20: {  	[sflag:s9] =	ssyncadd.s32 $0xFFFFFC00  }
0x21: {  	v3 =	vld [tilespmem:$0x0];
	_ =	sdelay $0x4  }
0x22: {  	v4 =	vshll.u32 v3, $0x1  }
0x23: {  	v3 =	vand.u32 $0x7, v3;
	v4 =	vand.u32 $0xFFFFFFF0, v4  }
0x24: {  	v3 =	vor.u32 v3, v4  }
0x25: {  	v4 =	vperm.xlane v3, v0;
	_ =	sdelay $0x1  }
0x26: {  	v3 =	vperm.xlane v3, v2;
	v4 =	vadd.s32 v1, v4;
	_ =	sdelay $0x1  }
0x27: {  	v3 =	vadd.s32 v1, v3;
	_ =	sdelay $0x2  }
0x28: {  	[tilespmem:s10], [sflag:$0x1] =	stream.indirect_vreg.gather [hbm4b:s3+s2], $0x80, v4, vm0, $0xb8;
	[tilespmem:$0x10400] =	vst v63  }
0x29: {  	s21 =	simm.s32 $0xC00  }
0x2a: {  	[tilespmem:s21], [sflag:$0x1] =	stream.indirect_vreg.gather [hbm4b:s3+s2], $0x80, v3, vm0, $0xb8;
	[tilespmem:$0x10400] =	vst v63  }
0x2b: {  	v3 =	vld [tilespmem:$0x10];
	_ =	sdelay $0x4  }
0x2c: {  	v57 =	vshll.u32 v3, $0x1  }
0x2d: {  	v3 =	vand.u32 $0x7, v3;
	v4 =	vand.u32 $0xFFFFFFF0, v57  }
0x2e: {  	v3 =	vor.u32 v3, v4  }
0x2f: {  	v4 =	vperm.xlane v3, v0;
	_ =	sdelay $0x1  }
0x30: {  	v3 =	vperm.xlane v3, v2;
	v4 =	vadd.s32 v1, v4;
	_ =	sdelay $0x1  }
0x31: {  	v3 =	vadd.s32 v1, v3;
	_ =	sdelay $0x1  }
0x32: {  	s20 =	simm.s32 $0x1400  }
0x33: {  	[tilespmem:s20], [sflag:$0x1] =	stream.indirect_vreg.gather [hbm4b:s3+s2], $0x80, v4, vm0, $0xb8;
	[tilespmem:$0x10400] =	vst v63  }
0x34: {  	s21 =	simm.s32 $0x1C00  }
0x35: {  	[tilespmem:s21], [sflag:$0x1] =	stream.indirect_vreg.gather [hbm4b:s3+s2], $0x80, v3, vm0, $0xb8;
	[tilespmem:$0x10400] =	vst v63  }
0x36: {  	v3 =	vld [tilespmem:$0x20];
	_ =	sdelay $0x4  }
0x37: {  	v58 =	vshll.u32 v3, $0x1  }
0x38: {  	v3 =	vand.u32 $0x7, v3;
	v4 =	vand.u32 $0xFFFFFFF0, v58  }
0x39: {  	v3 =	vor.u32 v3, v4  }
0x3a: {  	v4 =	vperm.xlane v3, v0;
	_ =	sdelay $0x1  }
0x3b: {  	v3 =	vperm.xlane v3, v2;
	v4 =	vadd.s32 v1, v4;
	_ =	sdelay $0x1  }
0x3c: {  	v3 =	vadd.s32 v1, v3;
	_ =	sdelay $0x1  }
0x3d: {  	s20 =	simm.s32 $0x2400  }
0x3e: {  	[tilespmem:s20], [sflag:$0x1] =	stream.indirect_vreg.gather [hbm4b:s3+s2], $0x80, v4, vm0, $0xb8;
	[tilespmem:$0x10400] =	vst v63  }
0x3f: {  	s21 =	simm.s32 $0x2C00  }
0x40: {  	[tilespmem:s21], [sflag:$0x1] =	stream.indirect_vreg.gather [hbm4b:s3+s2], $0x80, v3, vm0, $0xb8;
	[tilespmem:$0x10400] =	vst v63  }
0x41: {  	v3 =	vld [tilespmem:$0x30];
	_ =	sdelay $0x4  }
0x42: {  	v59 =	vshll.u32 v3, $0x1  }
0x43: {  	v3 =	vand.u32 $0x7, v3;
	v4 =	vand.u32 $0xFFFFFFF0, v59  }
0x44: {  	v3 =	vor.u32 v3, v4  }
0x45: {  	v4 =	vperm.xlane v3, v0;
	_ =	sdelay $0x1  }
0x46: {  	v3 =	vperm.xlane v3, v2;
	v4 =	vadd.s32 v1, v4;
	_ =	sdelay $0x1  }
0x47: {  	v3 =	vadd.s32 v1, v3;
	_ =	sdelay $0x1  }
0x48: {  	s20 =	simm.s32 $0x3400  }
0x49: {  	[tilespmem:s20], [sflag:$0x1] =	stream.indirect_vreg.gather [hbm4b:s3+s2], $0x80, v4, vm0, $0xb8;
	[tilespmem:$0x10400] =	vst v63  }
0x4a: {  	s21 =	simm.s32 $0x3C00  }
0x4b: {  	[tilespmem:s21], [sflag:$0x1] =	stream.indirect_vreg.gather [hbm4b:s3+s2], $0x80, v3, vm0, $0xb8;
	[tilespmem:$0x10400] =	vst v63  }
0x4c: {  	v3 =	vld [tilespmem:$0x40];
	_ =	sdelay $0x4  }
0x4d: {  	v60 =	vshll.u32 v3, $0x1  }
0x4e: {  	v3 =	vand.u32 $0x7, v3;
	v4 =	vand.u32 $0xFFFFFFF0, v60  }
0x4f: {  	v3 =	vor.u32 v3, v4  }
0x50: {  	v4 =	vperm.xlane v3, v0;
	_ =	sdelay $0x1  }
0x51: {  	v3 =	vperm.xlane v3, v2;
	v4 =	vadd.s32 v1, v4;
	_ =	sdelay $0x1  }
0x52: {  	v3 =	vadd.s32 v1, v3;
	_ =	sdelay $0x1  }
0x53: {  	s20 =	simm.s32 $0x4400  }
0x54: {  	[tilespmem:s20], [sflag:$0x1] =	stream.indirect_vreg.gather [hbm4b:s3+s2], $0x80, v4, vm0, $0xb8;
	[tilespmem:$0x10400] =	vst v63  }
0x55: {  	s21 =	simm.s32 $0x4C00  }
0x56: {  	[tilespmem:s21], [sflag:$0x1] =	stream.indirect_vreg.gather [hbm4b:s3+s2], $0x80, v3, vm0, $0xb8;
	[tilespmem:$0x10400] =	vst v63  }
0x57: {  	v3 =	vld [tilespmem:$0x50];
	_ =	sdelay $0x4  }
0x58: {  	v61 =	vshll.u32 v3, $0x1  }
0x59: {  	v3 =	vand.u32 $0x7, v3;
	v4 =	vand.u32 $0xFFFFFFF0, v61  }
0x5a: {  	v3 =	vor.u32 v3, v4  }
0x5b: {  	v4 =	vperm.xlane v3, v0;
	_ =	sdelay $0x1  }
0x5c: {  	v3 =	vperm.xlane v3, v2;
	v4 =	vadd.s32 v1, v4;
	_ =	sdelay $0x1  }
0x5d: {  	v3 =	vadd.s32 v1, v3;
	_ =	sdelay $0x1  }
0x5e: {  	s20 =	simm.s32 $0x5400  }
0x5f: {  	[tilespmem:s20], [sflag:$0x1] =	stream.indirect_vreg.gather [hbm4b:s3+s2], $0x80, v4, vm0, $0xb8;
	[tilespmem:$0x10400] =	vst v63  }
0x60: {  	s21 =	simm.s32 $0x5C00  }
0x61: {  	[tilespmem:s21], [sflag:$0x1] =	stream.indirect_vreg.gather [hbm4b:s3+s2], $0x80, v3, vm0, $0xb8;
	[tilespmem:$0x10400] =	vst v63  }
0x62: {  	v3 =	vld [tilespmem:$0x60];
	_ =	sdelay $0x4  }
0x63: {  	v62 =	vshll.u32 v3, $0x1  }
0x64: {  	v3 =	vand.u32 $0x7, v3;
	v4 =	vand.u32 $0xFFFFFFF0, v62  }
0x65: {  	v3 =	vor.u32 v3, v4  }
0x66: {  	v4 =	vperm.xlane v3, v0;
	_ =	sdelay $0x1  }
0x67: {  	v3 =	vperm.xlane v3, v2;
	v4 =	vadd.s32 v1, v4;
	_ =	sdelay $0x1  }
0x68: {  	v3 =	vadd.s32 v1, v3;
	_ =	sdelay $0x2  }
0x69: {  	[tilespmem:s22], [sflag:$0x1] =	stream.indirect_vreg.gather [hbm4b:s3+s2], $0x80, v4, vm0, $0xb8;
	[tilespmem:$0x10400] =	vst v63  }
0x6a: {  	_ = 	snop  }
0x6b: {  	[tilespmem:s23], [sflag:$0x1] =	stream.indirect_vreg.gather [hbm4b:s3+s2], $0x80, v3, vm0, $0xb8;
	[tilespmem:$0x10400] =	vst v63  }
0x6c: {  	v3 =	vld [tilespmem:$0x70];
	_ =	sdelay $0x4  }
0x6d: {  	v63 =	vshll.u32 v3, $0x1  }
0x6e: {  	v3 =	vand.u32 $0x7, v3;
	v4 =	vand.u32 $0xFFFFFFF0, v63  }
0x6f: {  	v3 =	vor.u32 v3, v4  }
0x70: {  	v4 =	vperm.xlane v3, v0;
	_ =	sdelay $0x1  }
0x71: {  	v3 =	vperm.xlane v3, v2;
	v4 =	vadd.s32 v1, v4;
	_ =	sdelay $0x1  }
0x72: {  	v3 =	vadd.s32 v1, v3  }
.Ltmp2:
0x73: {  	_ = 	snop;
	(pc) =	sbr.rel .LBB2_2-.Ltmp2, $4  }
0x74: {  	_ = 	snop  }
0x75: {  	[tilespmem:s24], [sflag:$0x1] =	stream.indirect_vreg.gather [hbm4b:s3+s2], $0x80, v4, vm0, $0xb8;
	[tilespmem:$0x10400] =	vst v63  }
0x76: {  	s19 =	simm.s32 $0xC0;
	s20 =	simm.s32 $0x0  }
0x77: {  	[tilespmem:s25], [sflag:$0x1] =	stream.indirect_vreg.gather [hbm4b:s3+s2], $0x80, v3, vm0, $0xb8;
	[tilespmem:$0x10400] =	vst v63  }
.LBB2_4:
0x78: {  	_ =	swait.ge [sflag:s18], $0x8000;
	s21 =	sadd.s32 s20, s7;
	s20 =	sadd.s32 $0x2000, s20  }
0x79: {  	[sflag:s18] =	ssyncset.done $0x0;
	p0 =	sne.s32 s20, $0x8000  }
.Ltmp3:
0x7a: {  	[sflag:s18] =	ssyncadd.s32 $0xFFFF8000;
	(pc) =	sbr.rel @!p0 .LBB2_5-.Ltmp3, $4  }
0x7b: {  	[hbm4b:s21+s2] =	stream.linear.scatter [tilespmem:s26], [sflag:$0x3], $0x8000, $0x38;
	[tilespmem:$0x10400] =	vst v63  }
0x7c: {  	_ =	swait.ge [sflag:s9], $0x8000  }
0x7d: {  	[sflag:s9] =	ssyncset.done $0x0  }
0x7e: {  	s19 =	sadd.s32 $0x100, s19;
	[sflag:s9] =	ssyncadd.s32 $0xFFFF8000  }
.LBB2_2:
0x7f: {  	v3 =	vld [tilespmem:s19+$0xFFFFFFC0];
	_ =	sdelay $0x4  }
0x80: {  	v4 =	vshll.u32 v3, $0x1  }
0x81: {  	v3 =	vand.u32 $0x7, v3;
	v4 =	vand.u32 $0xFFFFFFF0, v4  }
0x82: {  	v3 =	vor.u32 v3, v4  }
0x83: {  	v4 =	vperm.xlane v3, v0;
	_ =	sdelay $0x1  }
0x84: {  	v3 =	vperm.xlane v3, v2;
	v4 =	vadd.s32 v1, v4;
	_ =	sdelay $0x1  }
0x85: {  	v3 =	vadd.s32 v1, v3;
	_ =	sdelay $0x2  }
0x86: {  	[tilespmem:s26], [sflag:$0x2] =	stream.indirect_vreg.gather [hbm4b:s3+s2], $0x80, v4, vm0, $0xb8;
	[tilespmem:$0x10400] =	vst v63  }
0x87: {  	_ = 	snop  }
0x88: {  	[tilespmem:s28], [sflag:$0x2] =	stream.indirect_vreg.gather [hbm4b:s3+s2], $0x80, v3, vm0, $0xb8;
	[tilespmem:$0x10400] =	vst v63  }
0x89: {  	v3 =	vld [tilespmem:s19+$0xFFFFFFD0];
	_ =	sdelay $0x4  }
0x8a: {  	v57 =	vshll.u32 v3, $0x1  }
0x8b: {  	v3 =	vand.u32 $0x7, v3;
	v4 =	vand.u32 $0xFFFFFFF0, v57  }
0x8c: {  	v3 =	vor.u32 v3, v4  }
0x8d: {  	v4 =	vperm.xlane v3, v0;
	_ =	sdelay $0x1  }
0x8e: {  	v3 =	vperm.xlane v3, v2;
	v4 =	vadd.s32 v1, v4;
	_ =	sdelay $0x1  }
0x8f: {  	v3 =	vadd.s32 v1, v3;
	_ =	sdelay $0x2  }
0x90: {  	[tilespmem:s29], [sflag:$0x2] =	stream.indirect_vreg.gather [hbm4b:s3+s2], $0x80, v4, vm0, $0xb8;
	[tilespmem:$0x10400] =	vst v63  }
0x91: {  	_ = 	snop  }
0x92: {  	[tilespmem:s30], [sflag:$0x2] =	stream.indirect_vreg.gather [hbm4b:s3+s2], $0x80, v3, vm0, $0xb8;
	[tilespmem:$0x10400] =	vst v63  }
0x93: {  	v3 =	vld [tilespmem:s19+$0xFFFFFFE0];
	_ =	sdelay $0x4  }
0x94: {  	v58 =	vshll.u32 v3, $0x1  }
0x95: {  	v3 =	vand.u32 $0x7, v3;
	v4 =	vand.u32 $0xFFFFFFF0, v58  }
0x96: {  	v3 =	vor.u32 v3, v4  }
0x97: {  	v4 =	vperm.xlane v3, v0;
	_ =	sdelay $0x1  }
0x98: {  	v3 =	vperm.xlane v3, v2;
	v4 =	vadd.s32 v1, v4;
	_ =	sdelay $0x1  }
0x99: {  	v3 =	vadd.s32 v1, v3;
	_ =	sdelay $0x2  }
0x9a: {  	[tilespmem:s31], [sflag:$0x2] =	stream.indirect_vreg.gather [hbm4b:s3+s2], $0x80, v4, vm0, $0xb8;
	[tilespmem:$0x10400] =	vst v63  }
0x9b: {  	_ = 	snop  }
0x9c: {  	[tilespmem:s1], [sflag:$0x2] =	stream.indirect_vreg.gather [hbm4b:s3+s2], $0x80, v3, vm0, $0xb8;
	[tilespmem:$0x10400] =	vst v63  }
0x9d: {  	v3 =	vld [tilespmem:s19+$0xFFFFFFF0];
	_ =	sdelay $0x4  }
0x9e: {  	v59 =	vshll.u32 v3, $0x1  }
0x9f: {  	v3 =	vand.u32 $0x7, v3;
	v4 =	vand.u32 $0xFFFFFFF0, v59  }
0xa0: {  	v3 =	vor.u32 v3, v4  }
0xa1: {  	v4 =	vperm.xlane v3, v0;
	_ =	sdelay $0x1  }
0xa2: {  	v3 =	vperm.xlane v3, v2;
	v4 =	vadd.s32 v1, v4;
	_ =	sdelay $0x1  }
0xa3: {  	v3 =	vadd.s32 v1, v3;
	_ =	sdelay $0x2  }
0xa4: {  	[tilespmem:s0], [sflag:$0x2] =	stream.indirect_vreg.gather [hbm4b:s3+s2], $0x80, v4, vm0, $0xb8;
	[tilespmem:$0x10400] =	vst v63  }
0xa5: {  	_ = 	snop  }
0xa6: {  	[tilespmem:s5], [sflag:$0x2] =	stream.indirect_vreg.gather [hbm4b:s3+s2], $0x80, v3, vm0, $0xb8;
	[tilespmem:$0x10400] =	vst v63  }
0xa7: {  	v3 =	vld [tilespmem:s19+$0x0];
	_ =	sdelay $0x4  }
0xa8: {  	v60 =	vshll.u32 v3, $0x1  }
0xa9: {  	v3 =	vand.u32 $0x7, v3;
	v4 =	vand.u32 $0xFFFFFFF0, v60  }
0xaa: {  	v3 =	vor.u32 v3, v4  }
0xab: {  	v4 =	vperm.xlane v3, v0;
	_ =	sdelay $0x1  }
0xac: {  	v3 =	vperm.xlane v3, v2;
	v4 =	vadd.s32 v1, v4;
	_ =	sdelay $0x1  }
0xad: {  	v3 =	vadd.s32 v1, v3;
	_ =	sdelay $0x2  }
0xae: {  	[tilespmem:s6], [sflag:$0x2] =	stream.indirect_vreg.gather [hbm4b:s3+s2], $0x80, v4, vm0, $0xb8;
	[tilespmem:$0x10400] =	vst v63  }
0xaf: {  	_ = 	snop  }
0xb0: {  	[tilespmem:s11], [sflag:$0x2] =	stream.indirect_vreg.gather [hbm4b:s3+s2], $0x80, v3, vm0, $0xb8;
	[tilespmem:$0x10400] =	vst v63  }
0xb1: {  	v3 =	vld [tilespmem:s19+$0x10];
	_ =	sdelay $0x4  }
0xb2: {  	v61 =	vshll.u32 v3, $0x1  }
0xb3: {  	v3 =	vand.u32 $0x7, v3;
	v4 =	vand.u32 $0xFFFFFFF0, v61  }
0xb4: {  	v3 =	vor.u32 v3, v4  }
0xb5: {  	v4 =	vperm.xlane v3, v0;
	_ =	sdelay $0x1  }
0xb6: {  	v3 =	vperm.xlane v3, v2;
	v4 =	vadd.s32 v1, v4;
	_ =	sdelay $0x1  }
0xb7: {  	v3 =	vadd.s32 v1, v3;
	_ =	sdelay $0x2  }
0xb8: {  	[tilespmem:s12], [sflag:$0x2] =	stream.indirect_vreg.gather [hbm4b:s3+s2], $0x80, v4, vm0, $0xb8;
	[tilespmem:$0x10400] =	vst v63  }
0xb9: {  	_ = 	snop  }
0xba: {  	[tilespmem:s13], [sflag:$0x2] =	stream.indirect_vreg.gather [hbm4b:s3+s2], $0x80, v3, vm0, $0xb8;
	[tilespmem:$0x10400] =	vst v63  }
0xbb: {  	v3 =	vld [tilespmem:s19+$0x20];
	_ =	sdelay $0x4  }
0xbc: {  	v62 =	vshll.u32 v3, $0x1  }
0xbd: {  	v3 =	vand.u32 $0x7, v3;
	v4 =	vand.u32 $0xFFFFFFF0, v62  }
0xbe: {  	v3 =	vor.u32 v3, v4  }
0xbf: {  	v4 =	vperm.xlane v3, v0;
	_ =	sdelay $0x1  }
0xc0: {  	v3 =	vperm.xlane v3, v2;
	v4 =	vadd.s32 v1, v4;
	_ =	sdelay $0x1  }
0xc1: {  	v3 =	vadd.s32 v1, v3;
	_ =	sdelay $0x2  }
0xc2: {  	[tilespmem:s14], [sflag:$0x2] =	stream.indirect_vreg.gather [hbm4b:s3+s2], $0x80, v4, vm0, $0xb8;
	[tilespmem:$0x10400] =	vst v63  }
0xc3: {  	_ = 	snop  }
0xc4: {  	[tilespmem:s15], [sflag:$0x2] =	stream.indirect_vreg.gather [hbm4b:s3+s2], $0x80, v3, vm0, $0xb8;
	[tilespmem:$0x10400] =	vst v63  }
0xc5: {  	v3 =	vld [tilespmem:s19+$0x30];
	_ =	sdelay $0x4  }
0xc6: {  	v63 =	vshll.u32 v3, $0x1  }
0xc7: {  	v3 =	vand.u32 $0x7, v3;
	v4 =	vand.u32 $0xFFFFFFF0, v63  }
0xc8: {  	v3 =	vor.u32 v3, v4  }
0xc9: {  	v4 =	vperm.xlane v3, v0;
	_ =	sdelay $0x1  }
0xca: {  	v3 =	vperm.xlane v3, v2;
	v4 =	vadd.s32 v1, v4;
	_ =	sdelay $0x1  }
0xcb: {  	v3 =	vadd.s32 v1, v3;
	_ =	sdelay $0x2  }
0xcc: {  	[tilespmem:s16], [sflag:$0x2] =	stream.indirect_vreg.gather [hbm4b:s3+s2], $0x80, v4, vm0, $0xb8;
	[tilespmem:$0x10400] =	vst v63  }
0xcd: {  	_ = 	snop  }
0xce: {  	[tilespmem:s17], [sflag:$0x2] =	stream.indirect_vreg.gather [hbm4b:s3+s2], $0x80, v3, vm0, $0xb8;
	[tilespmem:$0x10400] =	vst v63  }
0xcf: {  	_ =	swait.ge [sflag:s4], $0x8000  }
0xd0: {  	p0 =	seq.s32 s20, $0x6000;
	[sflag:s4] =	ssyncset.done $0x0  }
.Ltmp4:
0xd1: {  	s21 =	sadd.s32 s20, s8;
	[sflag:s4] =	ssyncadd.s32 $0xFFFF8000;
	(pc) =	sbr.rel @p0 .LBB2_4-.Ltmp4, $4  }
0xd2: {  	[hbm4b:s21+s2] =	stream.linear.scatter [tilespmem:s10], [sflag:$0x3], $0x8000, $0x38;
	[tilespmem:$0x10400] =	vst v63  }
0xd3: {  	_ =	swait.ge [sflag:s9], $0x8000  }
0xd4: {  	[sflag:s9] =	ssyncset.done $0x0  }
0xd5: {  	[sflag:s9] =	ssyncadd.s32 $0xFFFF8000  }
0xd6: {  	v3 =	vld [tilespmem:s19+$0x40];
	_ =	sdelay $0x4  }
0xd7: {  	v4 =	vshll.u32 v3, $0x1  }
0xd8: {  	v3 =	vand.u32 $0x7, v3;
	v4 =	vand.u32 $0xFFFFFFF0, v4  }
0xd9: {  	v3 =	vor.u32 v3, v4  }
0xda: {  	v4 =	vperm.xlane v3, v0;
	_ =	sdelay $0x1  }
0xdb: {  	v3 =	vperm.xlane v3, v2;
	v4 =	vadd.s32 v1, v4;
	_ =	sdelay $0x1  }
0xdc: {  	v3 =	vadd.s32 v1, v3;
	_ =	sdelay $0x2  }
0xdd: {  	[tilespmem:s10], [sflag:$0x1] =	stream.indirect_vreg.gather [hbm4b:s3+s2], $0x80, v4, vm0, $0xb8;
	[tilespmem:$0x10400] =	vst v63  }
0xde: {  	s21 =	simm.s32 $0xC00  }
0xdf: {  	[tilespmem:s21], [sflag:$0x1] =	stream.indirect_vreg.gather [hbm4b:s3+s2], $0x80, v3, vm0, $0xb8;
	[tilespmem:$0x10400] =	vst v63  }
0xe0: {  	v3 =	vld [tilespmem:s19+$0x50];
	_ =	sdelay $0x4  }
0xe1: {  	v57 =	vshll.u32 v3, $0x1  }
0xe2: {  	v3 =	vand.u32 $0x7, v3;
	v4 =	vand.u32 $0xFFFFFFF0, v57  }
0xe3: {  	v3 =	vor.u32 v3, v4  }
0xe4: {  	v4 =	vperm.xlane v3, v0;
	_ =	sdelay $0x1  }
0xe5: {  	v3 =	vperm.xlane v3, v2;
	v4 =	vadd.s32 v1, v4;
	_ =	sdelay $0x1  }
0xe6: {  	v3 =	vadd.s32 v1, v3;
	_ =	sdelay $0x1  }
0xe7: {  	s21 =	simm.s32 $0x1400  }
0xe8: {  	[tilespmem:s21], [sflag:$0x1] =	stream.indirect_vreg.gather [hbm4b:s3+s2], $0x80, v4, vm0, $0xb8;
	[tilespmem:$0x10400] =	vst v63  }
0xe9: {  	s21 =	simm.s32 $0x1C00  }
0xea: {  	[tilespmem:s21], [sflag:$0x1] =	stream.indirect_vreg.gather [hbm4b:s3+s2], $0x80, v3, vm0, $0xb8;
	[tilespmem:$0x10400] =	vst v63  }
0xeb: {  	v3 =	vld [tilespmem:s19+$0x60];
	_ =	sdelay $0x4  }
0xec: {  	v58 =	vshll.u32 v3, $0x1  }
0xed: {  	v3 =	vand.u32 $0x7, v3;
	v4 =	vand.u32 $0xFFFFFFF0, v58  }
0xee: {  	v3 =	vor.u32 v3, v4  }
0xef: {  	v4 =	vperm.xlane v3, v0;
	_ =	sdelay $0x1  }
0xf0: {  	v3 =	vperm.xlane v3, v2;
	v4 =	vadd.s32 v1, v4;
	_ =	sdelay $0x1  }
0xf1: {  	v3 =	vadd.s32 v1, v3;
	_ =	sdelay $0x1  }
0xf2: {  	s21 =	simm.s32 $0x2400  }
0xf3: {  	[tilespmem:s21], [sflag:$0x1] =	stream.indirect_vreg.gather [hbm4b:s3+s2], $0x80, v4, vm0, $0xb8;
	[tilespmem:$0x10400] =	vst v63  }
0xf4: {  	s21 =	simm.s32 $0x2C00  }
0xf5: {  	[tilespmem:s21], [sflag:$0x1] =	stream.indirect_vreg.gather [hbm4b:s3+s2], $0x80, v3, vm0, $0xb8;
	[tilespmem:$0x10400] =	vst v63  }
0xf6: {  	v3 =	vld [tilespmem:s19+$0x70];
	_ =	sdelay $0x4  }
0xf7: {  	v59 =	vshll.u32 v3, $0x1  }
0xf8: {  	v3 =	vand.u32 $0x7, v3;
	v4 =	vand.u32 $0xFFFFFFF0, v59  }
0xf9: {  	v3 =	vor.u32 v3, v4  }
0xfa: {  	v4 =	vperm.xlane v3, v0;
	_ =	sdelay $0x1  }
0xfb: {  	v3 =	vperm.xlane v3, v2;
	v4 =	vadd.s32 v1, v4;
	_ =	sdelay $0x1  }
0xfc: {  	v3 =	vadd.s32 v1, v3;
	_ =	sdelay $0x1  }
0xfd: {  	s21 =	simm.s32 $0x3400  }
0xfe: {  	[tilespmem:s21], [sflag:$0x1] =	stream.indirect_vreg.gather [hbm4b:s3+s2], $0x80, v4, vm0, $0xb8;
	[tilespmem:$0x10400] =	vst v63  }
0xff: {  	s21 =	simm.s32 $0x3C00  }
0x100: {  	[tilespmem:s21], [sflag:$0x1] =	stream.indirect_vreg.gather [hbm4b:s3+s2], $0x80, v3, vm0, $0xb8;
	[tilespmem:$0x10400] =	vst v63  }
0x101: {  	v3 =	vld [tilespmem:s19+$0x80];
	_ =	sdelay $0x4  }
0x102: {  	v60 =	vshll.u32 v3, $0x1  }
0x103: {  	v3 =	vand.u32 $0x7, v3;
	v4 =	vand.u32 $0xFFFFFFF0, v60  }
0x104: {  	v3 =	vor.u32 v3, v4  }
0x105: {  	v4 =	vperm.xlane v3, v0;
	_ =	sdelay $0x1  }
0x106: {  	v3 =	vperm.xlane v3, v2;
	v4 =	vadd.s32 v1, v4;
	_ =	sdelay $0x1  }
0x107: {  	v3 =	vadd.s32 v1, v3;
	_ =	sdelay $0x1  }
0x108: {  	s21 =	simm.s32 $0x4400  }
0x109: {  	[tilespmem:s21], [sflag:$0x1] =	stream.indirect_vreg.gather [hbm4b:s3+s2], $0x80, v4, vm0, $0xb8;
	[tilespmem:$0x10400] =	vst v63  }
0x10a: {  	s21 =	simm.s32 $0x4C00  }
0x10b: {  	[tilespmem:s21], [sflag:$0x1] =	stream.indirect_vreg.gather [hbm4b:s3+s2], $0x80, v3, vm0, $0xb8;
	[tilespmem:$0x10400] =	vst v63  }
0x10c: {  	v3 =	vld [tilespmem:s19+$0x90];
	_ =	sdelay $0x4  }
0x10d: {  	v61 =	vshll.u32 v3, $0x1  }
0x10e: {  	v3 =	vand.u32 $0x7, v3;
	v4 =	vand.u32 $0xFFFFFFF0, v61  }
0x10f: {  	v3 =	vor.u32 v3, v4  }
0x110: {  	v4 =	vperm.xlane v3, v0;
	_ =	sdelay $0x1  }
0x111: {  	v3 =	vperm.xlane v3, v2;
	v4 =	vadd.s32 v1, v4;
	_ =	sdelay $0x1  }
0x112: {  	v3 =	vadd.s32 v1, v3;
	_ =	sdelay $0x1  }
0x113: {  	s21 =	simm.s32 $0x5400  }
0x114: {  	[tilespmem:s21], [sflag:$0x1] =	stream.indirect_vreg.gather [hbm4b:s3+s2], $0x80, v4, vm0, $0xb8;
	[tilespmem:$0x10400] =	vst v63  }
0x115: {  	s21 =	simm.s32 $0x5C00  }
0x116: {  	[tilespmem:s21], [sflag:$0x1] =	stream.indirect_vreg.gather [hbm4b:s3+s2], $0x80, v3, vm0, $0xb8;
	[tilespmem:$0x10400] =	vst v63  }
0x117: {  	v3 =	vld [tilespmem:s19+$0xA0];
	_ =	sdelay $0x4  }
0x118: {  	v62 =	vshll.u32 v3, $0x1  }
0x119: {  	v3 =	vand.u32 $0x7, v3;
	v4 =	vand.u32 $0xFFFFFFF0, v62  }
0x11a: {  	v3 =	vor.u32 v3, v4  }
0x11b: {  	v4 =	vperm.xlane v3, v0;
	_ =	sdelay $0x1  }
0x11c: {  	v3 =	vperm.xlane v3, v2;
	v4 =	vadd.s32 v1, v4;
	_ =	sdelay $0x1  }
0x11d: {  	v3 =	vadd.s32 v1, v3;
	_ =	sdelay $0x2  }
0x11e: {  	[tilespmem:s22], [sflag:$0x1] =	stream.indirect_vreg.gather [hbm4b:s3+s2], $0x80, v4, vm0, $0xb8;
	[tilespmem:$0x10400] =	vst v63  }
0x11f: {  	_ = 	snop  }
0x120: {  	[tilespmem:s23], [sflag:$0x1] =	stream.indirect_vreg.gather [hbm4b:s3+s2], $0x80, v3, vm0, $0xb8;
	[tilespmem:$0x10400] =	vst v63  }
0x121: {  	v3 =	vld [tilespmem:s19+$0xB0];
	_ =	sdelay $0x4  }
0x122: {  	v63 =	vshll.u32 v3, $0x1  }
0x123: {  	v3 =	vand.u32 $0x7, v3;
	v4 =	vand.u32 $0xFFFFFFF0, v63  }
0x124: {  	v3 =	vor.u32 v3, v4  }
0x125: {  	v4 =	vperm.xlane v3, v0;
	_ =	sdelay $0x1  }
0x126: {  	v3 =	vperm.xlane v3, v2;
	v4 =	vadd.s32 v1, v4;
	_ =	sdelay $0x1  }
0x127: {  	v3 =	vadd.s32 v1, v3  }
.Ltmp5:
0x128: {  	_ = 	snop;
	(pc) =	sbr.rel .LBB2_4-.Ltmp5, $4  }
0x129: {  	_ = 	snop  }
0x12a: {  	[tilespmem:s24], [sflag:$0x1] =	stream.indirect_vreg.gather [hbm4b:s3+s2], $0x80, v4, vm0, $0xb8;
	[tilespmem:$0x10400] =	vst v63  }
0x12b: {  	_ = 	snop  }
0x12c: {  	[tilespmem:s25], [sflag:$0x1] =	stream.indirect_vreg.gather [hbm4b:s3+s2], $0x80, v3, vm0, $0xb8;
	[tilespmem:$0x10400] =	vst v63  }
.LBB2_6:
0x12d: {  	_ =	sfence.sel $0x180000  }
0x12e: {  	[bflag:$0x0] =	sbarrier.arrive $0xFFFF  }
0x12f: {  	_ =	strace $0x90000050  }
0x130: {  	s0 =	stileid.u32;
	[bflag:$0x2] =	sbarrier.arrive $0xFFFF  }
0x131: {  	p0 =	sne.s32 s0, $0x0;
	s0 =	rddreg [dreg:$0x1]  }
0x132: {  	s0 =	sadd.s32 @!p0 $0x100000, s0  }
0x133: {  	[sflag:s0] =	ssyncadd.tile.s32 @!p0 $0x1;
	_ =	shalt  }
.Lfunc_end2:
_tile_overlayer_lowered:
.L_overlay_start_2:
0x134: {  	(tag) =	ssettag $0x2  }
0x135: {  	s0 =	rddreg [dreg:$0x0];
	s2 =	stileid.u32  }
0x136: {  	s1 =	rddreg [dreg:$0x1];
	p0 =	sne.s32 s2, $0x0  }
0x137: {  	s3 =	rddreg [dreg:$0x2];
	[bflag:$0x3] =	sbarrier.arrive $0xFFFF;
	s2 =	simm.s32 @!p0 $0x1C03  }
0x138: {  	[timem:s3], [sflag:s2] =	dma.local @!p0 [hbm:s0], s1  }
0x139: {  	s0 =	simm.s32 @!p0 $0x3  }
0x13a: {  	_ =	swait.ge @!p0 [sflag:s0], s1  }
0x13b: {  	s1 =	ssub.s32 @!p0 $0x0, s1;
	[sflag:s0] =	ssyncset.done @!p0 $0x0  }
0x13c: {  	[sflag:s0] =	ssyncadd.s32 @!p0 s1  }
0x13d: {  	[bflag:$0x3] =	sbarrier.arrive $0xFFFF  }
0x13e: {  	_ =	shalt  }

</sc_bundles>
